<compile_context>
chip_gen: v7x
topology: tpu7x:2x2x1
jax: 0.10.2.dev20260603
libtpu: 0.0.44.dev20260713+nightly
codegen_flags: <defaults>
</compile_context>

<pallas_src>
import functools

import jax
import jax.numpy as jnp
from jax import lax
from jax.experimental import pallas as pl
from jax.experimental.pallas import tpu as pltpu
from jax.experimental.pallas import tpu_sc as plsc

NC, NS = 2, 16
NW = NC * NS
D = 32
L = 16

B = 16384
H = 200

BSUB = 64
HSUB = 10
ROWS = BSUB * HSUB
GBLK = 128
NG = (ROWS + GBLK - 1) // GBLK


def _sc_gather_t(table, idxT):
    b_per_w = B // NW
    n_bsub = b_per_w // BSUB
    n_hsub = H // HSUB

    mesh = plsc.VectorSubcoreMesh(
        core_axis_name="c", subcore_axis_name="s",
        num_cores=NC, num_subcores=NS)

    @functools.partial(
        pl.kernel,
        out_type=jax.ShapeDtypeStruct((H, D // 8, B // 128, 8, 128), jnp.float32),
        mesh=mesh,
        scratch_types=[
            pltpu.VMEM((2, HSUB, BSUB), jnp.int32),
            pltpu.VMEM((2, NG, GBLK), jnp.int32),
            pltpu.VMEM((2, NG * GBLK, D), jnp.float32),
            pltpu.VMEM((2, HSUB, D // 8, 1, 8, BSUB + 1), jnp.float32),
            pltpu.SemaphoreType.DMA((2,)),
            pltpu.SemaphoreType.DMA((2,)),
            pltpu.SemaphoreType.DMA((2,)),
        ],
        compiler_params=pltpu.CompilerParams(
            use_tc_tiling_on_sc=False, needs_layout_passes=False),
    )
    def k(table_hbm, idx_hbm, out_hbm, idx_v, gl_v, rows_v, tr_v,
          sem_i, sem_g, sem_o):
        wid = lax.axis_index("s") * NC + lax.axis_index("c")
        b_base = wid * b_per_w
        iota = lax.broadcasted_iota(jnp.int32, (L,), 0)

        def idx_copy(s, buf):
            h0 = (s % n_hsub) * HSUB
            b0 = b_base + (s // n_hsub) * BSUB
            return pltpu.make_async_copy(
                idx_hbm.at[pl.ds(h0, HSUB), pl.ds(b0, BSUB)],
                idx_v.at[buf], sem_i.at[buf])

        def out_copy(s, buf):
            h0 = (s % n_hsub) * HSUB
            b0 = b_base + (s // n_hsub) * BSUB
            return pltpu.make_async_copy(
                tr_v.at[buf, :, :, :, :, pl.ds(0, BSUB)],
                out_hbm.at[pl.ds(h0, HSUB), :, pl.ds(b0 // 128, 1), :,
                           pl.ds(b0 % 128, BSUB)],
                sem_o.at[buf])

        n_sub = n_bsub * n_hsub

        for buf in range(2):
            idx_copy(buf, buf).start()

        def step2(i2, carry):
            for buf in range(2):
                s = i2 * 2 + buf
                idx_copy(s, buf).wait()
                for hh in range(HSUB):
                    for half in range(BSUB // L):
                        v = idx_v[buf, hh, pl.ds(half * L, L)]
                        q = hh * (BSUB // L) + half
                        gl_v[buf, q // 8, pl.ds((q % 8) * L, L)] = v
                vpad = idx_v[buf, 0, pl.ds(0, L)]
                for q in range(ROWS // L, NG * GBLK // L):
                    gl_v[buf, q // 8, pl.ds((q % 8) * L, L)] = vpad
                gathers = [
                    pltpu.async_copy(
                        table_hbm.at[gl_v.at[buf, g]],
                        rows_v.at[buf, pl.ds(g * GBLK, GBLK), :],
                        sem_g.at[buf])
                    for g in range(NG)
                ]
                for gcp in gathers:
                    gcp.wait()
                @pl.when(s >= 2)
                def _():
                    out_copy(s - 2, buf).wait()

                zeros16 = jnp.zeros((L,), jnp.int32)
                i8a = iota // 8
                i8b = i8a + 2
                m8 = lax.rem(iota, jnp.full((L,), 8, jnp.int32))

                @plsc.parallel_loop(0, ROWS, unroll=8)
                def _(r):
                    hh = r // BSUB
                    bb = r % BSUB
                    bsplat = jnp.full((L,), bb, jnp.int32)
                    v0 = rows_v[buf, r, pl.ds(0, L)]
                    v1 = rows_v[buf, r, pl.ds(L, L)]
                    sub = tr_v.at[buf, hh]
                    plsc.store_scatter(sub, [i8a, zeros16, m8, bsplat], v0)
                    plsc.store_scatter(sub, [i8b, zeros16, m8, bsplat], v1)
                out_copy(s, buf).start()
                @pl.when(s + 2 < n_sub)
                def _():
                    idx_copy(s + 2, buf).start()
            return carry

        lax.fori_loop(0, n_sub // 2, step2, 0)
        for buf in range(2):
            out_copy(n_sub - 2 + buf, buf).wait()

    return k(table, idxT)


def kernel(idx, W_train, W_frozen):
    table = jnp.concatenate([W_train, W_frozen], axis=0)
    out5 = _sc_gather_t(table, idx.T)
    out = jnp.transpose(out5, (2, 4, 0, 1, 3))
    return out.reshape(B, H, D)

# --- scband reference (transcript-rebuilt; emitter-appended) ---
"""Pipeline reference for scband-double-embedding-1640677507091 (READ-ONLY COPY).

The authoritative reference and input builder live on the scoring server;
editing this copy changes nothing except your own understanding.
"""

import jax, jax.numpy as jnp
import numpy as np

N_TRAINABLE = 100000
N_FROZEN = 900000
EMBED_DIM = 32
BATCH = 16384
HIST = 200


def setup_inputs(seed: int = 0) -> dict:
    key = jax.random.key(seed)
    k1, k2, k3 = jax.random.split(key, 3)
    idx = jax.random.randint(k1, (BATCH, HIST), 0, N_TRAINABLE + N_FROZEN)
    W_train = jax.random.normal(k2, (N_TRAINABLE, EMBED_DIM), dtype=jnp.float32)
    W_frozen = jax.random.normal(k3, (N_FROZEN, EMBED_DIM), dtype=jnp.float32)
    return {"idx": idx, "W_train": W_train, "W_frozen": W_frozen}


def reference(idx, W_train, W_frozen):
    # Faithful translation of DoubleEmbedding.forward:
    # indices < n_trainable hit the trainable table; the rest hit the frozen
    # table at offset (idx - n_trainable).
    n_trainable = W_train.shape[0]
    mask = idx < n_trainable
    idx_t = jnp.where(mask, idx, 0)
    idx_f = jnp.where(mask, 0, idx - n_trainable)
    e_t = jnp.take(W_train, idx_t, axis=0)
    e_f = jnp.take(W_frozen, idx_f, axis=0)
    e = jnp.where(mask[..., None], e_t, e_f)
    return e

if __name__ == "__main__":
    import jax
    _d = setup_inputs()
    print(jax.jit(kernel)(*tuple(_d.values())))

</pallas_src>

<mosaic_0001>
#map = affine_map<(d0, d1) -> (0, 0)>
#map1 = affine_map<(d0, d1) -> (0, 0, 0, 0, 0)>
module attributes {stable_mosaic.version = 14 : i64} {
  func.func @k(%arg0: i32, %arg1: i32, %arg2: memref<1000000x32xf32, #tpu.memory_space<hbm>>, %arg3: memref<200x16384xi32, #tpu.memory_space<hbm>>, %arg4: memref<200x4x128x8x128xf32, #tpu.memory_space<hbm>>, %arg5: memref<2x10x64xi32, #tpu.memory_space<vmem>>, %arg6: memref<2x5x128xi32, #tpu.memory_space<vmem>>, %arg7: memref<2x640x32xf32, #tpu.memory_space<vmem>>, %arg8: memref<2x10x4x1x8x65xf32, #tpu.memory_space<vmem>>, %arg9: memref<2x!tpu.dma_semaphore, #tpu.memory_space<semaphore_mem>>, %arg10: memref<2x!tpu.dma_semaphore, #tpu.memory_space<semaphore_mem>>, %arg11: memref<2x!tpu.dma_semaphore, #tpu.memory_space<semaphore_mem>>) attributes {dimension_semantics = [#tpu.dimension_semantics<core_parallel>, #tpu.dimension_semantics<subcore_parallel>], iteration_bounds = array<i64: 2, 16>, scalar_prefetch = 0 : i64, scratch_operands = 7 : i64, tpu.core_type = #tpu.core_type<sc_vector_subcore>, window_params = [{transform_indices = #map}, {transform_indices = #map}, {transform_indices = #map1}]} {
    %mul3A = arith.constant 2 : i32
    %mul3A_0 = arith.muli %arg1, %mul3A : i32
    %add3A = arith.addi %mul3A_0, %arg0 : i32
    %mul3A_1 = arith.constant 512 : i32
    %mul3A_2 = arith.muli %add3A, %mul3A_1 : i32
    %iota3A = tpu.iota {dimensions = array<i32: 0>} : vector<16xi32>
    %add3A_3 = arith.constant 0 : i32
    %add3A_4 = arith.addi %mul3A_2, %add3A_3 : i32
    %dma_start3A = arith.constant 0 : i32
    %dma_start3A_5 = arith.constant 0 : i32
    %dma_start3A_6 = arith.constant 0 : i32
    %dma_start3A_7 = arith.constant 0 : i32
    %dma_start3A_8 = tpu.memref_slice %arg5[%dma_start3A, %dma_start3A_6, %dma_start3A_7] : memref<2x10x64xi32, #tpu.memory_space<vmem>> -> memref<1x10x64xi32, #tpu.memory_space<vmem>>
    %dma_start3A_9 = tpu.memref_squeeze %dma_start3A_8 : memref<1x10x64xi32, #tpu.memory_space<vmem>> -> memref<10x64xi32, #tpu.memory_space<vmem>>
    %dma_start3A_10 = arith.constant 0 : i32
    %dma_start3A_11 = tpu.memref_slice %arg3[%dma_start3A_10, %add3A_4] : memref<200x16384xi32, #tpu.memory_space<hbm>> -> memref<10x64xi32, #tpu.memory_space<hbm>>
    %dma_start3A_12 = tpu.memref_slice %arg9[%dma_start3A_5] : memref<2x!tpu.dma_semaphore, #tpu.memory_space<semaphore_mem>> -> memref<1x!tpu.dma_semaphore, #tpu.memory_space<semaphore_mem>>
    %dma_start3A_13 = tpu.memref_squeeze %dma_start3A_12 : memref<1x!tpu.dma_semaphore, #tpu.memory_space<semaphore_mem>> -> memref<!tpu.dma_semaphore, #tpu.memory_space<semaphore_mem>>
    %dma_start3A_14 = arith.constant 0 : i32
    %dma_start3A_15 = arith.constant 0 : i32
    %dma_start3A_16 = tpu.memref_slice %arg5[%dma_start3A, %dma_start3A_14, %dma_start3A_15] : memref<2x10x64xi32, #tpu.memory_space<vmem>> -> memref<1x10x64xi32, #tpu.memory_space<vmem>>
    %dma_start3A_17 = tpu.memref_squeeze %dma_start3A_16 : memref<1x10x64xi32, #tpu.memory_space<vmem>> -> memref<10x64xi32, #tpu.memory_space<vmem>>
    %dma_start3A_18 = arith.constant 0 : i32
    %dma_start3A_19 = tpu.memref_slice %arg3[%dma_start3A_18, %add3A_4] : memref<200x16384xi32, #tpu.memory_space<hbm>> -> memref<10x64xi32, #tpu.memory_space<hbm>>
    tpu.enqueue_dma source(%dma_start3A_19 : memref<10x64xi32, #tpu.memory_space<hbm>>) target(%dma_start3A_17 : memref<10x64xi32, #tpu.memory_space<vmem>>) target_semaphore(%dma_start3A_13 : memref<!tpu.dma_semaphore, #tpu.memory_space<semaphore_mem>>)
    %add3A_20 = arith.constant 0 : i32
    %add3A_21 = arith.addi %mul3A_2, %add3A_20 : i32
    %dma_start3A_22 = arith.constant 1 : i32
    %dma_start3A_23 = arith.constant 1 : i32
    %dma_start3A_24 = arith.constant 0 : i32
    %dma_start3A_25 = arith.constant 0 : i32
    %dma_start3A_26 = tpu.memref_slice %arg5[%dma_start3A_22, %dma_start3A_24, %dma_start3A_25] : memref<2x10x64xi32, #tpu.memory_space<vmem>> -> memref<1x10x64xi32, #tpu.memory_space<vmem>>
    %dma_start3A_27 = tpu.memref_squeeze %dma_start3A_26 : memref<1x10x64xi32, #tpu.memory_space<vmem>> -> memref<10x64xi32, #tpu.memory_space<vmem>>
    %dma_start3A_28 = arith.constant 10 : i32
    %dma_start3A_29 = tpu.memref_slice %arg3[%dma_start3A_28, %add3A_21] : memref<200x16384xi32, #tpu.memory_space<hbm>> -> memref<10x64xi32, #tpu.memory_space<hbm>>
    %dma_start3A_30 = tpu.memref_slice %arg9[%dma_start3A_23] : memref<2x!tpu.dma_semaphore, #tpu.memory_space<semaphore_mem>> -> memref<1x!tpu.dma_semaphore, #tpu.memory_space<semaphore_mem>>
    %dma_start3A_31 = tpu.memref_squeeze %dma_start3A_30 : memref<1x!tpu.dma_semaphore, #tpu.memory_space<semaphore_mem>> -> memref<!tpu.dma_semaphore, #tpu.memory_space<semaphore_mem>>
    %dma_start3A_32 = arith.constant 0 : i32
    %dma_start3A_33 = arith.constant 0 : i32
    %dma_start3A_34 = tpu.memref_slice %arg5[%dma_start3A_22, %dma_start3A_32, %dma_start3A_33] : memref<2x10x64xi32, #tpu.memory_space<vmem>> -> memref<1x10x64xi32, #tpu.memory_space<vmem>>
    %dma_start3A_35 = tpu.memref_squeeze %dma_start3A_34 : memref<1x10x64xi32, #tpu.memory_space<vmem>> -> memref<10x64xi32, #tpu.memory_space<vmem>>
    %dma_start3A_36 = arith.constant 10 : i32
    %dma_start3A_37 = tpu.memref_slice %arg3[%dma_start3A_36, %add3A_21] : memref<200x16384xi32, #tpu.memory_space<hbm>> -> memref<10x64xi32, #tpu.memory_space<hbm>>
    tpu.enqueue_dma source(%dma_start3A_37 : memref<10x64xi32, #tpu.memory_space<hbm>>) target(%dma_start3A_35 : memref<10x64xi32, #tpu.memory_space<vmem>>) target_semaphore(%dma_start3A_31 : memref<!tpu.dma_semaphore, #tpu.memory_space<semaphore_mem>>)
    %scan3A = arith.constant 0 : i32
    %scan3A_38 = arith.constant 0 : i32
    %scan3A_39 = arith.constant 80 : i32
    %scan3A_40 = arith.addi %scan3A_38, %scan3A_39 : i32
    %scan3A_41 = arith.constant 1 : i32
    scf.for %scan3A_168 = %scan3A_38 to %scan3A_40 step %scan3A_41  : i32 {
      %mul3A_169 = arith.constant 2 : i32
      %mul3A_170 = arith.muli %scan3A_168, %mul3A_169 : i32
      %add3A_171 = arith.constant 0 : i32
      %add3A_172 = arith.addi %mul3A_170, %add3A_171 : i32
      %jit3A_173 = arith.constant 20 : i32
      %eq3A_174 = arith.constant 0 : i32
      %eq3A_175 = arith.cmpi eq, %jit3A_173, %eq3A_174 : i32
      %jit3A_176 = arith.constant 1 : i32
      %select_n3A_177 = arith.select %eq3A_175, %jit3A_176, %jit3A_173 : i32
      %rem3A_178 = arith.remsi %add3A_172, %select_n3A_177 : i32
      %ne3A_179 = arith.constant 0 : i32
      %ne3A_180 = arith.cmpi ne, %rem3A_178, %ne3A_179 : i32
      %lt3A_181 = arith.constant 0 : i32
      %lt3A_182 = arith.cmpi slt, %rem3A_178, %lt3A_181 : i32
      %lt3A_183 = arith.constant 0 : i32
      %lt3A_184 = arith.cmpi slt, %select_n3A_177, %lt3A_183 : i32
      %ne3A_185 = arith.xori %lt3A_182, %lt3A_184 : i1
      %and3A_186 = arith.andi %ne3A_185, %ne3A_180 : i1
      %add3A_187 = arith.addi %rem3A_178, %select_n3A_177 : i32
      %select_n3A_188 = arith.select %and3A_186, %add3A_187, %rem3A_178 : i32
      %mul3A_189 = arith.constant 10 : i32
      %mul3A_190 = arith.muli %select_n3A_188, %mul3A_189 : i32
      %jit3A_191 = arith.constant 20 : i32
      %div3A_192 = arith.divsi %add3A_172, %jit3A_191 : i32
      %sign3A_193 = arith.constant 0 : i32
      %sign3A_194 = arith.cmpi sgt, %add3A_172, %sign3A_193 : i32
      %sign3A_195 = arith.extui %sign3A_194 : i1 to i32
      %sign3A_196 = arith.constant 0 : i32
      %sign3A_197 = arith.cmpi slt, %add3A_172, %sign3A_196 : i32
      %sign3A_198 = arith.extui %sign3A_197 : i1 to i32
      %sign3A_199 = arith.subi %sign3A_195, %sign3A_198 : i32
      %sign3A_200 = arith.constant 0 : i32
      %sign3A_201 = arith.cmpi sgt, %jit3A_191, %sign3A_200 : i32
      %sign3A_202 = arith.extui %sign3A_201 : i1 to i32
      %sign3A_203 = arith.constant 0 : i32
      %sign3A_204 = arith.cmpi slt, %jit3A_191, %sign3A_203 : i32
      %sign3A_205 = arith.extui %sign3A_204 : i1 to i32
      %sign3A_206 = arith.subi %sign3A_202, %sign3A_205 : i32
      %ne3A_207 = arith.cmpi ne, %sign3A_199, %sign3A_206 : i32
      %rem3A_208 = arith.remsi %add3A_172, %jit3A_191 : i32
      %ne3A_209 = arith.constant 0 : i32
      %ne3A_210 = arith.cmpi ne, %rem3A_208, %ne3A_209 : i32
      %and3A_211 = arith.andi %ne3A_207, %ne3A_210 : i1
      %sub3A_212 = arith.constant 1 : i32
      %sub3A_213 = arith.subi %div3A_192, %sub3A_212 : i32
      %select_n3A_214 = arith.select %and3A_211, %sub3A_213, %div3A_192 : i32
      %mul3A_215 = arith.constant 64 : i32
      %mul3A_216 = arith.muli %select_n3A_214, %mul3A_215 : i32
      %add3A_217 = arith.addi %mul3A_2, %mul3A_216 : i32
      %dma_wait3A_218 = arith.constant 0 : i32
      %dma_wait3A_219 = arith.constant 0 : i32
      %dma_wait3A_220 = arith.constant 0 : i32
      %dma_wait3A_221 = arith.constant 0 : i32
      %dma_wait3A_222 = tpu.memref_slice %arg5[%dma_wait3A_218, %dma_wait3A_220, %dma_wait3A_221] : memref<2x10x64xi32, #tpu.memory_space<vmem>> -> memref<1x10x64xi32, #tpu.memory_space<vmem>>
      %dma_wait3A_223 = tpu.memref_squeeze %dma_wait3A_222 : memref<1x10x64xi32, #tpu.memory_space<vmem>> -> memref<10x64xi32, #tpu.memory_space<vmem>>
      %dma_wait3A_224 = tpu.memref_slice %arg3[%mul3A_190, %add3A_217] : memref<200x16384xi32, #tpu.memory_space<hbm>> -> memref<10x64xi32, #tpu.memory_space<hbm>>
      %dma_wait3A_225 = tpu.memref_slice %arg9[%dma_wait3A_219] : memref<2x!tpu.dma_semaphore, #tpu.memory_space<semaphore_mem>> -> memref<1x!tpu.dma_semaphore, #tpu.memory_space<semaphore_mem>>
      %dma_wait3A_226 = tpu.memref_squeeze %dma_wait3A_225 : memref<1x!tpu.dma_semaphore, #tpu.memory_space<semaphore_mem>> -> memref<!tpu.dma_semaphore, #tpu.memory_space<semaphore_mem>>
      %dma_wait3A_227 = arith.constant 0 : i32
      %dma_wait3A_228 = arith.constant 0 : i32
      %dma_wait3A_229 = tpu.memref_slice %arg5[%dma_wait3A_218, %dma_wait3A_227, %dma_wait3A_228] : memref<2x10x64xi32, #tpu.memory_space<vmem>> -> memref<1x10x64xi32, #tpu.memory_space<vmem>>
      %dma_wait3A_230 = tpu.memref_squeeze %dma_wait3A_229 : memref<1x10x64xi32, #tpu.memory_space<vmem>> -> memref<10x64xi32, #tpu.memory_space<vmem>>
      %dma_wait3A_231 = tpu.memref_slice %arg3[%mul3A_190, %add3A_217] : memref<200x16384xi32, #tpu.memory_space<hbm>> -> memref<10x64xi32, #tpu.memory_space<hbm>>
      tpu.wait_dma2 semaphore(%dma_wait3A_226 : memref<!tpu.dma_semaphore, #tpu.memory_space<semaphore_mem>>) src(%dma_wait3A_231 : memref<10x64xi32, #tpu.memory_space<hbm>>) dst(%dma_wait3A_230 : memref<10x64xi32, #tpu.memory_space<vmem>>)
      %get3A = arith.constant 0 : i32
      %get3A_232 = arith.constant 0 : i32
      %get3A_233 = arith.index_cast %get3A : i32 to index
      %get3A_234 = arith.index_cast %get3A_232 : i32 to index
      %get3A_235 = arith.constant 0 : index
      %get3A_236 = tpu.vector_load %arg5[%get3A_233, %get3A_234, %get3A_235] {strides = array<i32>} : memref<2x10x64xi32, #tpu.memory_space<vmem>>, vector<16xi32>,
      %swap3A = arith.constant 0 : i32
      %swap3A_237 = arith.constant 0 : i32
      %swap3A_238 = arith.index_cast %swap3A : i32 to index
      %swap3A_239 = arith.index_cast %swap3A_237 : i32 to index
      %swap3A_240 = arith.constant 0 : index
      %swap3A_241 = tpu.vector_load %arg6[%swap3A_238, %swap3A_239, %swap3A_240] {strides = array<i32>} : memref<2x5x128xi32, #tpu.memory_space<vmem>>, vector<16xi32>,
      tpu.vector_store %arg6[%swap3A_238, %swap3A_239, %swap3A_240], %get3A_236 {strides = array<i32>} : memref<2x5x128xi32, #tpu.memory_space<vmem>>, vector<16xi32>,
      %get3A_242 = arith.constant 0 : i32
      %get3A_243 = arith.constant 0 : i32
      %get3A_244 = arith.index_cast %get3A_242 : i32 to index
      %get3A_245 = arith.index_cast %get3A_243 : i32 to index
      %get3A_246 = arith.constant 16 : index
      %get3A_247 = tpu.vector_load %arg5[%get3A_244, %get3A_245, %get3A_246] {strides = array<i32>} : memref<2x10x64xi32, #tpu.memory_space<vmem>>, vector<16xi32>,
      %swap3A_248 = arith.constant 0 : i32
      %swap3A_249 = arith.constant 0 : i32
      %swap3A_250 = arith.index_cast %swap3A_248 : i32 to index
      %swap3A_251 = arith.index_cast %swap3A_249 : i32 to index
      %swap3A_252 = arith.constant 16 : index
      %swap3A_253 = tpu.vector_load %arg6[%swap3A_250, %swap3A_251, %swap3A_252] {strides = array<i32>} : memref<2x5x128xi32, #tpu.memory_space<vmem>>, vector<16xi32>,
      tpu.vector_store %arg6[%swap3A_250, %swap3A_251, %swap3A_252], %get3A_247 {strides = array<i32>} : memref<2x5x128xi32, #tpu.memory_space<vmem>>, vector<16xi32>,
      %get3A_254 = arith.constant 0 : i32
      %get3A_255 = arith.constant 0 : i32
      %get3A_256 = arith.index_cast %get3A_254 : i32 to index
      %get3A_257 = arith.index_cast %get3A_255 : i32 to index
      %get3A_258 = arith.constant 32 : index
      %get3A_259 = tpu.vector_load %arg5[%get3A_256, %get3A_257, %get3A_258] {strides = array<i32>} : memref<2x10x64xi32, #tpu.memory_space<vmem>>, vector<16xi32>,
      %swap3A_260 = arith.constant 0 : i32
      %swap3A_261 = arith.constant 0 : i32
      %swap3A_262 = arith.index_cast %swap3A_260 : i32 to index
      %swap3A_263 = arith.index_cast %swap3A_261 : i32 to index
      %swap3A_264 = arith.constant 32 : index
      %swap3A_265 = tpu.vector_load %arg6[%swap3A_262, %swap3A_263, %swap3A_264] {strides = array<i32>} : memref<2x5x128xi32, #tpu.memory_space<vmem>>, vector<16xi32>,
      tpu.vector_store %arg6[%swap3A_262, %swap3A_263, %swap3A_264], %get3A_259 {strides = array<i32>} : memref<2x5x128xi32, #tpu.memory_space<vmem>>, vector<16xi32>,
      %get3A_266 = arith.constant 0 : i32
      %get3A_267 = arith.constant 0 : i32
      %get3A_268 = arith.index_cast %get3A_266 : i32 to index
      %get3A_269 = arith.index_cast %get3A_267 : i32 to index
      %get3A_270 = arith.constant 48 : index
      %get3A_271 = tpu.vector_load %arg5[%get3A_268, %get3A_269, %get3A_270] {strides = array<i32>} : memref<2x10x64xi32, #tpu.memory_space<vmem>>, vector<16xi32>,
      %swap3A_272 = arith.constant 0 : i32
      %swap3A_273 = arith.constant 0 : i32
      %swap3A_274 = arith.index_cast %swap3A_272 : i32 to index
      %swap3A_275 = arith.index_cast %swap3A_273 : i32 to index
      %swap3A_276 = arith.constant 48 : index
      %swap3A_277 = tpu.vector_load %arg6[%swap3A_274, %swap3A_275, %swap3A_276] {strides = array<i32>} : memref<2x5x128xi32, #tpu.memory_space<vmem>>, vector<16xi32>,
      tpu.vector_store %arg6[%swap3A_274, %swap3A_275, %swap3A_276], %get3A_271 {strides = array<i32>} : memref<2x5x128xi32, #tpu.memory_space<vmem>>, vector<16xi32>,
      %get3A_278 = arith.constant 0 : i32
      %get3A_279 = arith.constant 1 : i32
      %get3A_280 = arith.index_cast %get3A_278 : i32 to index
      %get3A_281 = arith.index_cast %get3A_279 : i32 to index
      %get3A_282 = arith.constant 0 : index
      %get3A_283 = tpu.vector_load %arg5[%get3A_280, %get3A_281, %get3A_282] {strides = array<i32>} : memref<2x10x64xi32, #tpu.memory_space<vmem>>, vector<16xi32>,
      %swap3A_284 = arith.constant 0 : i32
      %swap3A_285 = arith.constant 0 : i32
      %swap3A_286 = arith.index_cast %swap3A_284 : i32 to index
      %swap3A_287 = arith.index_cast %swap3A_285 : i32 to index
      %swap3A_288 = arith.constant 64 : index
      %swap3A_289 = tpu.vector_load %arg6[%swap3A_286, %swap3A_287, %swap3A_288] {strides = array<i32>} : memref<2x5x128xi32, #tpu.memory_space<vmem>>, vector<16xi32>,
      tpu.vector_store %arg6[%swap3A_286, %swap3A_287, %swap3A_288], %get3A_283 {strides = array<i32>} : memref<2x5x128xi32, #tpu.memory_space<vmem>>, vector<16xi32>,
      %get3A_290 = arith.constant 0 : i32
      %get3A_291 = arith.constant 1 : i32
      %get3A_292 = arith.index_cast %get3A_290 : i32 to index
      %get3A_293 = arith.index_cast %get3A_291 : i32 to index
      %get3A_294 = arith.constant 16 : index
      %get3A_295 = tpu.vector_load %arg5[%get3A_292, %get3A_293, %get3A_294] {strides = array<i32>} : memref<2x10x64xi32, #tpu.memory_space<vmem>>, vector<16xi32>,
      %swap3A_296 = arith.constant 0 : i32
      %swap3A_297 = arith.constant 0 : i32
      %swap3A_298 = arith.index_cast %swap3A_296 : i32 to index
      %swap3A_299 = arith.index_cast %swap3A_297 : i32 to index
      %swap3A_300 = arith.constant 80 : index
      %swap3A_301 = tpu.vector_load %arg6[%swap3A_298, %swap3A_299, %swap3A_300] {strides = array<i32>} : memref<2x5x128xi32, #tpu.memory_space<vmem>>, vector<16xi32>,
      tpu.vector_store %arg6[%swap3A_298, %swap3A_299, %swap3A_300], %get3A_295 {strides = array<i32>} : memref<2x5x128xi32, #tpu.memory_space<vmem>>, vector<16xi32>,
      %get3A_302 = arith.constant 0 : i32
      %get3A_303 = arith.constant 1 : i32
      %get3A_304 = arith.index_cast %get3A_302 : i32 to index
      %get3A_305 = arith.index_cast %get3A_303 : i32 to index
      %get3A_306 = arith.constant 32 : index
      %get3A_307 = tpu.vector_load %arg5[%get3A_304, %get3A_305, %get3A_306] {strides = array<i32>} : memref<2x10x64xi32, #tpu.memory_space<vmem>>, vector<16xi32>,
      %swap3A_308 = arith.constant 0 : i32
      %swap3A_309 = arith.constant 0 : i32
      %swap3A_310 = arith.index_cast %swap3A_308 : i32 to index
      %swap3A_311 = arith.index_cast %swap3A_309 : i32 to index
      %swap3A_312 = arith.constant 96 : index
      %swap3A_313 = tpu.vector_load %arg6[%swap3A_310, %swap3A_311, %swap3A_312] {strides = array<i32>} : memref<2x5x128xi32, #tpu.memory_space<vmem>>, vector<16xi32>,
      tpu.vector_store %arg6[%swap3A_310, %swap3A_311, %swap3A_312], %get3A_307 {strides = array<i32>} : memref<2x5x128xi32, #tpu.memory_space<vmem>>, vector<16xi32>,
      %get3A_314 = arith.constant 0 : i32
      %get3A_315 = arith.constant 1 : i32
      %get3A_316 = arith.index_cast %get3A_314 : i32 to index
      %get3A_317 = arith.index_cast %get3A_315 : i32 to index
      %get3A_318 = arith.constant 48 : index
      %get3A_319 = tpu.vector_load %arg5[%get3A_316, %get3A_317, %get3A_318] {strides = array<i32>} : memref<2x10x64xi32, #tpu.memory_space<vmem>>, vector<16xi32>,
      %swap3A_320 = arith.constant 0 : i32
      %swap3A_321 = arith.constant 0 : i32
      %swap3A_322 = arith.index_cast %swap3A_320 : i32 to index
      %swap3A_323 = arith.index_cast %swap3A_321 : i32 to index
      %swap3A_324 = arith.constant 112 : index
      %swap3A_325 = tpu.vector_load %arg6[%swap3A_322, %swap3A_323, %swap3A_324] {strides = array<i32>} : memref<2x5x128xi32, #tpu.memory_space<vmem>>, vector<16xi32>,
      tpu.vector_store %arg6[%swap3A_322, %swap3A_323, %swap3A_324], %get3A_319 {strides = array<i32>} : memref<2x5x128xi32, #tpu.memory_space<vmem>>, vector<16xi32>,
      %get3A_326 = arith.constant 0 : i32
      %get3A_327 = arith.constant 2 : i32
      %get3A_328 = arith.index_cast %get3A_326 : i32 to index
      %get3A_329 = arith.index_cast %get3A_327 : i32 to index
      %get3A_330 = arith.constant 0 : index
      %get3A_331 = tpu.vector_load %arg5[%get3A_328, %get3A_329, %get3A_330] {strides = array<i32>} : memref<2x10x64xi32, #tpu.memory_space<vmem>>, vector<16xi32>,
      %swap3A_332 = arith.constant 0 : i32
      %swap3A_333 = arith.constant 1 : i32
      %swap3A_334 = arith.index_cast %swap3A_332 : i32 to index
      %swap3A_335 = arith.index_cast %swap3A_333 : i32 to index
      %swap3A_336 = arith.constant 0 : index
      %swap3A_337 = tpu.vector_load %arg6[%swap3A_334, %swap3A_335, %swap3A_336] {strides = array<i32>} : memref<2x5x128xi32, #tpu.memory_space<vmem>>, vector<16xi32>,
      tpu.vector_store %arg6[%swap3A_334, %swap3A_335, %swap3A_336], %get3A_331 {strides = array<i32>} : memref<2x5x128xi32, #tpu.memory_space<vmem>>, vector<16xi32>,
      %get3A_338 = arith.constant 0 : i32
      %get3A_339 = arith.constant 2 : i32
      %get3A_340 = arith.index_cast %get3A_338 : i32 to index
      %get3A_341 = arith.index_cast %get3A_339 : i32 to index
      %get3A_342 = arith.constant 16 : index
      %get3A_343 = tpu.vector_load %arg5[%get3A_340, %get3A_341, %get3A_342] {strides = array<i32>} : memref<2x10x64xi32, #tpu.memory_space<vmem>>, vector<16xi32>,
      %swap3A_344 = arith.constant 0 : i32
      %swap3A_345 = arith.constant 1 : i32
      %swap3A_346 = arith.index_cast %swap3A_344 : i32 to index
      %swap3A_347 = arith.index_cast %swap3A_345 : i32 to index
      %swap3A_348 = arith.constant 16 : index
      %swap3A_349 = tpu.vector_load %arg6[%swap3A_346, %swap3A_347, %swap3A_348] {strides = array<i32>} : memref<2x5x128xi32, #tpu.memory_space<vmem>>, vector<16xi32>,
      tpu.vector_store %arg6[%swap3A_346, %swap3A_347, %swap3A_348], %get3A_343 {strides = array<i32>} : memref<2x5x128xi32, #tpu.memory_space<vmem>>, vector<16xi32>,
      %get3A_350 = arith.constant 0 : i32
      %get3A_351 = arith.constant 2 : i32
      %get3A_352 = arith.index_cast %get3A_350 : i32 to index
      %get3A_353 = arith.index_cast %get3A_351 : i32 to index
      %get3A_354 = arith.constant 32 : index
      %get3A_355 = tpu.vector_load %arg5[%get3A_352, %get3A_353, %get3A_354] {strides = array<i32>} : memref<2x10x64xi32, #tpu.memory_space<vmem>>, vector<16xi32>,
      %swap3A_356 = arith.constant 0 : i32
      %swap3A_357 = arith.constant 1 : i32
      %swap3A_358 = arith.index_cast %swap3A_356 : i32 to index
      %swap3A_359 = arith.index_cast %swap3A_357 : i32 to index
      %swap3A_360 = arith.constant 32 : index
      %swap3A_361 = tpu.vector_load %arg6[%swap3A_358, %swap3A_359, %swap3A_360] {strides = array<i32>} : memref<2x5x128xi32, #tpu.memory_space<vmem>>, vector<16xi32>,
      tpu.vector_store %arg6[%swap3A_358, %swap3A_359, %swap3A_360], %get3A_355 {strides = array<i32>} : memref<2x5x128xi32, #tpu.memory_space<vmem>>, vector<16xi32>,
      %get3A_362 = arith.constant 0 : i32
      %get3A_363 = arith.constant 2 : i32
      %get3A_364 = arith.index_cast %get3A_362 : i32 to index
      %get3A_365 = arith.index_cast %get3A_363 : i32 to index
      %get3A_366 = arith.constant 48 : index
      %get3A_367 = tpu.vector_load %arg5[%get3A_364, %get3A_365, %get3A_366] {strides = array<i32>} : memref<2x10x64xi32, #tpu.memory_space<vmem>>, vector<16xi32>,
      %swap3A_368 = arith.constant 0 : i32
      %swap3A_369 = arith.constant 1 : i32
      %swap3A_370 = arith.index_cast %swap3A_368 : i32 to index
      %swap3A_371 = arith.index_cast %swap3A_369 : i32 to index
      %swap3A_372 = arith.constant 48 : index
      %swap3A_373 = tpu.vector_load %arg6[%swap3A_370, %swap3A_371, %swap3A_372] {strides = array<i32>} : memref<2x5x128xi32, #tpu.memory_space<vmem>>, vector<16xi32>,
      tpu.vector_store %arg6[%swap3A_370, %swap3A_371, %swap3A_372], %get3A_367 {strides = array<i32>} : memref<2x5x128xi32, #tpu.memory_space<vmem>>, vector<16xi32>,
      %get3A_374 = arith.constant 0 : i32
      %get3A_375 = arith.constant 3 : i32
      %get3A_376 = arith.index_cast %get3A_374 : i32 to index
      %get3A_377 = arith.index_cast %get3A_375 : i32 to index
      %get3A_378 = arith.constant 0 : index
      %get3A_379 = tpu.vector_load %arg5[%get3A_376, %get3A_377, %get3A_378] {strides = array<i32>} : memref<2x10x64xi32, #tpu.memory_space<vmem>>, vector<16xi32>,
      %swap3A_380 = arith.constant 0 : i32
      %swap3A_381 = arith.constant 1 : i32
      %swap3A_382 = arith.index_cast %swap3A_380 : i32 to index
      %swap3A_383 = arith.index_cast %swap3A_381 : i32 to index
      %swap3A_384 = arith.constant 64 : index
      %swap3A_385 = tpu.vector_load %arg6[%swap3A_382, %swap3A_383, %swap3A_384] {strides = array<i32>} : memref<2x5x128xi32, #tpu.memory_space<vmem>>, vector<16xi32>,
      tpu.vector_store %arg6[%swap3A_382, %swap3A_383, %swap3A_384], %get3A_379 {strides = array<i32>} : memref<2x5x128xi32, #tpu.memory_space<vmem>>, vector<16xi32>,
      %get3A_386 = arith.constant 0 : i32
      %get3A_387 = arith.constant 3 : i32
      %get3A_388 = arith.index_cast %get3A_386 : i32 to index
      %get3A_389 = arith.index_cast %get3A_387 : i32 to index
      %get3A_390 = arith.constant 16 : index
      %get3A_391 = tpu.vector_load %arg5[%get3A_388, %get3A_389, %get3A_390] {strides = array<i32>} : memref<2x10x64xi32, #tpu.memory_space<vmem>>, vector<16xi32>,
      %swap3A_392 = arith.constant 0 : i32
      %swap3A_393 = arith.constant 1 : i32
      %swap3A_394 = arith.index_cast %swap3A_392 : i32 to index
      %swap3A_395 = arith.index_cast %swap3A_393 : i32 to index
      %swap3A_396 = arith.constant 80 : index
      %swap3A_397 = tpu.vector_load %arg6[%swap3A_394, %swap3A_395, %swap3A_396] {strides = array<i32>} : memref<2x5x128xi32, #tpu.memory_space<vmem>>, vector<16xi32>,
      tpu.vector_store %arg6[%swap3A_394, %swap3A_395, %swap3A_396], %get3A_391 {strides = array<i32>} : memref<2x5x128xi32, #tpu.memory_space<vmem>>, vector<16xi32>,
      %get3A_398 = arith.constant 0 : i32
      %get3A_399 = arith.constant 3 : i32
      %get3A_400 = arith.index_cast %get3A_398 : i32 to index
      %get3A_401 = arith.index_cast %get3A_399 : i32 to index
      %get3A_402 = arith.constant 32 : index
      %get3A_403 = tpu.vector_load %arg5[%get3A_400, %get3A_401, %get3A_402] {strides = array<i32>} : memref<2x10x64xi32, #tpu.memory_space<vmem>>, vector<16xi32>,
      %swap3A_404 = arith.constant 0 : i32
      %swap3A_405 = arith.constant 1 : i32
      %swap3A_406 = arith.index_cast %swap3A_404 : i32 to index
      %swap3A_407 = arith.index_cast %swap3A_405 : i32 to index
      %swap3A_408 = arith.constant 96 : index
      %swap3A_409 = tpu.vector_load %arg6[%swap3A_406, %swap3A_407, %swap3A_408] {strides = array<i32>} : memref<2x5x128xi32, #tpu.memory_space<vmem>>, vector<16xi32>,
      tpu.vector_store %arg6[%swap3A_406, %swap3A_407, %swap3A_408], %get3A_403 {strides = array<i32>} : memref<2x5x128xi32, #tpu.memory_space<vmem>>, vector<16xi32>,
      %get3A_410 = arith.constant 0 : i32
      %get3A_411 = arith.constant 3 : i32
      %get3A_412 = arith.index_cast %get3A_410 : i32 to index
      %get3A_413 = arith.index_cast %get3A_411 : i32 to index
      %get3A_414 = arith.constant 48 : index
      %get3A_415 = tpu.vector_load %arg5[%get3A_412, %get3A_413, %get3A_414] {strides = array<i32>} : memref<2x10x64xi32, #tpu.memory_space<vmem>>, vector<16xi32>,
      %swap3A_416 = arith.constant 0 : i32
      %swap3A_417 = arith.constant 1 : i32
      %swap3A_418 = arith.index_cast %swap3A_416 : i32 to index
      %swap3A_419 = arith.index_cast %swap3A_417 : i32 to index
      %swap3A_420 = arith.constant 112 : index
      %swap3A_421 = tpu.vector_load %arg6[%swap3A_418, %swap3A_419, %swap3A_420] {strides = array<i32>} : memref<2x5x128xi32, #tpu.memory_space<vmem>>, vector<16xi32>,
      tpu.vector_store %arg6[%swap3A_418, %swap3A_419, %swap3A_420], %get3A_415 {strides = array<i32>} : memref<2x5x128xi32, #tpu.memory_space<vmem>>, vector<16xi32>,
      %get3A_422 = arith.constant 0 : i32
      %get3A_423 = arith.constant 4 : i32
      %get3A_424 = arith.index_cast %get3A_422 : i32 to index
      %get3A_425 = arith.index_cast %get3A_423 : i32 to index
      %get3A_426 = arith.constant 0 : index
      %get3A_427 = tpu.vector_load %arg5[%get3A_424, %get3A_425, %get3A_426] {strides = array<i32>} : memref<2x10x64xi32, #tpu.memory_space<vmem>>, vector<16xi32>,
      %swap3A_428 = arith.constant 0 : i32
      %swap3A_429 = arith.constant 2 : i32
      %swap3A_430 = arith.index_cast %swap3A_428 : i32 to index
      %swap3A_431 = arith.index_cast %swap3A_429 : i32 to index
      %swap3A_432 = arith.constant 0 : index
      %swap3A_433 = tpu.vector_load %arg6[%swap3A_430, %swap3A_431, %swap3A_432] {strides = array<i32>} : memref<2x5x128xi32, #tpu.memory_space<vmem>>, vector<16xi32>,
      tpu.vector_store %arg6[%swap3A_430, %swap3A_431, %swap3A_432], %get3A_427 {strides = array<i32>} : memref<2x5x128xi32, #tpu.memory_space<vmem>>, vector<16xi32>,
      %get3A_434 = arith.constant 0 : i32
      %get3A_435 = arith.constant 4 : i32
      %get3A_436 = arith.index_cast %get3A_434 : i32 to index
      %get3A_437 = arith.index_cast %get3A_435 : i32 to index
      %get3A_438 = arith.constant 16 : index
      %get3A_439 = tpu.vector_load %arg5[%get3A_436, %get3A_437, %get3A_438] {strides = array<i32>} : memref<2x10x64xi32, #tpu.memory_space<vmem>>, vector<16xi32>,
      %swap3A_440 = arith.constant 0 : i32
      %swap3A_441 = arith.constant 2 : i32
      %swap3A_442 = arith.index_cast %swap3A_440 : i32 to index
      %swap3A_443 = arith.index_cast %swap3A_441 : i32 to index
      %swap3A_444 = arith.constant 16 : index
      %swap3A_445 = tpu.vector_load %arg6[%swap3A_442, %swap3A_443, %swap3A_444] {strides = array<i32>} : memref<2x5x128xi32, #tpu.memory_space<vmem>>, vector<16xi32>,
      tpu.vector_store %arg6[%swap3A_442, %swap3A_443, %swap3A_444], %get3A_439 {strides = array<i32>} : memref<2x5x128xi32, #tpu.memory_space<vmem>>, vector<16xi32>,
      %get3A_446 = arith.constant 0 : i32
      %get3A_447 = arith.constant 4 : i32
      %get3A_448 = arith.index_cast %get3A_446 : i32 to index
      %get3A_449 = arith.index_cast %get3A_447 : i32 to index
      %get3A_450 = arith.constant 32 : index
      %get3A_451 = tpu.vector_load %arg5[%get3A_448, %get3A_449, %get3A_450] {strides = array<i32>} : memref<2x10x64xi32, #tpu.memory_space<vmem>>, vector<16xi32>,
      %swap3A_452 = arith.constant 0 : i32
      %swap3A_453 = arith.constant 2 : i32
      %swap3A_454 = arith.index_cast %swap3A_452 : i32 to index
      %swap3A_455 = arith.index_cast %swap3A_453 : i32 to index
      %swap3A_456 = arith.constant 32 : index
      %swap3A_457 = tpu.vector_load %arg6[%swap3A_454, %swap3A_455, %swap3A_456] {strides = array<i32>} : memref<2x5x128xi32, #tpu.memory_space<vmem>>, vector<16xi32>,
      tpu.vector_store %arg6[%swap3A_454, %swap3A_455, %swap3A_456], %get3A_451 {strides = array<i32>} : memref<2x5x128xi32, #tpu.memory_space<vmem>>, vector<16xi32>,
      %get3A_458 = arith.constant 0 : i32
      %get3A_459 = arith.constant 4 : i32
      %get3A_460 = arith.index_cast %get3A_458 : i32 to index
      %get3A_461 = arith.index_cast %get3A_459 : i32 to index
      %get3A_462 = arith.constant 48 : index
      %get3A_463 = tpu.vector_load %arg5[%get3A_460, %get3A_461, %get3A_462] {strides = array<i32>} : memref<2x10x64xi32, #tpu.memory_space<vmem>>, vector<16xi32>,
      %swap3A_464 = arith.constant 0 : i32
      %swap3A_465 = arith.constant 2 : i32
      %swap3A_466 = arith.index_cast %swap3A_464 : i32 to index
      %swap3A_467 = arith.index_cast %swap3A_465 : i32 to index
      %swap3A_468 = arith.constant 48 : index
      %swap3A_469 = tpu.vector_load %arg6[%swap3A_466, %swap3A_467, %swap3A_468] {strides = array<i32>} : memref<2x5x128xi32, #tpu.memory_space<vmem>>, vector<16xi32>,
      tpu.vector_store %arg6[%swap3A_466, %swap3A_467, %swap3A_468], %get3A_463 {strides = array<i32>} : memref<2x5x128xi32, #tpu.memory_space<vmem>>, vector<16xi32>,
      %get3A_470 = arith.constant 0 : i32
      %get3A_471 = arith.constant 5 : i32
      %get3A_472 = arith.index_cast %get3A_470 : i32 to index
      %get3A_473 = arith.index_cast %get3A_471 : i32 to index
      %get3A_474 = arith.constant 0 : index
      %get3A_475 = tpu.vector_load %arg5[%get3A_472, %get3A_473, %get3A_474] {strides = array<i32>} : memref<2x10x64xi32, #tpu.memory_space<vmem>>, vector<16xi32>,
      %swap3A_476 = arith.constant 0 : i32
      %swap3A_477 = arith.constant 2 : i32
      %swap3A_478 = arith.index_cast %swap3A_476 : i32 to index
      %swap3A_479 = arith.index_cast %swap3A_477 : i32 to index
      %swap3A_480 = arith.constant 64 : index
      %swap3A_481 = tpu.vector_load %arg6[%swap3A_478, %swap3A_479, %swap3A_480] {strides = array<i32>} : memref<2x5x128xi32, #tpu.memory_space<vmem>>, vector<16xi32>,
      tpu.vector_store %arg6[%swap3A_478, %swap3A_479, %swap3A_480], %get3A_475 {strides = array<i32>} : memref<2x5x128xi32, #tpu.memory_space<vmem>>, vector<16xi32>,
      %get3A_482 = arith.constant 0 : i32
      %get3A_483 = arith.constant 5 : i32
      %get3A_484 = arith.index_cast %get3A_482 : i32 to index
      %get3A_485 = arith.index_cast %get3A_483 : i32 to index
      %get3A_486 = arith.constant 16 : index
      %get3A_487 = tpu.vector_load %arg5[%get3A_484, %get3A_485, %get3A_486] {strides = array<i32>} : memref<2x10x64xi32, #tpu.memory_space<vmem>>, vector<16xi32>,
      %swap3A_488 = arith.constant 0 : i32
      %swap3A_489 = arith.constant 2 : i32
      %swap3A_490 = arith.index_cast %swap3A_488 : i32 to index
      %swap3A_491 = arith.index_cast %swap3A_489 : i32 to index
      %swap3A_492 = arith.constant 80 : index
      %swap3A_493 = tpu.vector_load %arg6[%swap3A_490, %swap3A_491, %swap3A_492] {strides = array<i32>} : memref<2x5x128xi32, #tpu.memory_space<vmem>>, vector<16xi32>,
      tpu.vector_store %arg6[%swap3A_490, %swap3A_491, %swap3A_492], %get3A_487 {strides = array<i32>} : memref<2x5x128xi32, #tpu.memory_space<vmem>>, vector<16xi32>,
      %get3A_494 = arith.constant 0 : i32
      %get3A_495 = arith.constant 5 : i32
      %get3A_496 = arith.index_cast %get3A_494 : i32 to index
      %get3A_497 = arith.index_cast %get3A_495 : i32 to index
      %get3A_498 = arith.constant 32 : index
      %get3A_499 = tpu.vector_load %arg5[%get3A_496, %get3A_497, %get3A_498] {strides = array<i32>} : memref<2x10x64xi32, #tpu.memory_space<vmem>>, vector<16xi32>,
      %swap3A_500 = arith.constant 0 : i32
      %swap3A_501 = arith.constant 2 : i32
      %swap3A_502 = arith.index_cast %swap3A_500 : i32 to index
      %swap3A_503 = arith.index_cast %swap3A_501 : i32 to index
      %swap3A_504 = arith.constant 96 : index
      %swap3A_505 = tpu.vector_load %arg6[%swap3A_502, %swap3A_503, %swap3A_504] {strides = array<i32>} : memref<2x5x128xi32, #tpu.memory_space<vmem>>, vector<16xi32>,
      tpu.vector_store %arg6[%swap3A_502, %swap3A_503, %swap3A_504], %get3A_499 {strides = array<i32>} : memref<2x5x128xi32, #tpu.memory_space<vmem>>, vector<16xi32>,
      %get3A_506 = arith.constant 0 : i32
      %get3A_507 = arith.constant 5 : i32
      %get3A_508 = arith.index_cast %get3A_506 : i32 to index
      %get3A_509 = arith.index_cast %get3A_507 : i32 to index
      %get3A_510 = arith.constant 48 : index
      %get3A_511 = tpu.vector_load %arg5[%get3A_508, %get3A_509, %get3A_510] {strides = array<i32>} : memref<2x10x64xi32, #tpu.memory_space<vmem>>, vector<16xi32>,
      %swap3A_512 = arith.constant 0 : i32
      %swap3A_513 = arith.constant 2 : i32
      %swap3A_514 = arith.index_cast %swap3A_512 : i32 to index
      %swap3A_515 = arith.index_cast %swap3A_513 : i32 to index
      %swap3A_516 = arith.constant 112 : index
      %swap3A_517 = tpu.vector_load %arg6[%swap3A_514, %swap3A_515, %swap3A_516] {strides = array<i32>} : memref<2x5x128xi32, #tpu.memory_space<vmem>>, vector<16xi32>,
      tpu.vector_store %arg6[%swap3A_514, %swap3A_515, %swap3A_516], %get3A_511 {strides = array<i32>} : memref<2x5x128xi32, #tpu.memory_space<vmem>>, vector<16xi32>,
      %get3A_518 = arith.constant 0 : i32
      %get3A_519 = arith.constant 6 : i32
      %get3A_520 = arith.index_cast %get3A_518 : i32 to index
      %get3A_521 = arith.index_cast %get3A_519 : i32 to index
      %get3A_522 = arith.constant 0 : index
      %get3A_523 = tpu.vector_load %arg5[%get3A_520, %get3A_521, %get3A_522] {strides = array<i32>} : memref<2x10x64xi32, #tpu.memory_space<vmem>>, vector<16xi32>,
      %swap3A_524 = arith.constant 0 : i32
      %swap3A_525 = arith.constant 3 : i32
      %swap3A_526 = arith.index_cast %swap3A_524 : i32 to index
      %swap3A_527 = arith.index_cast %swap3A_525 : i32 to index
      %swap3A_528 = arith.constant 0 : index
      %swap3A_529 = tpu.vector_load %arg6[%swap3A_526, %swap3A_527, %swap3A_528] {strides = array<i32>} : memref<2x5x128xi32, #tpu.memory_space<vmem>>, vector<16xi32>,
      tpu.vector_store %arg6[%swap3A_526, %swap3A_527, %swap3A_528], %get3A_523 {strides = array<i32>} : memref<2x5x128xi32, #tpu.memory_space<vmem>>, vector<16xi32>,
      %get3A_530 = arith.constant 0 : i32
      %get3A_531 = arith.constant 6 : i32
      %get3A_532 = arith.index_cast %get3A_530 : i32 to index
      %get3A_533 = arith.index_cast %get3A_531 : i32 to index
      %get3A_534 = arith.constant 16 : index
      %get3A_535 = tpu.vector_load %arg5[%get3A_532, %get3A_533, %get3A_534] {strides = array<i32>} : memref<2x10x64xi32, #tpu.memory_space<vmem>>, vector<16xi32>,
      %swap3A_536 = arith.constant 0 : i32
      %swap3A_537 = arith.constant 3 : i32
      %swap3A_538 = arith.index_cast %swap3A_536 : i32 to index
      %swap3A_539 = arith.index_cast %swap3A_537 : i32 to index
      %swap3A_540 = arith.constant 16 : index
      %swap3A_541 = tpu.vector_load %arg6[%swap3A_538, %swap3A_539, %swap3A_540] {strides = array<i32>} : memref<2x5x128xi32, #tpu.memory_space<vmem>>, vector<16xi32>,
      tpu.vector_store %arg6[%swap3A_538, %swap3A_539, %swap3A_540], %get3A_535 {strides = array<i32>} : memref<2x5x128xi32, #tpu.memory_space<vmem>>, vector<16xi32>,
      %get3A_542 = arith.constant 0 : i32
      %get3A_543 = arith.constant 6 : i32
      %get3A_544 = arith.index_cast %get3A_542 : i32 to index
      %get3A_545 = arith.index_cast %get3A_543 : i32 to index
      %get3A_546 = arith.constant 32 : index
      %get3A_547 = tpu.vector_load %arg5[%get3A_544, %get3A_545, %get3A_546] {strides = array<i32>} : memref<2x10x64xi32, #tpu.memory_space<vmem>>, vector<16xi32>,
      %swap3A_548 = arith.constant 0 : i32
      %swap3A_549 = arith.constant 3 : i32
      %swap3A_550 = arith.index_cast %swap3A_548 : i32 to index
      %swap3A_551 = arith.index_cast %swap3A_549 : i32 to index
      %swap3A_552 = arith.constant 32 : index
      %swap3A_553 = tpu.vector_load %arg6[%swap3A_550, %swap3A_551, %swap3A_552] {strides = array<i32>} : memref<2x5x128xi32, #tpu.memory_space<vmem>>, vector<16xi32>,
      tpu.vector_store %arg6[%swap3A_550, %swap3A_551, %swap3A_552], %get3A_547 {strides = array<i32>} : memref<2x5x128xi32, #tpu.memory_space<vmem>>, vector<16xi32>,
      %get3A_554 = arith.constant 0 : i32
      %get3A_555 = arith.constant 6 : i32
      %get3A_556 = arith.index_cast %get3A_554 : i32 to index
      %get3A_557 = arith.index_cast %get3A_555 : i32 to index
      %get3A_558 = arith.constant 48 : index
      %get3A_559 = tpu.vector_load %arg5[%get3A_556, %get3A_557, %get3A_558] {strides = array<i32>} : memref<2x10x64xi32, #tpu.memory_space<vmem>>, vector<16xi32>,
      %swap3A_560 = arith.constant 0 : i32
      %swap3A_561 = arith.constant 3 : i32
      %swap3A_562 = arith.index_cast %swap3A_560 : i32 to index
      %swap3A_563 = arith.index_cast %swap3A_561 : i32 to index
      %swap3A_564 = arith.constant 48 : index
      %swap3A_565 = tpu.vector_load %arg6[%swap3A_562, %swap3A_563, %swap3A_564] {strides = array<i32>} : memref<2x5x128xi32, #tpu.memory_space<vmem>>, vector<16xi32>,
      tpu.vector_store %arg6[%swap3A_562, %swap3A_563, %swap3A_564], %get3A_559 {strides = array<i32>} : memref<2x5x128xi32, #tpu.memory_space<vmem>>, vector<16xi32>,
      %get3A_566 = arith.constant 0 : i32
      %get3A_567 = arith.constant 7 : i32
      %get3A_568 = arith.index_cast %get3A_566 : i32 to index
      %get3A_569 = arith.index_cast %get3A_567 : i32 to index
      %get3A_570 = arith.constant 0 : index
      %get3A_571 = tpu.vector_load %arg5[%get3A_568, %get3A_569, %get3A_570] {strides = array<i32>} : memref<2x10x64xi32, #tpu.memory_space<vmem>>, vector<16xi32>,
      %swap3A_572 = arith.constant 0 : i32
      %swap3A_573 = arith.constant 3 : i32
      %swap3A_574 = arith.index_cast %swap3A_572 : i32 to index
      %swap3A_575 = arith.index_cast %swap3A_573 : i32 to index
      %swap3A_576 = arith.constant 64 : index
      %swap3A_577 = tpu.vector_load %arg6[%swap3A_574, %swap3A_575, %swap3A_576] {strides = array<i32>} : memref<2x5x128xi32, #tpu.memory_space<vmem>>, vector<16xi32>,
      tpu.vector_store %arg6[%swap3A_574, %swap3A_575, %swap3A_576], %get3A_571 {strides = array<i32>} : memref<2x5x128xi32, #tpu.memory_space<vmem>>, vector<16xi32>,
      %get3A_578 = arith.constant 0 : i32
      %get3A_579 = arith.constant 7 : i32
      %get3A_580 = arith.index_cast %get3A_578 : i32 to index
      %get3A_581 = arith.index_cast %get3A_579 : i32 to index
      %get3A_582 = arith.constant 16 : index
      %get3A_583 = tpu.vector_load %arg5[%get3A_580, %get3A_581, %get3A_582] {strides = array<i32>} : memref<2x10x64xi32, #tpu.memory_space<vmem>>, vector<16xi32>,
      %swap3A_584 = arith.constant 0 : i32
      %swap3A_585 = arith.constant 3 : i32
      %swap3A_586 = arith.index_cast %swap3A_584 : i32 to index
      %swap3A_587 = arith.index_cast %swap3A_585 : i32 to index
      %swap3A_588 = arith.constant 80 : index
      %swap3A_589 = tpu.vector_load %arg6[%swap3A_586, %swap3A_587, %swap3A_588] {strides = array<i32>} : memref<2x5x128xi32, #tpu.memory_space<vmem>>, vector<16xi32>,
      tpu.vector_store %arg6[%swap3A_586, %swap3A_587, %swap3A_588], %get3A_583 {strides = array<i32>} : memref<2x5x128xi32, #tpu.memory_space<vmem>>, vector<16xi32>,
      %get3A_590 = arith.constant 0 : i32
      %get3A_591 = arith.constant 7 : i32
      %get3A_592 = arith.index_cast %get3A_590 : i32 to index
      %get3A_593 = arith.index_cast %get3A_591 : i32 to index
      %get3A_594 = arith.constant 32 : index
      %get3A_595 = tpu.vector_load %arg5[%get3A_592, %get3A_593, %get3A_594] {strides = array<i32>} : memref<2x10x64xi32, #tpu.memory_space<vmem>>, vector<16xi32>,
      %swap3A_596 = arith.constant 0 : i32
      %swap3A_597 = arith.constant 3 : i32
      %swap3A_598 = arith.index_cast %swap3A_596 : i32 to index
      %swap3A_599 = arith.index_cast %swap3A_597 : i32 to index
      %swap3A_600 = arith.constant 96 : index
      %swap3A_601 = tpu.vector_load %arg6[%swap3A_598, %swap3A_599, %swap3A_600] {strides = array<i32>} : memref<2x5x128xi32, #tpu.memory_space<vmem>>, vector<16xi32>,
      tpu.vector_store %arg6[%swap3A_598, %swap3A_599, %swap3A_600], %get3A_595 {strides = array<i32>} : memref<2x5x128xi32, #tpu.memory_space<vmem>>, vector<16xi32>,
      %get3A_602 = arith.constant 0 : i32
      %get3A_603 = arith.constant 7 : i32
      %get3A_604 = arith.index_cast %get3A_602 : i32 to index
      %get3A_605 = arith.index_cast %get3A_603 : i32 to index
      %get3A_606 = arith.constant 48 : index
      %get3A_607 = tpu.vector_load %arg5[%get3A_604, %get3A_605, %get3A_606] {strides = array<i32>} : memref<2x10x64xi32, #tpu.memory_space<vmem>>, vector<16xi32>,
      %swap3A_608 = arith.constant 0 : i32
      %swap3A_609 = arith.constant 3 : i32
      %swap3A_610 = arith.index_cast %swap3A_608 : i32 to index
      %swap3A_611 = arith.index_cast %swap3A_609 : i32 to index
      %swap3A_612 = arith.constant 112 : index
      %swap3A_613 = tpu.vector_load %arg6[%swap3A_610, %swap3A_611, %swap3A_612] {strides = array<i32>} : memref<2x5x128xi32, #tpu.memory_space<vmem>>, vector<16xi32>,
      tpu.vector_store %arg6[%swap3A_610, %swap3A_611, %swap3A_612], %get3A_607 {strides = array<i32>} : memref<2x5x128xi32, #tpu.memory_space<vmem>>, vector<16xi32>,
      %get3A_614 = arith.constant 0 : i32
      %get3A_615 = arith.constant 8 : i32
      %get3A_616 = arith.index_cast %get3A_614 : i32 to index
      %get3A_617 = arith.index_cast %get3A_615 : i32 to index
      %get3A_618 = arith.constant 0 : index
      %get3A_619 = tpu.vector_load %arg5[%get3A_616, %get3A_617, %get3A_618] {strides = array<i32>} : memref<2x10x64xi32, #tpu.memory_space<vmem>>, vector<16xi32>,
      %swap3A_620 = arith.constant 0 : i32
      %swap3A_621 = arith.constant 4 : i32
      %swap3A_622 = arith.index_cast %swap3A_620 : i32 to index
      %swap3A_623 = arith.index_cast %swap3A_621 : i32 to index
      %swap3A_624 = arith.constant 0 : index
      %swap3A_625 = tpu.vector_load %arg6[%swap3A_622, %swap3A_623, %swap3A_624] {strides = array<i32>} : memref<2x5x128xi32, #tpu.memory_space<vmem>>, vector<16xi32>,
      tpu.vector_store %arg6[%swap3A_622, %swap3A_623, %swap3A_624], %get3A_619 {strides = array<i32>} : memref<2x5x128xi32, #tpu.memory_space<vmem>>, vector<16xi32>,
      %get3A_626 = arith.constant 0 : i32
      %get3A_627 = arith.constant 8 : i32
      %get3A_628 = arith.index_cast %get3A_626 : i32 to index
      %get3A_629 = arith.index_cast %get3A_627 : i32 to index
      %get3A_630 = arith.constant 16 : index
      %get3A_631 = tpu.vector_load %arg5[%get3A_628, %get3A_629, %get3A_630] {strides = array<i32>} : memref<2x10x64xi32, #tpu.memory_space<vmem>>, vector<16xi32>,
      %swap3A_632 = arith.constant 0 : i32
      %swap3A_633 = arith.constant 4 : i32
      %swap3A_634 = arith.index_cast %swap3A_632 : i32 to index
      %swap3A_635 = arith.index_cast %swap3A_633 : i32 to index
      %swap3A_636 = arith.constant 16 : index
      %swap3A_637 = tpu.vector_load %arg6[%swap3A_634, %swap3A_635, %swap3A_636] {strides = array<i32>} : memref<2x5x128xi32, #tpu.memory_space<vmem>>, vector<16xi32>,
      tpu.vector_store %arg6[%swap3A_634, %swap3A_635, %swap3A_636], %get3A_631 {strides = array<i32>} : memref<2x5x128xi32, #tpu.memory_space<vmem>>, vector<16xi32>,
      %get3A_638 = arith.constant 0 : i32
      %get3A_639 = arith.constant 8 : i32
      %get3A_640 = arith.index_cast %get3A_638 : i32 to index
      %get3A_641 = arith.index_cast %get3A_639 : i32 to index
      %get3A_642 = arith.constant 32 : index
      %get3A_643 = tpu.vector_load %arg5[%get3A_640, %get3A_641, %get3A_642] {strides = array<i32>} : memref<2x10x64xi32, #tpu.memory_space<vmem>>, vector<16xi32>,
      %swap3A_644 = arith.constant 0 : i32
      %swap3A_645 = arith.constant 4 : i32
      %swap3A_646 = arith.index_cast %swap3A_644 : i32 to index
      %swap3A_647 = arith.index_cast %swap3A_645 : i32 to index
      %swap3A_648 = arith.constant 32 : index
      %swap3A_649 = tpu.vector_load %arg6[%swap3A_646, %swap3A_647, %swap3A_648] {strides = array<i32>} : memref<2x5x128xi32, #tpu.memory_space<vmem>>, vector<16xi32>,
      tpu.vector_store %arg6[%swap3A_646, %swap3A_647, %swap3A_648], %get3A_643 {strides = array<i32>} : memref<2x5x128xi32, #tpu.memory_space<vmem>>, vector<16xi32>,
      %get3A_650 = arith.constant 0 : i32
      %get3A_651 = arith.constant 8 : i32
      %get3A_652 = arith.index_cast %get3A_650 : i32 to index
      %get3A_653 = arith.index_cast %get3A_651 : i32 to index
      %get3A_654 = arith.constant 48 : index
      %get3A_655 = tpu.vector_load %arg5[%get3A_652, %get3A_653, %get3A_654] {strides = array<i32>} : memref<2x10x64xi32, #tpu.memory_space<vmem>>, vector<16xi32>,
      %swap3A_656 = arith.constant 0 : i32
      %swap3A_657 = arith.constant 4 : i32
      %swap3A_658 = arith.index_cast %swap3A_656 : i32 to index
      %swap3A_659 = arith.index_cast %swap3A_657 : i32 to index
      %swap3A_660 = arith.constant 48 : index
      %swap3A_661 = tpu.vector_load %arg6[%swap3A_658, %swap3A_659, %swap3A_660] {strides = array<i32>} : memref<2x5x128xi32, #tpu.memory_space<vmem>>, vector<16xi32>,
      tpu.vector_store %arg6[%swap3A_658, %swap3A_659, %swap3A_660], %get3A_655 {strides = array<i32>} : memref<2x5x128xi32, #tpu.memory_space<vmem>>, vector<16xi32>,
      %get3A_662 = arith.constant 0 : i32
      %get3A_663 = arith.constant 9 : i32
      %get3A_664 = arith.index_cast %get3A_662 : i32 to index
      %get3A_665 = arith.index_cast %get3A_663 : i32 to index
      %get3A_666 = arith.constant 0 : index
      %get3A_667 = tpu.vector_load %arg5[%get3A_664, %get3A_665, %get3A_666] {strides = array<i32>} : memref<2x10x64xi32, #tpu.memory_space<vmem>>, vector<16xi32>,
      %swap3A_668 = arith.constant 0 : i32
      %swap3A_669 = arith.constant 4 : i32
      %swap3A_670 = arith.index_cast %swap3A_668 : i32 to index
      %swap3A_671 = arith.index_cast %swap3A_669 : i32 to index
      %swap3A_672 = arith.constant 64 : index
      %swap3A_673 = tpu.vector_load %arg6[%swap3A_670, %swap3A_671, %swap3A_672] {strides = array<i32>} : memref<2x5x128xi32, #tpu.memory_space<vmem>>, vector<16xi32>,
      tpu.vector_store %arg6[%swap3A_670, %swap3A_671, %swap3A_672], %get3A_667 {strides = array<i32>} : memref<2x5x128xi32, #tpu.memory_space<vmem>>, vector<16xi32>,
      %get3A_674 = arith.constant 0 : i32
      %get3A_675 = arith.constant 9 : i32
      %get3A_676 = arith.index_cast %get3A_674 : i32 to index
      %get3A_677 = arith.index_cast %get3A_675 : i32 to index
      %get3A_678 = arith.constant 16 : index
      %get3A_679 = tpu.vector_load %arg5[%get3A_676, %get3A_677, %get3A_678] {strides = array<i32>} : memref<2x10x64xi32, #tpu.memory_space<vmem>>, vector<16xi32>,
      %swap3A_680 = arith.constant 0 : i32
      %swap3A_681 = arith.constant 4 : i32
      %swap3A_682 = arith.index_cast %swap3A_680 : i32 to index
      %swap3A_683 = arith.index_cast %swap3A_681 : i32 to index
      %swap3A_684 = arith.constant 80 : index
      %swap3A_685 = tpu.vector_load %arg6[%swap3A_682, %swap3A_683, %swap3A_684] {strides = array<i32>} : memref<2x5x128xi32, #tpu.memory_space<vmem>>, vector<16xi32>,
      tpu.vector_store %arg6[%swap3A_682, %swap3A_683, %swap3A_684], %get3A_679 {strides = array<i32>} : memref<2x5x128xi32, #tpu.memory_space<vmem>>, vector<16xi32>,
      %get3A_686 = arith.constant 0 : i32
      %get3A_687 = arith.constant 9 : i32
      %get3A_688 = arith.index_cast %get3A_686 : i32 to index
      %get3A_689 = arith.index_cast %get3A_687 : i32 to index
      %get3A_690 = arith.constant 32 : index
      %get3A_691 = tpu.vector_load %arg5[%get3A_688, %get3A_689, %get3A_690] {strides = array<i32>} : memref<2x10x64xi32, #tpu.memory_space<vmem>>, vector<16xi32>,
      %swap3A_692 = arith.constant 0 : i32
      %swap3A_693 = arith.constant 4 : i32
      %swap3A_694 = arith.index_cast %swap3A_692 : i32 to index
      %swap3A_695 = arith.index_cast %swap3A_693 : i32 to index
      %swap3A_696 = arith.constant 96 : index
      %swap3A_697 = tpu.vector_load %arg6[%swap3A_694, %swap3A_695, %swap3A_696] {strides = array<i32>} : memref<2x5x128xi32, #tpu.memory_space<vmem>>, vector<16xi32>,
      tpu.vector_store %arg6[%swap3A_694, %swap3A_695, %swap3A_696], %get3A_691 {strides = array<i32>} : memref<2x5x128xi32, #tpu.memory_space<vmem>>, vector<16xi32>,
      %get3A_698 = arith.constant 0 : i32
      %get3A_699 = arith.constant 9 : i32
      %get3A_700 = arith.index_cast %get3A_698 : i32 to index
      %get3A_701 = arith.index_cast %get3A_699 : i32 to index
      %get3A_702 = arith.constant 48 : index
      %get3A_703 = tpu.vector_load %arg5[%get3A_700, %get3A_701, %get3A_702] {strides = array<i32>} : memref<2x10x64xi32, #tpu.memory_space<vmem>>, vector<16xi32>,
      %swap3A_704 = arith.constant 0 : i32
      %swap3A_705 = arith.constant 4 : i32
      %swap3A_706 = arith.index_cast %swap3A_704 : i32 to index
      %swap3A_707 = arith.index_cast %swap3A_705 : i32 to index
      %swap3A_708 = arith.constant 112 : index
      %swap3A_709 = tpu.vector_load %arg6[%swap3A_706, %swap3A_707, %swap3A_708] {strides = array<i32>} : memref<2x5x128xi32, #tpu.memory_space<vmem>>, vector<16xi32>,
      tpu.vector_store %arg6[%swap3A_706, %swap3A_707, %swap3A_708], %get3A_703 {strides = array<i32>} : memref<2x5x128xi32, #tpu.memory_space<vmem>>, vector<16xi32>,
      %get3A_710 = arith.constant 0 : i32
      %get3A_711 = arith.constant 0 : i32
      %get3A_712 = arith.index_cast %get3A_710 : i32 to index
      %get3A_713 = arith.index_cast %get3A_711 : i32 to index
      %get3A_714 = arith.constant 0 : index
      %get3A_715 = tpu.vector_load %arg5[%get3A_712, %get3A_713, %get3A_714] {strides = array<i32>} : memref<2x10x64xi32, #tpu.memory_space<vmem>>, vector<16xi32>,
      %dma_start3A_716 = arith.constant 0 : i32
      %dma_start3A_717 = arith.constant 0 : i32
      %dma_start3A_718 = arith.constant 0 : i32
      %dma_start3A_719 = arith.constant 0 : i32
      %dma_start3A_720 = arith.constant 0 : i32
      %dma_start3A_721 = arith.constant 0 : i32
      %dma_start3A_722 = tpu.memref_slice %arg7[%dma_start3A_718, %dma_start3A_720, %dma_start3A_721] : memref<2x640x32xf32, #tpu.memory_space<vmem>> -> memref<1x128x32xf32, #tpu.memory_space<vmem>>
      %dma_start3A_723 = tpu.memref_squeeze %dma_start3A_722 : memref<1x128x32xf32, #tpu.memory_space<vmem>> -> memref<128x32xf32, #tpu.memory_space<vmem>>
      %dma_start3A_724 = arith.constant 0 : i32
      %dma_start3A_725 = tpu.memref_slice %arg6[%dma_start3A_716, %dma_start3A_717, %dma_start3A_724] : memref<2x5x128xi32, #tpu.memory_space<vmem>> -> memref<1x1x128xi32, #tpu.memory_space<vmem>>
      %dma_start3A_726 = tpu.memref_squeeze %dma_start3A_725 : memref<1x1x128xi32, #tpu.memory_space<vmem>> -> memref<128xi32, #tpu.memory_space<vmem>>
      %dma_start3A_727 = arith.constant 0 : i32
      %dma_start3A_728 = arith.constant 0 : i32
      %dma_start3A_729 = tpu.memref_slice %arg2[%dma_start3A_727, %dma_start3A_728] : memref<1000000x32xf32, #tpu.memory_space<hbm>> -> memref<1000000x32xf32, #tpu.memory_space<hbm>>
      %dma_start3A_730 = tpu.memref_slice %arg10[%dma_start3A_719] : memref<2x!tpu.dma_semaphore, #tpu.memory_space<semaphore_mem>> -> memref<1x!tpu.dma_semaphore, #tpu.memory_space<semaphore_mem>>
      %dma_start3A_731 = tpu.memref_squeeze %dma_start3A_730 : memref<1x!tpu.dma_semaphore, #tpu.memory_space<semaphore_mem>> -> memref<!tpu.dma_semaphore, #tpu.memory_space<semaphore_mem>>
      tpu.enqueue_indirect_dma source(%dma_start3A_729 : memref<1000000x32xf32, #tpu.memory_space<hbm>>) target(%dma_start3A_723 : memref<128x32xf32, #tpu.memory_space<vmem>>) offsets(%dma_start3A_726 : memref<128xi32, #tpu.memory_space<vmem>>) semaphore(%dma_start3A_731 : memref<!tpu.dma_semaphore, #tpu.memory_space<semaphore_mem>>)
      %dma_start3A_732 = arith.constant 0 : i32
      %dma_start3A_733 = arith.constant 1 : i32
      %dma_start3A_734 = arith.constant 0 : i32
      %dma_start3A_735 = arith.constant 0 : i32
      %dma_start3A_736 = arith.constant 128 : i32
      %dma_start3A_737 = arith.constant 0 : i32
      %dma_start3A_738 = tpu.memref_slice %arg7[%dma_start3A_734, %dma_start3A_736, %dma_start3A_737] : memref<2x640x32xf32, #tpu.memory_space<vmem>> -> memref<1x128x32xf32, #tpu.memory_space<vmem>>
      %dma_start3A_739 = tpu.memref_squeeze %dma_start3A_738 : memref<1x128x32xf32, #tpu.memory_space<vmem>> -> memref<128x32xf32, #tpu.memory_space<vmem>>
      %dma_start3A_740 = arith.constant 0 : i32
      %dma_start3A_741 = tpu.memref_slice %arg6[%dma_start3A_732, %dma_start3A_733, %dma_start3A_740] : memref<2x5x128xi32, #tpu.memory_space<vmem>> -> memref<1x1x128xi32, #tpu.memory_space<vmem>>
      %dma_start3A_742 = tpu.memref_squeeze %dma_start3A_741 : memref<1x1x128xi32, #tpu.memory_space<vmem>> -> memref<128xi32, #tpu.memory_space<vmem>>
      %dma_start3A_743 = arith.constant 0 : i32
      %dma_start3A_744 = arith.constant 0 : i32
      %dma_start3A_745 = tpu.memref_slice %arg2[%dma_start3A_743, %dma_start3A_744] : memref<1000000x32xf32, #tpu.memory_space<hbm>> -> memref<1000000x32xf32, #tpu.memory_space<hbm>>
      %dma_start3A_746 = tpu.memref_slice %arg10[%dma_start3A_735] : memref<2x!tpu.dma_semaphore, #tpu.memory_space<semaphore_mem>> -> memref<1x!tpu.dma_semaphore, #tpu.memory_space<semaphore_mem>>
      %dma_start3A_747 = tpu.memref_squeeze %dma_start3A_746 : memref<1x!tpu.dma_semaphore, #tpu.memory_space<semaphore_mem>> -> memref<!tpu.dma_semaphore, #tpu.memory_space<semaphore_mem>>
      tpu.enqueue_indirect_dma source(%dma_start3A_745 : memref<1000000x32xf32, #tpu.memory_space<hbm>>) target(%dma_start3A_739 : memref<128x32xf32, #tpu.memory_space<vmem>>) offsets(%dma_start3A_742 : memref<128xi32, #tpu.memory_space<vmem>>) semaphore(%dma_start3A_747 : memref<!tpu.dma_semaphore, #tpu.memory_space<semaphore_mem>>)
      %dma_start3A_748 = arith.constant 0 : i32
      %dma_start3A_749 = arith.constant 2 : i32
      %dma_start3A_750 = arith.constant 0 : i32
      %dma_start3A_751 = arith.constant 0 : i32
      %dma_start3A_752 = arith.constant 256 : i32
      %dma_start3A_753 = arith.constant 0 : i32
      %dma_start3A_754 = tpu.memref_slice %arg7[%dma_start3A_750, %dma_start3A_752, %dma_start3A_753] : memref<2x640x32xf32, #tpu.memory_space<vmem>> -> memref<1x128x32xf32, #tpu.memory_space<vmem>>
      %dma_start3A_755 = tpu.memref_squeeze %dma_start3A_754 : memref<1x128x32xf32, #tpu.memory_space<vmem>> -> memref<128x32xf32, #tpu.memory_space<vmem>>
      %dma_start3A_756 = arith.constant 0 : i32
      %dma_start3A_757 = tpu.memref_slice %arg6[%dma_start3A_748, %dma_start3A_749, %dma_start3A_756] : memref<2x5x128xi32, #tpu.memory_space<vmem>> -> memref<1x1x128xi32, #tpu.memory_space<vmem>>
      %dma_start3A_758 = tpu.memref_squeeze %dma_start3A_757 : memref<1x1x128xi32, #tpu.memory_space<vmem>> -> memref<128xi32, #tpu.memory_space<vmem>>
      %dma_start3A_759 = arith.constant 0 : i32
      %dma_start3A_760 = arith.constant 0 : i32
      %dma_start3A_761 = tpu.memref_slice %arg2[%dma_start3A_759, %dma_start3A_760] : memref<1000000x32xf32, #tpu.memory_space<hbm>> -> memref<1000000x32xf32, #tpu.memory_space<hbm>>
      %dma_start3A_762 = tpu.memref_slice %arg10[%dma_start3A_751] : memref<2x!tpu.dma_semaphore, #tpu.memory_space<semaphore_mem>> -> memref<1x!tpu.dma_semaphore, #tpu.memory_space<semaphore_mem>>
      %dma_start3A_763 = tpu.memref_squeeze %dma_start3A_762 : memref<1x!tpu.dma_semaphore, #tpu.memory_space<semaphore_mem>> -> memref<!tpu.dma_semaphore, #tpu.memory_space<semaphore_mem>>
      tpu.enqueue_indirect_dma source(%dma_start3A_761 : memref<1000000x32xf32, #tpu.memory_space<hbm>>) target(%dma_start3A_755 : memref<128x32xf32, #tpu.memory_space<vmem>>) offsets(%dma_start3A_758 : memref<128xi32, #tpu.memory_space<vmem>>) semaphore(%dma_start3A_763 : memref<!tpu.dma_semaphore, #tpu.memory_space<semaphore_mem>>)
      %dma_start3A_764 = arith.constant 0 : i32
      %dma_start3A_765 = arith.constant 3 : i32
      %dma_start3A_766 = arith.constant 0 : i32
      %dma_start3A_767 = arith.constant 0 : i32
      %dma_start3A_768 = arith.constant 384 : i32
      %dma_start3A_769 = arith.constant 0 : i32
      %dma_start3A_770 = tpu.memref_slice %arg7[%dma_start3A_766, %dma_start3A_768, %dma_start3A_769] : memref<2x640x32xf32, #tpu.memory_space<vmem>> -> memref<1x128x32xf32, #tpu.memory_space<vmem>>
      %dma_start3A_771 = tpu.memref_squeeze %dma_start3A_770 : memref<1x128x32xf32, #tpu.memory_space<vmem>> -> memref<128x32xf32, #tpu.memory_space<vmem>>
      %dma_start3A_772 = arith.constant 0 : i32
      %dma_start3A_773 = tpu.memref_slice %arg6[%dma_start3A_764, %dma_start3A_765, %dma_start3A_772] : memref<2x5x128xi32, #tpu.memory_space<vmem>> -> memref<1x1x128xi32, #tpu.memory_space<vmem>>
      %dma_start3A_774 = tpu.memref_squeeze %dma_start3A_773 : memref<1x1x128xi32, #tpu.memory_space<vmem>> -> memref<128xi32, #tpu.memory_space<vmem>>
      %dma_start3A_775 = arith.constant 0 : i32
      %dma_start3A_776 = arith.constant 0 : i32
      %dma_start3A_777 = tpu.memref_slice %arg2[%dma_start3A_775, %dma_start3A_776] : memref<1000000x32xf32, #tpu.memory_space<hbm>> -> memref<1000000x32xf32, #tpu.memory_space<hbm>>
      %dma_start3A_778 = tpu.memref_slice %arg10[%dma_start3A_767] : memref<2x!tpu.dma_semaphore, #tpu.memory_space<semaphore_mem>> -> memref<1x!tpu.dma_semaphore, #tpu.memory_space<semaphore_mem>>
      %dma_start3A_779 = tpu.memref_squeeze %dma_start3A_778 : memref<1x!tpu.dma_semaphore, #tpu.memory_space<semaphore_mem>> -> memref<!tpu.dma_semaphore, #tpu.memory_space<semaphore_mem>>
      tpu.enqueue_indirect_dma source(%dma_start3A_777 : memref<1000000x32xf32, #tpu.memory_space<hbm>>) target(%dma_start3A_771 : memref<128x32xf32, #tpu.memory_space<vmem>>) offsets(%dma_start3A_774 : memref<128xi32, #tpu.memory_space<vmem>>) semaphore(%dma_start3A_779 : memref<!tpu.dma_semaphore, #tpu.memory_space<semaphore_mem>>)
      %dma_start3A_780 = arith.constant 0 : i32
      %dma_start3A_781 = arith.constant 4 : i32
      %dma_start3A_782 = arith.constant 0 : i32
      %dma_start3A_783 = arith.constant 0 : i32
      %dma_start3A_784 = arith.constant 512 : i32
      %dma_start3A_785 = arith.constant 0 : i32
      %dma_start3A_786 = tpu.memref_slice %arg7[%dma_start3A_782, %dma_start3A_784, %dma_start3A_785] : memref<2x640x32xf32, #tpu.memory_space<vmem>> -> memref<1x128x32xf32, #tpu.memory_space<vmem>>
      %dma_start3A_787 = tpu.memref_squeeze %dma_start3A_786 : memref<1x128x32xf32, #tpu.memory_space<vmem>> -> memref<128x32xf32, #tpu.memory_space<vmem>>
      %dma_start3A_788 = arith.constant 0 : i32
      %dma_start3A_789 = tpu.memref_slice %arg6[%dma_start3A_780, %dma_start3A_781, %dma_start3A_788] : memref<2x5x128xi32, #tpu.memory_space<vmem>> -> memref<1x1x128xi32, #tpu.memory_space<vmem>>
      %dma_start3A_790 = tpu.memref_squeeze %dma_start3A_789 : memref<1x1x128xi32, #tpu.memory_space<vmem>> -> memref<128xi32, #tpu.memory_space<vmem>>
      %dma_start3A_791 = arith.constant 0 : i32
      %dma_start3A_792 = arith.constant 0 : i32
      %dma_start3A_793 = tpu.memref_slice %arg2[%dma_start3A_791, %dma_start3A_792] : memref<1000000x32xf32, #tpu.memory_space<hbm>> -> memref<1000000x32xf32, #tpu.memory_space<hbm>>
      %dma_start3A_794 = tpu.memref_slice %arg10[%dma_start3A_783] : memref<2x!tpu.dma_semaphore, #tpu.memory_space<semaphore_mem>> -> memref<1x!tpu.dma_semaphore, #tpu.memory_space<semaphore_mem>>
      %dma_start3A_795 = tpu.memref_squeeze %dma_start3A_794 : memref<1x!tpu.dma_semaphore, #tpu.memory_space<semaphore_mem>> -> memref<!tpu.dma_semaphore, #tpu.memory_space<semaphore_mem>>
      tpu.enqueue_indirect_dma source(%dma_start3A_793 : memref<1000000x32xf32, #tpu.memory_space<hbm>>) target(%dma_start3A_787 : memref<128x32xf32, #tpu.memory_space<vmem>>) offsets(%dma_start3A_790 : memref<128xi32, #tpu.memory_space<vmem>>) semaphore(%dma_start3A_795 : memref<!tpu.dma_semaphore, #tpu.memory_space<semaphore_mem>>)
      %dma_wait3A_796 = arith.constant 0 : i32
      %dma_wait3A_797 = arith.constant 0 : i32
      %dma_wait3A_798 = arith.constant 0 : i32
      %dma_wait3A_799 = arith.constant 0 : i32
      %dma_wait3A_800 = arith.constant 0 : i32
      %dma_wait3A_801 = arith.constant 0 : i32
      %dma_wait3A_802 = tpu.memref_slice %arg7[%dma_wait3A_798, %dma_wait3A_800, %dma_wait3A_801] : memref<2x640x32xf32, #tpu.memory_space<vmem>> -> memref<1x128x32xf32, #tpu.memory_space<vmem>>
      %dma_wait3A_803 = tpu.memref_squeeze %dma_wait3A_802 : memref<1x128x32xf32, #tpu.memory_space<vmem>> -> memref<128x32xf32, #tpu.memory_space<vmem>>
      %dma_wait3A_804 = arith.constant 0 : i32
      %dma_wait3A_805 = tpu.memref_slice %arg6[%dma_wait3A_796, %dma_wait3A_797, %dma_wait3A_804] : memref<2x5x128xi32, #tpu.memory_space<vmem>> -> memref<1x1x128xi32, #tpu.memory_space<vmem>>
      %dma_wait3A_806 = tpu.memref_squeeze %dma_wait3A_805 : memref<1x1x128xi32, #tpu.memory_space<vmem>> -> memref<128xi32, #tpu.memory_space<vmem>>
      %dma_wait3A_807 = arith.constant 0 : i32
      %dma_wait3A_808 = arith.constant 0 : i32
      %dma_wait3A_809 = tpu.memref_slice %arg2[%dma_wait3A_807, %dma_wait3A_808] : memref<1000000x32xf32, #tpu.memory_space<hbm>> -> memref<1000000x32xf32, #tpu.memory_space<hbm>>
      %dma_wait3A_810 = tpu.memref_slice %arg10[%dma_wait3A_799] : memref<2x!tpu.dma_semaphore, #tpu.memory_space<semaphore_mem>> -> memref<1x!tpu.dma_semaphore, #tpu.memory_space<semaphore_mem>>
      %dma_wait3A_811 = tpu.memref_squeeze %dma_wait3A_810 : memref<1x!tpu.dma_semaphore, #tpu.memory_space<semaphore_mem>> -> memref<!tpu.dma_semaphore, #tpu.memory_space<semaphore_mem>>
      tpu.wait_indirect_dma semaphore(%dma_wait3A_811 : memref<!tpu.dma_semaphore, #tpu.memory_space<semaphore_mem>>) src(%dma_wait3A_809 : memref<1000000x32xf32, #tpu.memory_space<hbm>>) dst(%dma_wait3A_803 : memref<128x32xf32, #tpu.memory_space<vmem>>)
      %dma_wait3A_812 = arith.constant 0 : i32
      %dma_wait3A_813 = arith.constant 1 : i32
      %dma_wait3A_814 = arith.constant 0 : i32
      %dma_wait3A_815 = arith.constant 0 : i32
      %dma_wait3A_816 = arith.constant 128 : i32
      %dma_wait3A_817 = arith.constant 0 : i32
      %dma_wait3A_818 = tpu.memref_slice %arg7[%dma_wait3A_814, %dma_wait3A_816, %dma_wait3A_817] : memref<2x640x32xf32, #tpu.memory_space<vmem>> -> memref<1x128x32xf32, #tpu.memory_space<vmem>>
      %dma_wait3A_819 = tpu.memref_squeeze %dma_wait3A_818 : memref<1x128x32xf32, #tpu.memory_space<vmem>> -> memref<128x32xf32, #tpu.memory_space<vmem>>
      %dma_wait3A_820 = arith.constant 0 : i32
      %dma_wait3A_821 = tpu.memref_slice %arg6[%dma_wait3A_812, %dma_wait3A_813, %dma_wait3A_820] : memref<2x5x128xi32, #tpu.memory_space<vmem>> -> memref<1x1x128xi32, #tpu.memory_space<vmem>>
      %dma_wait3A_822 = tpu.memref_squeeze %dma_wait3A_821 : memref<1x1x128xi32, #tpu.memory_space<vmem>> -> memref<128xi32, #tpu.memory_space<vmem>>
      %dma_wait3A_823 = arith.constant 0 : i32
      %dma_wait3A_824 = arith.constant 0 : i32
      %dma_wait3A_825 = tpu.memref_slice %arg2[%dma_wait3A_823, %dma_wait3A_824] : memref<1000000x32xf32, #tpu.memory_space<hbm>> -> memref<1000000x32xf32, #tpu.memory_space<hbm>>
      %dma_wait3A_826 = tpu.memref_slice %arg10[%dma_wait3A_815] : memref<2x!tpu.dma_semaphore, #tpu.memory_space<semaphore_mem>> -> memref<1x!tpu.dma_semaphore, #tpu.memory_space<semaphore_mem>>
      %dma_wait3A_827 = tpu.memref_squeeze %dma_wait3A_826 : memref<1x!tpu.dma_semaphore, #tpu.memory_space<semaphore_mem>> -> memref<!tpu.dma_semaphore, #tpu.memory_space<semaphore_mem>>
      tpu.wait_indirect_dma semaphore(%dma_wait3A_827 : memref<!tpu.dma_semaphore, #tpu.memory_space<semaphore_mem>>) src(%dma_wait3A_825 : memref<1000000x32xf32, #tpu.memory_space<hbm>>) dst(%dma_wait3A_819 : memref<128x32xf32, #tpu.memory_space<vmem>>)
      %dma_wait3A_828 = arith.constant 0 : i32
      %dma_wait3A_829 = arith.constant 2 : i32
      %dma_wait3A_830 = arith.constant 0 : i32
      %dma_wait3A_831 = arith.constant 0 : i32
      %dma_wait3A_832 = arith.constant 256 : i32
      %dma_wait3A_833 = arith.constant 0 : i32
      %dma_wait3A_834 = tpu.memref_slice %arg7[%dma_wait3A_830, %dma_wait3A_832, %dma_wait3A_833] : memref<2x640x32xf32, #tpu.memory_space<vmem>> -> memref<1x128x32xf32, #tpu.memory_space<vmem>>
      %dma_wait3A_835 = tpu.memref_squeeze %dma_wait3A_834 : memref<1x128x32xf32, #tpu.memory_space<vmem>> -> memref<128x32xf32, #tpu.memory_space<vmem>>
      %dma_wait3A_836 = arith.constant 0 : i32
      %dma_wait3A_837 = tpu.memref_slice %arg6[%dma_wait3A_828, %dma_wait3A_829, %dma_wait3A_836] : memref<2x5x128xi32, #tpu.memory_space<vmem>> -> memref<1x1x128xi32, #tpu.memory_space<vmem>>
      %dma_wait3A_838 = tpu.memref_squeeze %dma_wait3A_837 : memref<1x1x128xi32, #tpu.memory_space<vmem>> -> memref<128xi32, #tpu.memory_space<vmem>>
      %dma_wait3A_839 = arith.constant 0 : i32
      %dma_wait3A_840 = arith.constant 0 : i32
      %dma_wait3A_841 = tpu.memref_slice %arg2[%dma_wait3A_839, %dma_wait3A_840] : memref<1000000x32xf32, #tpu.memory_space<hbm>> -> memref<1000000x32xf32, #tpu.memory_space<hbm>>
      %dma_wait3A_842 = tpu.memref_slice %arg10[%dma_wait3A_831] : memref<2x!tpu.dma_semaphore, #tpu.memory_space<semaphore_mem>> -> memref<1x!tpu.dma_semaphore, #tpu.memory_space<semaphore_mem>>
      %dma_wait3A_843 = tpu.memref_squeeze %dma_wait3A_842 : memref<1x!tpu.dma_semaphore, #tpu.memory_space<semaphore_mem>> -> memref<!tpu.dma_semaphore, #tpu.memory_space<semaphore_mem>>
      tpu.wait_indirect_dma semaphore(%dma_wait3A_843 : memref<!tpu.dma_semaphore, #tpu.memory_space<semaphore_mem>>) src(%dma_wait3A_841 : memref<1000000x32xf32, #tpu.memory_space<hbm>>) dst(%dma_wait3A_835 : memref<128x32xf32, #tpu.memory_space<vmem>>)
      %dma_wait3A_844 = arith.constant 0 : i32
      %dma_wait3A_845 = arith.constant 3 : i32
      %dma_wait3A_846 = arith.constant 0 : i32
      %dma_wait3A_847 = arith.constant 0 : i32
      %dma_wait3A_848 = arith.constant 384 : i32
      %dma_wait3A_849 = arith.constant 0 : i32
      %dma_wait3A_850 = tpu.memref_slice %arg7[%dma_wait3A_846, %dma_wait3A_848, %dma_wait3A_849] : memref<2x640x32xf32, #tpu.memory_space<vmem>> -> memref<1x128x32xf32, #tpu.memory_space<vmem>>
      %dma_wait3A_851 = tpu.memref_squeeze %dma_wait3A_850 : memref<1x128x32xf32, #tpu.memory_space<vmem>> -> memref<128x32xf32, #tpu.memory_space<vmem>>
      %dma_wait3A_852 = arith.constant 0 : i32
      %dma_wait3A_853 = tpu.memref_slice %arg6[%dma_wait3A_844, %dma_wait3A_845, %dma_wait3A_852] : memref<2x5x128xi32, #tpu.memory_space<vmem>> -> memref<1x1x128xi32, #tpu.memory_space<vmem>>
      %dma_wait3A_854 = tpu.memref_squeeze %dma_wait3A_853 : memref<1x1x128xi32, #tpu.memory_space<vmem>> -> memref<128xi32, #tpu.memory_space<vmem>>
      %dma_wait3A_855 = arith.constant 0 : i32
      %dma_wait3A_856 = arith.constant 0 : i32
      %dma_wait3A_857 = tpu.memref_slice %arg2[%dma_wait3A_855, %dma_wait3A_856] : memref<1000000x32xf32, #tpu.memory_space<hbm>> -> memref<1000000x32xf32, #tpu.memory_space<hbm>>
      %dma_wait3A_858 = tpu.memref_slice %arg10[%dma_wait3A_847] : memref<2x!tpu.dma_semaphore, #tpu.memory_space<semaphore_mem>> -> memref<1x!tpu.dma_semaphore, #tpu.memory_space<semaphore_mem>>
      %dma_wait3A_859 = tpu.memref_squeeze %dma_wait3A_858 : memref<1x!tpu.dma_semaphore, #tpu.memory_space<semaphore_mem>> -> memref<!tpu.dma_semaphore, #tpu.memory_space<semaphore_mem>>
      tpu.wait_indirect_dma semaphore(%dma_wait3A_859 : memref<!tpu.dma_semaphore, #tpu.memory_space<semaphore_mem>>) src(%dma_wait3A_857 : memref<1000000x32xf32, #tpu.memory_space<hbm>>) dst(%dma_wait3A_851 : memref<128x32xf32, #tpu.memory_space<vmem>>)
      %dma_wait3A_860 = arith.constant 0 : i32
      %dma_wait3A_861 = arith.constant 4 : i32
      %dma_wait3A_862 = arith.constant 0 : i32
      %dma_wait3A_863 = arith.constant 0 : i32
      %dma_wait3A_864 = arith.constant 512 : i32
      %dma_wait3A_865 = arith.constant 0 : i32
      %dma_wait3A_866 = tpu.memref_slice %arg7[%dma_wait3A_862, %dma_wait3A_864, %dma_wait3A_865] : memref<2x640x32xf32, #tpu.memory_space<vmem>> -> memref<1x128x32xf32, #tpu.memory_space<vmem>>
      %dma_wait3A_867 = tpu.memref_squeeze %dma_wait3A_866 : memref<1x128x32xf32, #tpu.memory_space<vmem>> -> memref<128x32xf32, #tpu.memory_space<vmem>>
      %dma_wait3A_868 = arith.constant 0 : i32
      %dma_wait3A_869 = tpu.memref_slice %arg6[%dma_wait3A_860, %dma_wait3A_861, %dma_wait3A_868] : memref<2x5x128xi32, #tpu.memory_space<vmem>> -> memref<1x1x128xi32, #tpu.memory_space<vmem>>
      %dma_wait3A_870 = tpu.memref_squeeze %dma_wait3A_869 : memref<1x1x128xi32, #tpu.memory_space<vmem>> -> memref<128xi32, #tpu.memory_space<vmem>>
      %dma_wait3A_871 = arith.constant 0 : i32
      %dma_wait3A_872 = arith.constant 0 : i32
      %dma_wait3A_873 = tpu.memref_slice %arg2[%dma_wait3A_871, %dma_wait3A_872] : memref<1000000x32xf32, #tpu.memory_space<hbm>> -> memref<1000000x32xf32, #tpu.memory_space<hbm>>
      %dma_wait3A_874 = tpu.memref_slice %arg10[%dma_wait3A_863] : memref<2x!tpu.dma_semaphore, #tpu.memory_space<semaphore_mem>> -> memref<1x!tpu.dma_semaphore, #tpu.memory_space<semaphore_mem>>
      %dma_wait3A_875 = tpu.memref_squeeze %dma_wait3A_874 : memref<1x!tpu.dma_semaphore, #tpu.memory_space<semaphore_mem>> -> memref<!tpu.dma_semaphore, #tpu.memory_space<semaphore_mem>>
      tpu.wait_indirect_dma semaphore(%dma_wait3A_875 : memref<!tpu.dma_semaphore, #tpu.memory_space<semaphore_mem>>) src(%dma_wait3A_873 : memref<1000000x32xf32, #tpu.memory_space<hbm>>) dst(%dma_wait3A_867 : memref<128x32xf32, #tpu.memory_space<vmem>>)
      %ge3A = arith.constant 2 : i32
      %ge3A_876 = arith.cmpi sge, %add3A_172, %ge3A : i32
      %convert_element_type3A = arith.extui %ge3A_876 : i1 to i32
      %cond3A = arith.constant 0 : i32
      %cond3A_877 = arith.cmpi ne, %convert_element_type3A, %cond3A : i32
      scf.if %cond3A_877 {
        %sub3A_1906 = arith.constant 2 : i32
        %sub3A_1907 = arith.subi %add3A_172, %sub3A_1906 : i32
        %jit3A_1908 = arith.constant 20 : i32
        %eq3A_1909 = arith.constant 0 : i32
        %eq3A_1910 = arith.cmpi eq, %jit3A_1908, %eq3A_1909 : i32
        %jit3A_1911 = arith.constant 1 : i32
        %select_n3A_1912 = arith.select %eq3A_1910, %jit3A_1911, %jit3A_1908 : i32
        %rem3A_1913 = arith.remsi %sub3A_1907, %select_n3A_1912 : i32
        %ne3A_1914 = arith.constant 0 : i32
        %ne3A_1915 = arith.cmpi ne, %rem3A_1913, %ne3A_1914 : i32
        %lt3A_1916 = arith.constant 0 : i32
        %lt3A_1917 = arith.cmpi slt, %rem3A_1913, %lt3A_1916 : i32
        %lt3A_1918 = arith.constant 0 : i32
        %lt3A_1919 = arith.cmpi slt, %select_n3A_1912, %lt3A_1918 : i32
        %ne3A_1920 = arith.xori %lt3A_1917, %lt3A_1919 : i1
        %and3A_1921 = arith.andi %ne3A_1920, %ne3A_1915 : i1
        %add3A_1922 = arith.addi %rem3A_1913, %select_n3A_1912 : i32
        %select_n3A_1923 = arith.select %and3A_1921, %add3A_1922, %rem3A_1913 : i32
        %mul3A_1924 = arith.constant 10 : i32
        %mul3A_1925 = arith.muli %select_n3A_1923, %mul3A_1924 : i32
        %jit3A_1926 = arith.constant 20 : i32
        %div3A_1927 = arith.divsi %sub3A_1907, %jit3A_1926 : i32
        %sign3A_1928 = arith.constant 0 : i32
        %sign3A_1929 = arith.cmpi sgt, %sub3A_1907, %sign3A_1928 : i32
        %sign3A_1930 = arith.extui %sign3A_1929 : i1 to i32
        %sign3A_1931 = arith.constant 0 : i32
        %sign3A_1932 = arith.cmpi slt, %sub3A_1907, %sign3A_1931 : i32
        %sign3A_1933 = arith.extui %sign3A_1932 : i1 to i32
        %sign3A_1934 = arith.subi %sign3A_1930, %sign3A_1933 : i32
        %sign3A_1935 = arith.constant 0 : i32
        %sign3A_1936 = arith.cmpi sgt, %jit3A_1926, %sign3A_1935 : i32
        %sign3A_1937 = arith.extui %sign3A_1936 : i1 to i32
        %sign3A_1938 = arith.constant 0 : i32
        %sign3A_1939 = arith.cmpi slt, %jit3A_1926, %sign3A_1938 : i32
        %sign3A_1940 = arith.extui %sign3A_1939 : i1 to i32
        %sign3A_1941 = arith.subi %sign3A_1937, %sign3A_1940 : i32
        %ne3A_1942 = arith.cmpi ne, %sign3A_1934, %sign3A_1941 : i32
        %rem3A_1943 = arith.remsi %sub3A_1907, %jit3A_1926 : i32
        %ne3A_1944 = arith.constant 0 : i32
        %ne3A_1945 = arith.cmpi ne, %rem3A_1943, %ne3A_1944 : i32
        %and3A_1946 = arith.andi %ne3A_1942, %ne3A_1945 : i1
        %sub3A_1947 = arith.constant 1 : i32
        %sub3A_1948 = arith.subi %div3A_1927, %sub3A_1947 : i32
        %select_n3A_1949 = arith.select %and3A_1946, %sub3A_1948, %div3A_1927 : i32
        %mul3A_1950 = arith.constant 64 : i32
        %mul3A_1951 = arith.muli %select_n3A_1949, %mul3A_1950 : i32
        %add3A_1952 = arith.addi %mul3A_2, %mul3A_1951 : i32
        %jit3A_1953 = arith.constant 128 : i32
        %div3A_1954 = arith.divsi %add3A_1952, %jit3A_1953 : i32
        %sign3A_1955 = arith.constant 0 : i32
        %sign3A_1956 = arith.cmpi sgt, %add3A_1952, %sign3A_1955 : i32
        %sign3A_1957 = arith.extui %sign3A_1956 : i1 to i32
        %sign3A_1958 = arith.constant 0 : i32
        %sign3A_1959 = arith.cmpi slt, %add3A_1952, %sign3A_1958 : i32
        %sign3A_1960 = arith.extui %sign3A_1959 : i1 to i32
        %sign3A_1961 = arith.subi %sign3A_1957, %sign3A_1960 : i32
        %sign3A_1962 = arith.constant 0 : i32
        %sign3A_1963 = arith.cmpi sgt, %jit3A_1953, %sign3A_1962 : i32
        %sign3A_1964 = arith.extui %sign3A_1963 : i1 to i32
        %sign3A_1965 = arith.constant 0 : i32
        %sign3A_1966 = arith.cmpi slt, %jit3A_1953, %sign3A_1965 : i32
        %sign3A_1967 = arith.extui %sign3A_1966 : i1 to i32
        %sign3A_1968 = arith.subi %sign3A_1964, %sign3A_1967 : i32
        %ne3A_1969 = arith.cmpi ne, %sign3A_1961, %sign3A_1968 : i32
        %rem3A_1970 = arith.remsi %add3A_1952, %jit3A_1953 : i32
        %ne3A_1971 = arith.constant 0 : i32
        %ne3A_1972 = arith.cmpi ne, %rem3A_1970, %ne3A_1971 : i32
        %and3A_1973 = arith.andi %ne3A_1969, %ne3A_1972 : i1
        %sub3A_1974 = arith.constant 1 : i32
        %sub3A_1975 = arith.subi %div3A_1954, %sub3A_1974 : i32
        %select_n3A_1976 = arith.select %and3A_1973, %sub3A_1975, %div3A_1954 : i32
        %jit3A_1977 = arith.constant 128 : i32
        %eq3A_1978 = arith.constant 0 : i32
        %eq3A_1979 = arith.cmpi eq, %jit3A_1977, %eq3A_1978 : i32
        %jit3A_1980 = arith.constant 1 : i32
        %select_n3A_1981 = arith.select %eq3A_1979, %jit3A_1980, %jit3A_1977 : i32
        %rem3A_1982 = arith.remsi %add3A_1952, %select_n3A_1981 : i32
        %ne3A_1983 = arith.constant 0 : i32
        %ne3A_1984 = arith.cmpi ne, %rem3A_1982, %ne3A_1983 : i32
        %lt3A_1985 = arith.constant 0 : i32
        %lt3A_1986 = arith.cmpi slt, %rem3A_1982, %lt3A_1985 : i32
        %lt3A_1987 = arith.constant 0 : i32
        %lt3A_1988 = arith.cmpi slt, %select_n3A_1981, %lt3A_1987 : i32
        %ne3A_1989 = arith.xori %lt3A_1986, %lt3A_1988 : i1
        %and3A_1990 = arith.andi %ne3A_1989, %ne3A_1984 : i1
        %add3A_1991 = arith.addi %rem3A_1982, %select_n3A_1981 : i32
        %select_n3A_1992 = arith.select %and3A_1990, %add3A_1991, %rem3A_1982 : i32
        %dma_wait3A_1993 = arith.constant 0 : i32
        %dma_wait3A_1994 = arith.constant 0 : i32
        %dma_wait3A_1995 = arith.constant 0 : i32
        %dma_wait3A_1996 = arith.constant 0 : i32
        %dma_wait3A_1997 = arith.constant 0 : i32
        %dma_wait3A_1998 = arith.constant 0 : i32
        %dma_wait3A_1999 = arith.constant 0 : i32
        %dma_wait3A_2000 = tpu.memref_slice %arg8[%dma_wait3A_1993, %dma_wait3A_1995, %dma_wait3A_1996, %dma_wait3A_1997, %dma_wait3A_1998, %dma_wait3A_1999] : memref<2x10x4x1x8x65xf32, #tpu.memory_space<vmem>> -> memref<1x10x4x1x8x64xf32, #tpu.memory_space<vmem>>
        %dma_wait3A_2001 = tpu.memref_squeeze %dma_wait3A_2000 : memref<1x10x4x1x8x64xf32, #tpu.memory_space<vmem>> -> memref<10x4x1x8x64xf32, #tpu.memory_space<vmem>>
        %dma_wait3A_2002 = arith.constant 0 : i32
        %dma_wait3A_2003 = arith.constant 0 : i32
        %dma_wait3A_2004 = tpu.memref_slice %arg4[%mul3A_1925, %dma_wait3A_2002, %select_n3A_1976, %dma_wait3A_2003, %select_n3A_1992] : memref<200x4x128x8x128xf32, #tpu.memory_space<hbm>> -> memref<10x4x1x8x64xf32, #tpu.memory_space<hbm>>
        %dma_wait3A_2005 = tpu.memref_slice %arg11[%dma_wait3A_1994] : memref<2x!tpu.dma_semaphore, #tpu.memory_space<semaphore_mem>> -> memref<1x!tpu.dma_semaphore, #tpu.memory_space<semaphore_mem>>
        %dma_wait3A_2006 = tpu.memref_squeeze %dma_wait3A_2005 : memref<1x!tpu.dma_semaphore, #tpu.memory_space<semaphore_mem>> -> memref<!tpu.dma_semaphore, #tpu.memory_space<semaphore_mem>>
        %dma_wait3A_2007 = arith.constant 0 : i32
        %dma_wait3A_2008 = arith.constant 0 : i32
        %dma_wait3A_2009 = tpu.memref_slice %arg4[%mul3A_1925, %dma_wait3A_2007, %select_n3A_1976, %dma_wait3A_2008, %select_n3A_1992] : memref<200x4x128x8x128xf32, #tpu.memory_space<hbm>> -> memref<10x4x1x8x64xf32, #tpu.memory_space<hbm>>
        %dma_wait3A_2010 = arith.constant 0 : i32
        %dma_wait3A_2011 = arith.constant 0 : i32
        %dma_wait3A_2012 = arith.constant 0 : i32
        %dma_wait3A_2013 = arith.constant 0 : i32
        %dma_wait3A_2014 = arith.constant 0 : i32
        %dma_wait3A_2015 = tpu.memref_slice %arg8[%dma_wait3A_1993, %dma_wait3A_2010, %dma_wait3A_2011, %dma_wait3A_2012, %dma_wait3A_2013, %dma_wait3A_2014] : memref<2x10x4x1x8x65xf32, #tpu.memory_space<vmem>> -> memref<1x10x4x1x8x64xf32, #tpu.memory_space<vmem>>
        %dma_wait3A_2016 = tpu.memref_squeeze %dma_wait3A_2015 : memref<1x10x4x1x8x64xf32, #tpu.memory_space<vmem>> -> memref<10x4x1x8x64xf32, #tpu.memory_space<vmem>>
        tpu.wait_dma2 semaphore(%dma_wait3A_2006 : memref<!tpu.dma_semaphore, #tpu.memory_space<semaphore_mem>>) src(%dma_wait3A_2016 : memref<10x4x1x8x64xf32, #tpu.memory_space<vmem>>) dst(%dma_wait3A_2009 : memref<10x4x1x8x64xf32, #tpu.memory_space<hbm>>)
      } else {
      }
      %broadcast_in_dim3A = arith.constant 0 : i32
      %broadcast_in_dim3A_878 = vector.broadcast %broadcast_in_dim3A : i32 to vector<16xi32>
      %jit3A_879 = arith.constant 8 : i32
      %div3A_880 = vector.broadcast %jit3A_879 : i32 to vector<16xi32>
      %div3A_881 = arith.divsi %iota3A, %div3A_880 : vector<16xi32>
      %sign3A_882 = arith.constant 0 : i32
      %sign3A_883 = vector.broadcast %sign3A_882 : i32 to vector<16xi32>
      %sign3A_884 = arith.cmpi sgt, %iota3A, %sign3A_883 : vector<16xi32>
      %sign3A_885 = arith.extui %sign3A_884 : vector<16xi1> to vector<16xi32>
      %sign3A_886 = arith.constant 0 : i32
      %sign3A_887 = vector.broadcast %sign3A_886 : i32 to vector<16xi32>
      %sign3A_888 = arith.cmpi slt, %iota3A, %sign3A_887 : vector<16xi32>
      %sign3A_889 = arith.extui %sign3A_888 : vector<16xi1> to vector<16xi32>
      %sign3A_890 = arith.subi %sign3A_885, %sign3A_889 : vector<16xi32>
      %sign3A_891 = arith.constant 0 : i32
      %sign3A_892 = arith.cmpi sgt, %jit3A_879, %sign3A_891 : i32
      %sign3A_893 = arith.extui %sign3A_892 : i1 to i32
      %sign3A_894 = arith.constant 0 : i32
      %sign3A_895 = arith.cmpi slt, %jit3A_879, %sign3A_894 : i32
      %sign3A_896 = arith.extui %sign3A_895 : i1 to i32
      %sign3A_897 = arith.subi %sign3A_893, %sign3A_896 : i32
      %ne3A_898 = vector.broadcast %sign3A_897 : i32 to vector<16xi32>
      %ne3A_899 = arith.cmpi ne, %sign3A_890, %ne3A_898 : vector<16xi32>
      %rem3A_900 = vector.broadcast %jit3A_879 : i32 to vector<16xi32>
      %rem3A_901 = arith.remsi %iota3A, %rem3A_900 : vector<16xi32>
      %ne3A_902 = arith.constant 0 : i32
      %ne3A_903 = vector.broadcast %ne3A_902 : i32 to vector<16xi32>
      %ne3A_904 = arith.cmpi ne, %rem3A_901, %ne3A_903 : vector<16xi32>
      %and3A_905 = arith.andi %ne3A_899, %ne3A_904 : vector<16xi1>
      %sub3A_906 = arith.constant 1 : i32
      %sub3A_907 = vector.broadcast %sub3A_906 : i32 to vector<16xi32>
      %sub3A_908 = arith.subi %div3A_881, %sub3A_907 : vector<16xi32>
      %select_n3A_909 = arith.select %and3A_905, %sub3A_908, %div3A_881 : vector<16xi1>, vector<16xi32>
      %add3A_910 = arith.constant 2 : i32
      %add3A_911 = vector.broadcast %add3A_910 : i32 to vector<16xi32>
      %add3A_912 = arith.addi %select_n3A_909, %add3A_911 : vector<16xi32>
      %broadcast_in_dim3A_913 = arith.constant 8 : i32
      %broadcast_in_dim3A_914 = vector.broadcast %broadcast_in_dim3A_913 : i32 to vector<16xi32>
      %rem3A_915 = arith.remsi %iota3A, %broadcast_in_dim3A_914 : vector<16xi32>
      %parallel_loop3A = arith.constant 0 : i32
      %parallel_loop3A_916 = arith.constant 640 : i32
      %parallel_loop3A_917 = arith.constant 1 : i32
      scf.for %parallel_loop3A_1906 = %parallel_loop3A to %parallel_loop3A_916 step %parallel_loop3A_917  : i32 {
        %parallel_loop3A_1907 = arith.constant 64 : i32
        %parallel_loop3A_1908 = arith.divsi %parallel_loop3A_1906, %parallel_loop3A_1907 : i32
        %parallel_loop3A_1909 = arith.constant 0 : i32
        %parallel_loop3A_1910 = arith.cmpi sgt, %parallel_loop3A_1906, %parallel_loop3A_1909 : i32
        %parallel_loop3A_1911 = arith.extui %parallel_loop3A_1910 : i1 to i32
        %parallel_loop3A_1912 = arith.constant 0 : i32
        %parallel_loop3A_1913 = arith.cmpi slt, %parallel_loop3A_1906, %parallel_loop3A_1912 : i32
        %parallel_loop3A_1914 = arith.extui %parallel_loop3A_1913 : i1 to i32
        %parallel_loop3A_1915 = arith.subi %parallel_loop3A_1911, %parallel_loop3A_1914 : i32
        %parallel_loop3A_1916 = arith.constant 0 : i32
        %parallel_loop3A_1917 = arith.cmpi sgt, %parallel_loop3A_1907, %parallel_loop3A_1916 : i32
        %parallel_loop3A_1918 = arith.extui %parallel_loop3A_1917 : i1 to i32
        %parallel_loop3A_1919 = arith.constant 0 : i32
        %parallel_loop3A_1920 = arith.cmpi slt, %parallel_loop3A_1907, %parallel_loop3A_1919 : i32
        %parallel_loop3A_1921 = arith.extui %parallel_loop3A_1920 : i1 to i32
        %parallel_loop3A_1922 = arith.subi %parallel_loop3A_1918, %parallel_loop3A_1921 : i32
        %parallel_loop3A_1923 = arith.cmpi ne, %parallel_loop3A_1915, %parallel_loop3A_1922 : i32
        %parallel_loop3A_1924 = arith.remsi %parallel_loop3A_1906, %parallel_loop3A_1907 : i32
        %parallel_loop3A_1925 = arith.constant 0 : i32
        %parallel_loop3A_1926 = arith.cmpi ne, %parallel_loop3A_1924, %parallel_loop3A_1925 : i32
        %parallel_loop3A_1927 = arith.andi %parallel_loop3A_1923, %parallel_loop3A_1926 : i1
        %parallel_loop3A_1928 = arith.constant 1 : i32
        %parallel_loop3A_1929 = arith.subi %parallel_loop3A_1908, %parallel_loop3A_1928 : i32
        %parallel_loop3A_1930 = arith.select %parallel_loop3A_1927, %parallel_loop3A_1929, %parallel_loop3A_1908 : i32
        %parallel_loop3A_1931 = arith.constant 64 : i32
        %parallel_loop3A_1932 = arith.constant 0 : i32
        %parallel_loop3A_1933 = arith.cmpi eq, %parallel_loop3A_1931, %parallel_loop3A_1932 : i32
        %parallel_loop3A_1934 = arith.constant 1 : i32
        %parallel_loop3A_1935 = arith.select %parallel_loop3A_1933, %parallel_loop3A_1934, %parallel_loop3A_1931 : i32
        %parallel_loop3A_1936 = arith.remsi %parallel_loop3A_1906, %parallel_loop3A_1935 : i32
        %parallel_loop3A_1937 = arith.constant 0 : i32
        %parallel_loop3A_1938 = arith.cmpi ne, %parallel_loop3A_1936, %parallel_loop3A_1937 : i32
        %parallel_loop3A_1939 = arith.constant 0 : i32
        %parallel_loop3A_1940 = arith.cmpi slt, %parallel_loop3A_1936, %parallel_loop3A_1939 : i32
        %parallel_loop3A_1941 = arith.constant 0 : i32
        %parallel_loop3A_1942 = arith.cmpi slt, %parallel_loop3A_1935, %parallel_loop3A_1941 : i32
        %parallel_loop3A_1943 = arith.xori %parallel_loop3A_1940, %parallel_loop3A_1942 : i1
        %parallel_loop3A_1944 = arith.andi %parallel_loop3A_1943, %parallel_loop3A_1938 : i1
        %parallel_loop3A_1945 = arith.addi %parallel_loop3A_1936, %parallel_loop3A_1935 : i32
        %parallel_loop3A_1946 = arith.select %parallel_loop3A_1944, %parallel_loop3A_1945, %parallel_loop3A_1936 : i32
        %parallel_loop3A_1947 = vector.broadcast %parallel_loop3A_1946 : i32 to vector<16xi32>
        %parallel_loop3A_1948 = arith.constant 0 : i32
        %parallel_loop3A_1949 = arith.index_cast %parallel_loop3A_1948 : i32 to index
        %parallel_loop3A_1950 = arith.index_cast %parallel_loop3A_1906 : i32 to index
        %parallel_loop3A_1951 = arith.constant 0 : index
        %parallel_loop3A_1952 = tpu.vector_load %arg7[%parallel_loop3A_1949, %parallel_loop3A_1950, %parallel_loop3A_1951] {strides = array<i32>} : memref<2x640x32xf32, #tpu.memory_space<vmem>>, vector<16xf32>,
        %parallel_loop3A_1953 = arith.constant 0 : i32
        %parallel_loop3A_1954 = arith.index_cast %parallel_loop3A_1953 : i32 to index
        %parallel_loop3A_1955 = arith.index_cast %parallel_loop3A_1906 : i32 to index
        %parallel_loop3A_1956 = arith.constant 16 : index
        %parallel_loop3A_1957 = tpu.vector_load %arg7[%parallel_loop3A_1954, %parallel_loop3A_1955, %parallel_loop3A_1956] {strides = array<i32>} : memref<2x640x32xf32, #tpu.memory_space<vmem>>, vector<16xf32>,
        %parallel_loop3A_1958 = arith.constant 0 : i32
        %parallel_loop3A_1959 = arith.constant 0 : i32
        %parallel_loop3A_1960 = arith.constant 0 : i32
        %parallel_loop3A_1961 = arith.constant 0 : i32
        %parallel_loop3A_1962 = arith.constant 0 : i32
        %parallel_loop3A_1963 = tpu.memref_slice %arg8[%parallel_loop3A_1958, %parallel_loop3A_1930, %parallel_loop3A_1959, %parallel_loop3A_1960, %parallel_loop3A_1961, %parallel_loop3A_1962] : memref<2x10x4x1x8x65xf32, #tpu.memory_space<vmem>> -> memref<1x1x4x1x8x65xf32, #tpu.memory_space<vmem>>
        %parallel_loop3A_1964 = tpu.memref_squeeze %parallel_loop3A_1963 : memref<1x1x4x1x8x65xf32, #tpu.memory_space<vmem>> -> memref<4x1x8x65xf32, #tpu.memory_space<vmem>>
        tpu.vector_store_idx %parallel_loop3A_1964[%select_n3A_909, %broadcast_in_dim3A_878, %rem3A_915, %parallel_loop3A_1947], %parallel_loop3A_1952 : memref<4x1x8x65xf32, #tpu.memory_space<vmem>>[vector<16xi32>, vector<16xi32>, vector<16xi32>, vector<16xi32>], vector<16xf32>,
        %parallel_loop3A_1965 = arith.constant 0 : i32
        %parallel_loop3A_1966 = arith.constant 0 : i32
        %parallel_loop3A_1967 = arith.constant 0 : i32
        %parallel_loop3A_1968 = arith.constant 0 : i32
        %parallel_loop3A_1969 = arith.constant 0 : i32
        %parallel_loop3A_1970 = tpu.memref_slice %arg8[%parallel_loop3A_1965, %parallel_loop3A_1930, %parallel_loop3A_1966, %parallel_loop3A_1967, %parallel_loop3A_1968, %parallel_loop3A_1969] : memref<2x10x4x1x8x65xf32, #tpu.memory_space<vmem>> -> memref<1x1x4x1x8x65xf32, #tpu.memory_space<vmem>>
        %parallel_loop3A_1971 = tpu.memref_squeeze %parallel_loop3A_1970 : memref<1x1x4x1x8x65xf32, #tpu.memory_space<vmem>> -> memref<4x1x8x65xf32, #tpu.memory_space<vmem>>
        tpu.vector_store_idx %parallel_loop3A_1971[%add3A_912, %broadcast_in_dim3A_878, %rem3A_915, %parallel_loop3A_1947], %parallel_loop3A_1957 : memref<4x1x8x65xf32, #tpu.memory_space<vmem>>[vector<16xi32>, vector<16xi32>, vector<16xi32>, vector<16xi32>], vector<16xf32>,
      } {sc.loop_unroll_factor = 8 : i64, sc.parallel_access}
      %jit3A_918 = arith.constant 20 : i32
      %eq3A_919 = arith.constant 0 : i32
      %eq3A_920 = arith.cmpi eq, %jit3A_918, %eq3A_919 : i32
      %jit3A_921 = arith.constant 1 : i32
      %select_n3A_922 = arith.select %eq3A_920, %jit3A_921, %jit3A_918 : i32
      %rem3A_923 = arith.remsi %add3A_172, %select_n3A_922 : i32
      %ne3A_924 = arith.constant 0 : i32
      %ne3A_925 = arith.cmpi ne, %rem3A_923, %ne3A_924 : i32
      %lt3A_926 = arith.constant 0 : i32
      %lt3A_927 = arith.cmpi slt, %rem3A_923, %lt3A_926 : i32
      %lt3A_928 = arith.constant 0 : i32
      %lt3A_929 = arith.cmpi slt, %select_n3A_922, %lt3A_928 : i32
      %ne3A_930 = arith.xori %lt3A_927, %lt3A_929 : i1
      %and3A_931 = arith.andi %ne3A_930, %ne3A_925 : i1
      %add3A_932 = arith.addi %rem3A_923, %select_n3A_922 : i32
      %select_n3A_933 = arith.select %and3A_931, %add3A_932, %rem3A_923 : i32
      %mul3A_934 = arith.constant 10 : i32
      %mul3A_935 = arith.muli %select_n3A_933, %mul3A_934 : i32
      %jit3A_936 = arith.constant 20 : i32
      %div3A_937 = arith.divsi %add3A_172, %jit3A_936 : i32
      %sign3A_938 = arith.constant 0 : i32
      %sign3A_939 = arith.cmpi sgt, %add3A_172, %sign3A_938 : i32
      %sign3A_940 = arith.extui %sign3A_939 : i1 to i32
      %sign3A_941 = arith.constant 0 : i32
      %sign3A_942 = arith.cmpi slt, %add3A_172, %sign3A_941 : i32
      %sign3A_943 = arith.extui %sign3A_942 : i1 to i32
      %sign3A_944 = arith.subi %sign3A_940, %sign3A_943 : i32
      %sign3A_945 = arith.constant 0 : i32
      %sign3A_946 = arith.cmpi sgt, %jit3A_936, %sign3A_945 : i32
      %sign3A_947 = arith.extui %sign3A_946 : i1 to i32
      %sign3A_948 = arith.constant 0 : i32
      %sign3A_949 = arith.cmpi slt, %jit3A_936, %sign3A_948 : i32
      %sign3A_950 = arith.extui %sign3A_949 : i1 to i32
      %sign3A_951 = arith.subi %sign3A_947, %sign3A_950 : i32
      %ne3A_952 = arith.cmpi ne, %sign3A_944, %sign3A_951 : i32
      %rem3A_953 = arith.remsi %add3A_172, %jit3A_936 : i32
      %ne3A_954 = arith.constant 0 : i32
      %ne3A_955 = arith.cmpi ne, %rem3A_953, %ne3A_954 : i32
      %and3A_956 = arith.andi %ne3A_952, %ne3A_955 : i1
      %sub3A_957 = arith.constant 1 : i32
      %sub3A_958 = arith.subi %div3A_937, %sub3A_957 : i32
      %select_n3A_959 = arith.select %and3A_956, %sub3A_958, %div3A_937 : i32
      %mul3A_960 = arith.constant 64 : i32
      %mul3A_961 = arith.muli %select_n3A_959, %mul3A_960 : i32
      %add3A_962 = arith.addi %mul3A_2, %mul3A_961 : i32
      %jit3A_963 = arith.constant 128 : i32
      %div3A_964 = arith.divsi %add3A_962, %jit3A_963 : i32
      %sign3A_965 = arith.constant 0 : i32
      %sign3A_966 = arith.cmpi sgt, %add3A_962, %sign3A_965 : i32
      %sign3A_967 = arith.extui %sign3A_966 : i1 to i32
      %sign3A_968 = arith.constant 0 : i32
      %sign3A_969 = arith.cmpi slt, %add3A_962, %sign3A_968 : i32
      %sign3A_970 = arith.extui %sign3A_969 : i1 to i32
      %sign3A_971 = arith.subi %sign3A_967, %sign3A_970 : i32
      %sign3A_972 = arith.constant 0 : i32
      %sign3A_973 = arith.cmpi sgt, %jit3A_963, %sign3A_972 : i32
      %sign3A_974 = arith.extui %sign3A_973 : i1 to i32
      %sign3A_975 = arith.constant 0 : i32
      %sign3A_976 = arith.cmpi slt, %jit3A_963, %sign3A_975 : i32
      %sign3A_977 = arith.extui %sign3A_976 : i1 to i32
      %sign3A_978 = arith.subi %sign3A_974, %sign3A_977 : i32
      %ne3A_979 = arith.cmpi ne, %sign3A_971, %sign3A_978 : i32
      %rem3A_980 = arith.remsi %add3A_962, %jit3A_963 : i32
      %ne3A_981 = arith.constant 0 : i32
      %ne3A_982 = arith.cmpi ne, %rem3A_980, %ne3A_981 : i32
      %and3A_983 = arith.andi %ne3A_979, %ne3A_982 : i1
      %sub3A_984 = arith.constant 1 : i32
      %sub3A_985 = arith.subi %div3A_964, %sub3A_984 : i32
      %select_n3A_986 = arith.select %and3A_983, %sub3A_985, %div3A_964 : i32
      %jit3A_987 = arith.constant 128 : i32
      %eq3A_988 = arith.constant 0 : i32
      %eq3A_989 = arith.cmpi eq, %jit3A_987, %eq3A_988 : i32
      %jit3A_990 = arith.constant 1 : i32
      %select_n3A_991 = arith.select %eq3A_989, %jit3A_990, %jit3A_987 : i32
      %rem3A_992 = arith.remsi %add3A_962, %select_n3A_991 : i32
      %ne3A_993 = arith.constant 0 : i32
      %ne3A_994 = arith.cmpi ne, %rem3A_992, %ne3A_993 : i32
      %lt3A_995 = arith.constant 0 : i32
      %lt3A_996 = arith.cmpi slt, %rem3A_992, %lt3A_995 : i32
      %lt3A_997 = arith.constant 0 : i32
      %lt3A_998 = arith.cmpi slt, %select_n3A_991, %lt3A_997 : i32
      %ne3A_999 = arith.xori %lt3A_996, %lt3A_998 : i1
      %and3A_1000 = arith.andi %ne3A_999, %ne3A_994 : i1
      %add3A_1001 = arith.addi %rem3A_992, %select_n3A_991 : i32
      %select_n3A_1002 = arith.select %and3A_1000, %add3A_1001, %rem3A_992 : i32
      %dma_start3A_1003 = arith.constant 0 : i32
      %dma_start3A_1004 = arith.constant 0 : i32
      %dma_start3A_1005 = arith.constant 0 : i32
      %dma_start3A_1006 = arith.constant 0 : i32
      %dma_start3A_1007 = arith.constant 0 : i32
      %dma_start3A_1008 = arith.constant 0 : i32
      %dma_start3A_1009 = arith.constant 0 : i32
      %dma_start3A_1010 = tpu.memref_slice %arg8[%dma_start3A_1003, %dma_start3A_1005, %dma_start3A_1006, %dma_start3A_1007, %dma_start3A_1008, %dma_start3A_1009] : memref<2x10x4x1x8x65xf32, #tpu.memory_space<vmem>> -> memref<1x10x4x1x8x64xf32, #tpu.memory_space<vmem>>
      %dma_start3A_1011 = tpu.memref_squeeze %dma_start3A_1010 : memref<1x10x4x1x8x64xf32, #tpu.memory_space<vmem>> -> memref<10x4x1x8x64xf32, #tpu.memory_space<vmem>>
      %dma_start3A_1012 = arith.constant 0 : i32
      %dma_start3A_1013 = arith.constant 0 : i32
      %dma_start3A_1014 = tpu.memref_slice %arg4[%mul3A_935, %dma_start3A_1012, %select_n3A_986, %dma_start3A_1013, %select_n3A_1002] : memref<200x4x128x8x128xf32, #tpu.memory_space<hbm>> -> memref<10x4x1x8x64xf32, #tpu.memory_space<hbm>>
      %dma_start3A_1015 = tpu.memref_slice %arg11[%dma_start3A_1004] : memref<2x!tpu.dma_semaphore, #tpu.memory_space<semaphore_mem>> -> memref<1x!tpu.dma_semaphore, #tpu.memory_space<semaphore_mem>>
      %dma_start3A_1016 = tpu.memref_squeeze %dma_start3A_1015 : memref<1x!tpu.dma_semaphore, #tpu.memory_space<semaphore_mem>> -> memref<!tpu.dma_semaphore, #tpu.memory_space<semaphore_mem>>
      %dma_start3A_1017 = arith.constant 0 : i32
      %dma_start3A_1018 = arith.constant 0 : i32
      %dma_start3A_1019 = tpu.memref_slice %arg4[%mul3A_935, %dma_start3A_1017, %select_n3A_986, %dma_start3A_1018, %select_n3A_1002] : memref<200x4x128x8x128xf32, #tpu.memory_space<hbm>> -> memref<10x4x1x8x64xf32, #tpu.memory_space<hbm>>
      %dma_start3A_1020 = arith.constant 0 : i32
      %dma_start3A_1021 = arith.constant 0 : i32
      %dma_start3A_1022 = arith.constant 0 : i32
      %dma_start3A_1023 = arith.constant 0 : i32
      %dma_start3A_1024 = arith.constant 0 : i32
      %dma_start3A_1025 = tpu.memref_slice %arg8[%dma_start3A_1003, %dma_start3A_1020, %dma_start3A_1021, %dma_start3A_1022, %dma_start3A_1023, %dma_start3A_1024] : memref<2x10x4x1x8x65xf32, #tpu.memory_space<vmem>> -> memref<1x10x4x1x8x64xf32, #tpu.memory_space<vmem>>
      %dma_start3A_1026 = tpu.memref_squeeze %dma_start3A_1025 : memref<1x10x4x1x8x64xf32, #tpu.memory_space<vmem>> -> memref<10x4x1x8x64xf32, #tpu.memory_space<vmem>>
      tpu.enqueue_dma source(%dma_start3A_1026 : memref<10x4x1x8x64xf32, #tpu.memory_space<vmem>>) target(%dma_start3A_1019 : memref<10x4x1x8x64xf32, #tpu.memory_space<hbm>>) target_semaphore(%dma_start3A_1016 : memref<!tpu.dma_semaphore, #tpu.memory_space<semaphore_mem>>)
      %add3A_1027 = arith.constant 2 : i32
      %add3A_1028 = arith.addi %add3A_172, %add3A_1027 : i32
      %lt3A_1029 = arith.constant 160 : i32
      %lt3A_1030 = arith.cmpi slt, %add3A_1028, %lt3A_1029 : i32
      %convert_element_type3A_1031 = arith.extui %lt3A_1030 : i1 to i32
      %cond3A_1032 = arith.constant 0 : i32
      %cond3A_1033 = arith.cmpi ne, %convert_element_type3A_1031, %cond3A_1032 : i32
      scf.if %cond3A_1033 {
        %add3A_1906 = arith.constant 2 : i32
        %add3A_1907 = arith.addi %add3A_172, %add3A_1906 : i32
        %jit3A_1908 = arith.constant 20 : i32
        %eq3A_1909 = arith.constant 0 : i32
        %eq3A_1910 = arith.cmpi eq, %jit3A_1908, %eq3A_1909 : i32
        %jit3A_1911 = arith.constant 1 : i32
        %select_n3A_1912 = arith.select %eq3A_1910, %jit3A_1911, %jit3A_1908 : i32
        %rem3A_1913 = arith.remsi %add3A_1907, %select_n3A_1912 : i32
        %ne3A_1914 = arith.constant 0 : i32
        %ne3A_1915 = arith.cmpi ne, %rem3A_1913, %ne3A_1914 : i32
        %lt3A_1916 = arith.constant 0 : i32
        %lt3A_1917 = arith.cmpi slt, %rem3A_1913, %lt3A_1916 : i32
        %lt3A_1918 = arith.constant 0 : i32
        %lt3A_1919 = arith.cmpi slt, %select_n3A_1912, %lt3A_1918 : i32
        %ne3A_1920 = arith.xori %lt3A_1917, %lt3A_1919 : i1
        %and3A_1921 = arith.andi %ne3A_1920, %ne3A_1915 : i1
        %add3A_1922 = arith.addi %rem3A_1913, %select_n3A_1912 : i32
        %select_n3A_1923 = arith.select %and3A_1921, %add3A_1922, %rem3A_1913 : i32
        %mul3A_1924 = arith.constant 10 : i32
        %mul3A_1925 = arith.muli %select_n3A_1923, %mul3A_1924 : i32
        %jit3A_1926 = arith.constant 20 : i32
        %div3A_1927 = arith.divsi %add3A_1907, %jit3A_1926 : i32
        %sign3A_1928 = arith.constant 0 : i32
        %sign3A_1929 = arith.cmpi sgt, %add3A_1907, %sign3A_1928 : i32
        %sign3A_1930 = arith.extui %sign3A_1929 : i1 to i32
        %sign3A_1931 = arith.constant 0 : i32
        %sign3A_1932 = arith.cmpi slt, %add3A_1907, %sign3A_1931 : i32
        %sign3A_1933 = arith.extui %sign3A_1932 : i1 to i32
        %sign3A_1934 = arith.subi %sign3A_1930, %sign3A_1933 : i32
        %sign3A_1935 = arith.constant 0 : i32
        %sign3A_1936 = arith.cmpi sgt, %jit3A_1926, %sign3A_1935 : i32
        %sign3A_1937 = arith.extui %sign3A_1936 : i1 to i32
        %sign3A_1938 = arith.constant 0 : i32
        %sign3A_1939 = arith.cmpi slt, %jit3A_1926, %sign3A_1938 : i32
        %sign3A_1940 = arith.extui %sign3A_1939 : i1 to i32
        %sign3A_1941 = arith.subi %sign3A_1937, %sign3A_1940 : i32
        %ne3A_1942 = arith.cmpi ne, %sign3A_1934, %sign3A_1941 : i32
        %rem3A_1943 = arith.remsi %add3A_1907, %jit3A_1926 : i32
        %ne3A_1944 = arith.constant 0 : i32
        %ne3A_1945 = arith.cmpi ne, %rem3A_1943, %ne3A_1944 : i32
        %and3A_1946 = arith.andi %ne3A_1942, %ne3A_1945 : i1
        %sub3A_1947 = arith.constant 1 : i32
        %sub3A_1948 = arith.subi %div3A_1927, %sub3A_1947 : i32
        %select_n3A_1949 = arith.select %and3A_1946, %sub3A_1948, %div3A_1927 : i32
        %mul3A_1950 = arith.constant 64 : i32
        %mul3A_1951 = arith.muli %select_n3A_1949, %mul3A_1950 : i32
        %add3A_1952 = arith.addi %mul3A_2, %mul3A_1951 : i32
        %dma_start3A_1953 = arith.constant 0 : i32
        %dma_start3A_1954 = arith.constant 0 : i32
        %dma_start3A_1955 = arith.constant 0 : i32
        %dma_start3A_1956 = arith.constant 0 : i32
        %dma_start3A_1957 = tpu.memref_slice %arg5[%dma_start3A_1953, %dma_start3A_1955, %dma_start3A_1956] : memref<2x10x64xi32, #tpu.memory_space<vmem>> -> memref<1x10x64xi32, #tpu.memory_space<vmem>>
        %dma_start3A_1958 = tpu.memref_squeeze %dma_start3A_1957 : memref<1x10x64xi32, #tpu.memory_space<vmem>> -> memref<10x64xi32, #tpu.memory_space<vmem>>
        %dma_start3A_1959 = tpu.memref_slice %arg3[%mul3A_1925, %add3A_1952] : memref<200x16384xi32, #tpu.memory_space<hbm>> -> memref<10x64xi32, #tpu.memory_space<hbm>>
        %dma_start3A_1960 = tpu.memref_slice %arg9[%dma_start3A_1954] : memref<2x!tpu.dma_semaphore, #tpu.memory_space<semaphore_mem>> -> memref<1x!tpu.dma_semaphore, #tpu.memory_space<semaphore_mem>>
        %dma_start3A_1961 = tpu.memref_squeeze %dma_start3A_1960 : memref<1x!tpu.dma_semaphore, #tpu.memory_space<semaphore_mem>> -> memref<!tpu.dma_semaphore, #tpu.memory_space<semaphore_mem>>
        %dma_start3A_1962 = arith.constant 0 : i32
        %dma_start3A_1963 = arith.constant 0 : i32
        %dma_start3A_1964 = tpu.memref_slice %arg5[%dma_start3A_1953, %dma_start3A_1962, %dma_start3A_1963] : memref<2x10x64xi32, #tpu.memory_space<vmem>> -> memref<1x10x64xi32, #tpu.memory_space<vmem>>
        %dma_start3A_1965 = tpu.memref_squeeze %dma_start3A_1964 : memref<1x10x64xi32, #tpu.memory_space<vmem>> -> memref<10x64xi32, #tpu.memory_space<vmem>>
        %dma_start3A_1966 = tpu.memref_slice %arg3[%mul3A_1925, %add3A_1952] : memref<200x16384xi32, #tpu.memory_space<hbm>> -> memref<10x64xi32, #tpu.memory_space<hbm>>
        tpu.enqueue_dma source(%dma_start3A_1966 : memref<10x64xi32, #tpu.memory_space<hbm>>) target(%dma_start3A_1965 : memref<10x64xi32, #tpu.memory_space<vmem>>) target_semaphore(%dma_start3A_1961 : memref<!tpu.dma_semaphore, #tpu.memory_space<semaphore_mem>>)
      } else {
      }
      %mul3A_1034 = arith.constant 2 : i32
      %mul3A_1035 = arith.muli %scan3A_168, %mul3A_1034 : i32
      %add3A_1036 = arith.constant 1 : i32
      %add3A_1037 = arith.addi %mul3A_1035, %add3A_1036 : i32
      %jit3A_1038 = arith.constant 20 : i32
      %eq3A_1039 = arith.constant 0 : i32
      %eq3A_1040 = arith.cmpi eq, %jit3A_1038, %eq3A_1039 : i32
      %jit3A_1041 = arith.constant 1 : i32
      %select_n3A_1042 = arith.select %eq3A_1040, %jit3A_1041, %jit3A_1038 : i32
      %rem3A_1043 = arith.remsi %add3A_1037, %select_n3A_1042 : i32
      %ne3A_1044 = arith.constant 0 : i32
      %ne3A_1045 = arith.cmpi ne, %rem3A_1043, %ne3A_1044 : i32
      %lt3A_1046 = arith.constant 0 : i32
      %lt3A_1047 = arith.cmpi slt, %rem3A_1043, %lt3A_1046 : i32
      %lt3A_1048 = arith.constant 0 : i32
      %lt3A_1049 = arith.cmpi slt, %select_n3A_1042, %lt3A_1048 : i32
      %ne3A_1050 = arith.xori %lt3A_1047, %lt3A_1049 : i1
      %and3A_1051 = arith.andi %ne3A_1050, %ne3A_1045 : i1
      %add3A_1052 = arith.addi %rem3A_1043, %select_n3A_1042 : i32
      %select_n3A_1053 = arith.select %and3A_1051, %add3A_1052, %rem3A_1043 : i32
      %mul3A_1054 = arith.constant 10 : i32
      %mul3A_1055 = arith.muli %select_n3A_1053, %mul3A_1054 : i32
      %jit3A_1056 = arith.constant 20 : i32
      %div3A_1057 = arith.divsi %add3A_1037, %jit3A_1056 : i32
      %sign3A_1058 = arith.constant 0 : i32
      %sign3A_1059 = arith.cmpi sgt, %add3A_1037, %sign3A_1058 : i32
      %sign3A_1060 = arith.extui %sign3A_1059 : i1 to i32
      %sign3A_1061 = arith.constant 0 : i32
      %sign3A_1062 = arith.cmpi slt, %add3A_1037, %sign3A_1061 : i32
      %sign3A_1063 = arith.extui %sign3A_1062 : i1 to i32
      %sign3A_1064 = arith.subi %sign3A_1060, %sign3A_1063 : i32
      %sign3A_1065 = arith.constant 0 : i32
      %sign3A_1066 = arith.cmpi sgt, %jit3A_1056, %sign3A_1065 : i32
      %sign3A_1067 = arith.extui %sign3A_1066 : i1 to i32
      %sign3A_1068 = arith.constant 0 : i32
      %sign3A_1069 = arith.cmpi slt, %jit3A_1056, %sign3A_1068 : i32
      %sign3A_1070 = arith.extui %sign3A_1069 : i1 to i32
      %sign3A_1071 = arith.subi %sign3A_1067, %sign3A_1070 : i32
      %ne3A_1072 = arith.cmpi ne, %sign3A_1064, %sign3A_1071 : i32
      %rem3A_1073 = arith.remsi %add3A_1037, %jit3A_1056 : i32
      %ne3A_1074 = arith.constant 0 : i32
      %ne3A_1075 = arith.cmpi ne, %rem3A_1073, %ne3A_1074 : i32
      %and3A_1076 = arith.andi %ne3A_1072, %ne3A_1075 : i1
      %sub3A_1077 = arith.constant 1 : i32
      %sub3A_1078 = arith.subi %div3A_1057, %sub3A_1077 : i32
      %select_n3A_1079 = arith.select %and3A_1076, %sub3A_1078, %div3A_1057 : i32
      %mul3A_1080 = arith.constant 64 : i32
      %mul3A_1081 = arith.muli %select_n3A_1079, %mul3A_1080 : i32
      %add3A_1082 = arith.addi %mul3A_2, %mul3A_1081 : i32
      %dma_wait3A_1083 = arith.constant 1 : i32
      %dma_wait3A_1084 = arith.constant 1 : i32
      %dma_wait3A_1085 = arith.constant 0 : i32
      %dma_wait3A_1086 = arith.constant 0 : i32
      %dma_wait3A_1087 = tpu.memref_slice %arg5[%dma_wait3A_1083, %dma_wait3A_1085, %dma_wait3A_1086] : memref<2x10x64xi32, #tpu.memory_space<vmem>> -> memref<1x10x64xi32, #tpu.memory_space<vmem>>
      %dma_wait3A_1088 = tpu.memref_squeeze %dma_wait3A_1087 : memref<1x10x64xi32, #tpu.memory_space<vmem>> -> memref<10x64xi32, #tpu.memory_space<vmem>>
      %dma_wait3A_1089 = tpu.memref_slice %arg3[%mul3A_1055, %add3A_1082] : memref<200x16384xi32, #tpu.memory_space<hbm>> -> memref<10x64xi32, #tpu.memory_space<hbm>>
      %dma_wait3A_1090 = tpu.memref_slice %arg9[%dma_wait3A_1084] : memref<2x!tpu.dma_semaphore, #tpu.memory_space<semaphore_mem>> -> memref<1x!tpu.dma_semaphore, #tpu.memory_space<semaphore_mem>>
      %dma_wait3A_1091 = tpu.memref_squeeze %dma_wait3A_1090 : memref<1x!tpu.dma_semaphore, #tpu.memory_space<semaphore_mem>> -> memref<!tpu.dma_semaphore, #tpu.memory_space<semaphore_mem>>
      %dma_wait3A_1092 = arith.constant 0 : i32
      %dma_wait3A_1093 = arith.constant 0 : i32
      %dma_wait3A_1094 = tpu.memref_slice %arg5[%dma_wait3A_1083, %dma_wait3A_1092, %dma_wait3A_1093] : memref<2x10x64xi32, #tpu.memory_space<vmem>> -> memref<1x10x64xi32, #tpu.memory_space<vmem>>
      %dma_wait3A_1095 = tpu.memref_squeeze %dma_wait3A_1094 : memref<1x10x64xi32, #tpu.memory_space<vmem>> -> memref<10x64xi32, #tpu.memory_space<vmem>>
      %dma_wait3A_1096 = tpu.memref_slice %arg3[%mul3A_1055, %add3A_1082] : memref<200x16384xi32, #tpu.memory_space<hbm>> -> memref<10x64xi32, #tpu.memory_space<hbm>>
      tpu.wait_dma2 semaphore(%dma_wait3A_1091 : memref<!tpu.dma_semaphore, #tpu.memory_space<semaphore_mem>>) src(%dma_wait3A_1096 : memref<10x64xi32, #tpu.memory_space<hbm>>) dst(%dma_wait3A_1095 : memref<10x64xi32, #tpu.memory_space<vmem>>)
      %get3A_1097 = arith.constant 1 : i32
      %get3A_1098 = arith.constant 0 : i32
      %get3A_1099 = arith.index_cast %get3A_1097 : i32 to index
      %get3A_1100 = arith.index_cast %get3A_1098 : i32 to index
      %get3A_1101 = arith.constant 0 : index
      %get3A_1102 = tpu.vector_load %arg5[%get3A_1099, %get3A_1100, %get3A_1101] {strides = array<i32>} : memref<2x10x64xi32, #tpu.memory_space<vmem>>, vector<16xi32>,
      %swap3A_1103 = arith.constant 1 : i32
      %swap3A_1104 = arith.constant 0 : i32
      %swap3A_1105 = arith.index_cast %swap3A_1103 : i32 to index
      %swap3A_1106 = arith.index_cast %swap3A_1104 : i32 to index
      %swap3A_1107 = arith.constant 0 : index
      %swap3A_1108 = tpu.vector_load %arg6[%swap3A_1105, %swap3A_1106, %swap3A_1107] {strides = array<i32>} : memref<2x5x128xi32, #tpu.memory_space<vmem>>, vector<16xi32>,
      tpu.vector_store %arg6[%swap3A_1105, %swap3A_1106, %swap3A_1107], %get3A_1102 {strides = array<i32>} : memref<2x5x128xi32, #tpu.memory_space<vmem>>, vector<16xi32>,
      %get3A_1109 = arith.constant 1 : i32
      %get3A_1110 = arith.constant 0 : i32
      %get3A_1111 = arith.index_cast %get3A_1109 : i32 to index
      %get3A_1112 = arith.index_cast %get3A_1110 : i32 to index
      %get3A_1113 = arith.constant 16 : index
      %get3A_1114 = tpu.vector_load %arg5[%get3A_1111, %get3A_1112, %get3A_1113] {strides = array<i32>} : memref<2x10x64xi32, #tpu.memory_space<vmem>>, vector<16xi32>,
      %swap3A_1115 = arith.constant 1 : i32
      %swap3A_1116 = arith.constant 0 : i32
      %swap3A_1117 = arith.index_cast %swap3A_1115 : i32 to index
      %swap3A_1118 = arith.index_cast %swap3A_1116 : i32 to index
      %swap3A_1119 = arith.constant 16 : index
      %swap3A_1120 = tpu.vector_load %arg6[%swap3A_1117, %swap3A_1118, %swap3A_1119] {strides = array<i32>} : memref<2x5x128xi32, #tpu.memory_space<vmem>>, vector<16xi32>,
      tpu.vector_store %arg6[%swap3A_1117, %swap3A_1118, %swap3A_1119], %get3A_1114 {strides = array<i32>} : memref<2x5x128xi32, #tpu.memory_space<vmem>>, vector<16xi32>,
      %get3A_1121 = arith.constant 1 : i32
      %get3A_1122 = arith.constant 0 : i32
      %get3A_1123 = arith.index_cast %get3A_1121 : i32 to index
      %get3A_1124 = arith.index_cast %get3A_1122 : i32 to index
      %get3A_1125 = arith.constant 32 : index
      %get3A_1126 = tpu.vector_load %arg5[%get3A_1123, %get3A_1124, %get3A_1125] {strides = array<i32>} : memref<2x10x64xi32, #tpu.memory_space<vmem>>, vector<16xi32>,
      %swap3A_1127 = arith.constant 1 : i32
      %swap3A_1128 = arith.constant 0 : i32
      %swap3A_1129 = arith.index_cast %swap3A_1127 : i32 to index
      %swap3A_1130 = arith.index_cast %swap3A_1128 : i32 to index
      %swap3A_1131 = arith.constant 32 : index
      %swap3A_1132 = tpu.vector_load %arg6[%swap3A_1129, %swap3A_1130, %swap3A_1131] {strides = array<i32>} : memref<2x5x128xi32, #tpu.memory_space<vmem>>, vector<16xi32>,
      tpu.vector_store %arg6[%swap3A_1129, %swap3A_1130, %swap3A_1131], %get3A_1126 {strides = array<i32>} : memref<2x5x128xi32, #tpu.memory_space<vmem>>, vector<16xi32>,
      %get3A_1133 = arith.constant 1 : i32
      %get3A_1134 = arith.constant 0 : i32
      %get3A_1135 = arith.index_cast %get3A_1133 : i32 to index
      %get3A_1136 = arith.index_cast %get3A_1134 : i32 to index
      %get3A_1137 = arith.constant 48 : index
      %get3A_1138 = tpu.vector_load %arg5[%get3A_1135, %get3A_1136, %get3A_1137] {strides = array<i32>} : memref<2x10x64xi32, #tpu.memory_space<vmem>>, vector<16xi32>,
      %swap3A_1139 = arith.constant 1 : i32
      %swap3A_1140 = arith.constant 0 : i32
      %swap3A_1141 = arith.index_cast %swap3A_1139 : i32 to index
      %swap3A_1142 = arith.index_cast %swap3A_1140 : i32 to index
      %swap3A_1143 = arith.constant 48 : index
      %swap3A_1144 = tpu.vector_load %arg6[%swap3A_1141, %swap3A_1142, %swap3A_1143] {strides = array<i32>} : memref<2x5x128xi32, #tpu.memory_space<vmem>>, vector<16xi32>,
      tpu.vector_store %arg6[%swap3A_1141, %swap3A_1142, %swap3A_1143], %get3A_1138 {strides = array<i32>} : memref<2x5x128xi32, #tpu.memory_space<vmem>>, vector<16xi32>,
      %get3A_1145 = arith.constant 1 : i32
      %get3A_1146 = arith.constant 1 : i32
      %get3A_1147 = arith.index_cast %get3A_1145 : i32 to index
      %get3A_1148 = arith.index_cast %get3A_1146 : i32 to index
      %get3A_1149 = arith.constant 0 : index
      %get3A_1150 = tpu.vector_load %arg5[%get3A_1147, %get3A_1148, %get3A_1149] {strides = array<i32>} : memref<2x10x64xi32, #tpu.memory_space<vmem>>, vector<16xi32>,
      %swap3A_1151 = arith.constant 1 : i32
      %swap3A_1152 = arith.constant 0 : i32
      %swap3A_1153 = arith.index_cast %swap3A_1151 : i32 to index
      %swap3A_1154 = arith.index_cast %swap3A_1152 : i32 to index
      %swap3A_1155 = arith.constant 64 : index
      %swap3A_1156 = tpu.vector_load %arg6[%swap3A_1153, %swap3A_1154, %swap3A_1155] {strides = array<i32>} : memref<2x5x128xi32, #tpu.memory_space<vmem>>, vector<16xi32>,
      tpu.vector_store %arg6[%swap3A_1153, %swap3A_1154, %swap3A_1155], %get3A_1150 {strides = array<i32>} : memref<2x5x128xi32, #tpu.memory_space<vmem>>, vector<16xi32>,
      %get3A_1157 = arith.constant 1 : i32
      %get3A_1158 = arith.constant 1 : i32
      %get3A_1159 = arith.index_cast %get3A_1157 : i32 to index
      %get3A_1160 = arith.index_cast %get3A_1158 : i32 to index
      %get3A_1161 = arith.constant 16 : index
      %get3A_1162 = tpu.vector_load %arg5[%get3A_1159, %get3A_1160, %get3A_1161] {strides = array<i32>} : memref<2x10x64xi32, #tpu.memory_space<vmem>>, vector<16xi32>,
      %swap3A_1163 = arith.constant 1 : i32
      %swap3A_1164 = arith.constant 0 : i32
      %swap3A_1165 = arith.index_cast %swap3A_1163 : i32 to index
      %swap3A_1166 = arith.index_cast %swap3A_1164 : i32 to index
      %swap3A_1167 = arith.constant 80 : index
      %swap3A_1168 = tpu.vector_load %arg6[%swap3A_1165, %swap3A_1166, %swap3A_1167] {strides = array<i32>} : memref<2x5x128xi32, #tpu.memory_space<vmem>>, vector<16xi32>,
      tpu.vector_store %arg6[%swap3A_1165, %swap3A_1166, %swap3A_1167], %get3A_1162 {strides = array<i32>} : memref<2x5x128xi32, #tpu.memory_space<vmem>>, vector<16xi32>,
      %get3A_1169 = arith.constant 1 : i32
      %get3A_1170 = arith.constant 1 : i32
      %get3A_1171 = arith.index_cast %get3A_1169 : i32 to index
      %get3A_1172 = arith.index_cast %get3A_1170 : i32 to index
      %get3A_1173 = arith.constant 32 : index
      %get3A_1174 = tpu.vector_load %arg5[%get3A_1171, %get3A_1172, %get3A_1173] {strides = array<i32>} : memref<2x10x64xi32, #tpu.memory_space<vmem>>, vector<16xi32>,
      %swap3A_1175 = arith.constant 1 : i32
      %swap3A_1176 = arith.constant 0 : i32
      %swap3A_1177 = arith.index_cast %swap3A_1175 : i32 to index
      %swap3A_1178 = arith.index_cast %swap3A_1176 : i32 to index
      %swap3A_1179 = arith.constant 96 : index
      %swap3A_1180 = tpu.vector_load %arg6[%swap3A_1177, %swap3A_1178, %swap3A_1179] {strides = array<i32>} : memref<2x5x128xi32, #tpu.memory_space<vmem>>, vector<16xi32>,
      tpu.vector_store %arg6[%swap3A_1177, %swap3A_1178, %swap3A_1179], %get3A_1174 {strides = array<i32>} : memref<2x5x128xi32, #tpu.memory_space<vmem>>, vector<16xi32>,
      %get3A_1181 = arith.constant 1 : i32
      %get3A_1182 = arith.constant 1 : i32
      %get3A_1183 = arith.index_cast %get3A_1181 : i32 to index
      %get3A_1184 = arith.index_cast %get3A_1182 : i32 to index
      %get3A_1185 = arith.constant 48 : index
      %get3A_1186 = tpu.vector_load %arg5[%get3A_1183, %get3A_1184, %get3A_1185] {strides = array<i32>} : memref<2x10x64xi32, #tpu.memory_space<vmem>>, vector<16xi32>,
      %swap3A_1187 = arith.constant 1 : i32
      %swap3A_1188 = arith.constant 0 : i32
      %swap3A_1189 = arith.index_cast %swap3A_1187 : i32 to index
      %swap3A_1190 = arith.index_cast %swap3A_1188 : i32 to index
      %swap3A_1191 = arith.constant 112 : index
      %swap3A_1192 = tpu.vector_load %arg6[%swap3A_1189, %swap3A_1190, %swap3A_1191] {strides = array<i32>} : memref<2x5x128xi32, #tpu.memory_space<vmem>>, vector<16xi32>,
      tpu.vector_store %arg6[%swap3A_1189, %swap3A_1190, %swap3A_1191], %get3A_1186 {strides = array<i32>} : memref<2x5x128xi32, #tpu.memory_space<vmem>>, vector<16xi32>,
      %get3A_1193 = arith.constant 1 : i32
      %get3A_1194 = arith.constant 2 : i32
      %get3A_1195 = arith.index_cast %get3A_1193 : i32 to index
      %get3A_1196 = arith.index_cast %get3A_1194 : i32 to index
      %get3A_1197 = arith.constant 0 : index
      %get3A_1198 = tpu.vector_load %arg5[%get3A_1195, %get3A_1196, %get3A_1197] {strides = array<i32>} : memref<2x10x64xi32, #tpu.memory_space<vmem>>, vector<16xi32>,
      %swap3A_1199 = arith.constant 1 : i32
      %swap3A_1200 = arith.constant 1 : i32
      %swap3A_1201 = arith.index_cast %swap3A_1199 : i32 to index
      %swap3A_1202 = arith.index_cast %swap3A_1200 : i32 to index
      %swap3A_1203 = arith.constant 0 : index
      %swap3A_1204 = tpu.vector_load %arg6[%swap3A_1201, %swap3A_1202, %swap3A_1203] {strides = array<i32>} : memref<2x5x128xi32, #tpu.memory_space<vmem>>, vector<16xi32>,
      tpu.vector_store %arg6[%swap3A_1201, %swap3A_1202, %swap3A_1203], %get3A_1198 {strides = array<i32>} : memref<2x5x128xi32, #tpu.memory_space<vmem>>, vector<16xi32>,
      %get3A_1205 = arith.constant 1 : i32
      %get3A_1206 = arith.constant 2 : i32
      %get3A_1207 = arith.index_cast %get3A_1205 : i32 to index
      %get3A_1208 = arith.index_cast %get3A_1206 : i32 to index
      %get3A_1209 = arith.constant 16 : index
      %get3A_1210 = tpu.vector_load %arg5[%get3A_1207, %get3A_1208, %get3A_1209] {strides = array<i32>} : memref<2x10x64xi32, #tpu.memory_space<vmem>>, vector<16xi32>,
      %swap3A_1211 = arith.constant 1 : i32
      %swap3A_1212 = arith.constant 1 : i32
      %swap3A_1213 = arith.index_cast %swap3A_1211 : i32 to index
      %swap3A_1214 = arith.index_cast %swap3A_1212 : i32 to index
      %swap3A_1215 = arith.constant 16 : index
      %swap3A_1216 = tpu.vector_load %arg6[%swap3A_1213, %swap3A_1214, %swap3A_1215] {strides = array<i32>} : memref<2x5x128xi32, #tpu.memory_space<vmem>>, vector<16xi32>,
      tpu.vector_store %arg6[%swap3A_1213, %swap3A_1214, %swap3A_1215], %get3A_1210 {strides = array<i32>} : memref<2x5x128xi32, #tpu.memory_space<vmem>>, vector<16xi32>,
      %get3A_1217 = arith.constant 1 : i32
      %get3A_1218 = arith.constant 2 : i32
      %get3A_1219 = arith.index_cast %get3A_1217 : i32 to index
      %get3A_1220 = arith.index_cast %get3A_1218 : i32 to index
      %get3A_1221 = arith.constant 32 : index
      %get3A_1222 = tpu.vector_load %arg5[%get3A_1219, %get3A_1220, %get3A_1221] {strides = array<i32>} : memref<2x10x64xi32, #tpu.memory_space<vmem>>, vector<16xi32>,
      %swap3A_1223 = arith.constant 1 : i32
      %swap3A_1224 = arith.constant 1 : i32
      %swap3A_1225 = arith.index_cast %swap3A_1223 : i32 to index
      %swap3A_1226 = arith.index_cast %swap3A_1224 : i32 to index
      %swap3A_1227 = arith.constant 32 : index
      %swap3A_1228 = tpu.vector_load %arg6[%swap3A_1225, %swap3A_1226, %swap3A_1227] {strides = array<i32>} : memref<2x5x128xi32, #tpu.memory_space<vmem>>, vector<16xi32>,
      tpu.vector_store %arg6[%swap3A_1225, %swap3A_1226, %swap3A_1227], %get3A_1222 {strides = array<i32>} : memref<2x5x128xi32, #tpu.memory_space<vmem>>, vector<16xi32>,
      %get3A_1229 = arith.constant 1 : i32
      %get3A_1230 = arith.constant 2 : i32
      %get3A_1231 = arith.index_cast %get3A_1229 : i32 to index
      %get3A_1232 = arith.index_cast %get3A_1230 : i32 to index
      %get3A_1233 = arith.constant 48 : index
      %get3A_1234 = tpu.vector_load %arg5[%get3A_1231, %get3A_1232, %get3A_1233] {strides = array<i32>} : memref<2x10x64xi32, #tpu.memory_space<vmem>>, vector<16xi32>,
      %swap3A_1235 = arith.constant 1 : i32
      %swap3A_1236 = arith.constant 1 : i32
      %swap3A_1237 = arith.index_cast %swap3A_1235 : i32 to index
      %swap3A_1238 = arith.index_cast %swap3A_1236 : i32 to index
      %swap3A_1239 = arith.constant 48 : index
      %swap3A_1240 = tpu.vector_load %arg6[%swap3A_1237, %swap3A_1238, %swap3A_1239] {strides = array<i32>} : memref<2x5x128xi32, #tpu.memory_space<vmem>>, vector<16xi32>,
      tpu.vector_store %arg6[%swap3A_1237, %swap3A_1238, %swap3A_1239], %get3A_1234 {strides = array<i32>} : memref<2x5x128xi32, #tpu.memory_space<vmem>>, vector<16xi32>,
      %get3A_1241 = arith.constant 1 : i32
      %get3A_1242 = arith.constant 3 : i32
      %get3A_1243 = arith.index_cast %get3A_1241 : i32 to index
      %get3A_1244 = arith.index_cast %get3A_1242 : i32 to index
      %get3A_1245 = arith.constant 0 : index
      %get3A_1246 = tpu.vector_load %arg5[%get3A_1243, %get3A_1244, %get3A_1245] {strides = array<i32>} : memref<2x10x64xi32, #tpu.memory_space<vmem>>, vector<16xi32>,
      %swap3A_1247 = arith.constant 1 : i32
      %swap3A_1248 = arith.constant 1 : i32
      %swap3A_1249 = arith.index_cast %swap3A_1247 : i32 to index
      %swap3A_1250 = arith.index_cast %swap3A_1248 : i32 to index
      %swap3A_1251 = arith.constant 64 : index
      %swap3A_1252 = tpu.vector_load %arg6[%swap3A_1249, %swap3A_1250, %swap3A_1251] {strides = array<i32>} : memref<2x5x128xi32, #tpu.memory_space<vmem>>, vector<16xi32>,
      tpu.vector_store %arg6[%swap3A_1249, %swap3A_1250, %swap3A_1251], %get3A_1246 {strides = array<i32>} : memref<2x5x128xi32, #tpu.memory_space<vmem>>, vector<16xi32>,
      %get3A_1253 = arith.constant 1 : i32
      %get3A_1254 = arith.constant 3 : i32
      %get3A_1255 = arith.index_cast %get3A_1253 : i32 to index
      %get3A_1256 = arith.index_cast %get3A_1254 : i32 to index
      %get3A_1257 = arith.constant 16 : index
      %get3A_1258 = tpu.vector_load %arg5[%get3A_1255, %get3A_1256, %get3A_1257] {strides = array<i32>} : memref<2x10x64xi32, #tpu.memory_space<vmem>>, vector<16xi32>,
      %swap3A_1259 = arith.constant 1 : i32
      %swap3A_1260 = arith.constant 1 : i32
      %swap3A_1261 = arith.index_cast %swap3A_1259 : i32 to index
      %swap3A_1262 = arith.index_cast %swap3A_1260 : i32 to index
      %swap3A_1263 = arith.constant 80 : index
      %swap3A_1264 = tpu.vector_load %arg6[%swap3A_1261, %swap3A_1262, %swap3A_1263] {strides = array<i32>} : memref<2x5x128xi32, #tpu.memory_space<vmem>>, vector<16xi32>,
      tpu.vector_store %arg6[%swap3A_1261, %swap3A_1262, %swap3A_1263], %get3A_1258 {strides = array<i32>} : memref<2x5x128xi32, #tpu.memory_space<vmem>>, vector<16xi32>,
      %get3A_1265 = arith.constant 1 : i32
      %get3A_1266 = arith.constant 3 : i32
      %get3A_1267 = arith.index_cast %get3A_1265 : i32 to index
      %get3A_1268 = arith.index_cast %get3A_1266 : i32 to index
      %get3A_1269 = arith.constant 32 : index
      %get3A_1270 = tpu.vector_load %arg5[%get3A_1267, %get3A_1268, %get3A_1269] {strides = array<i32>} : memref<2x10x64xi32, #tpu.memory_space<vmem>>, vector<16xi32>,
      %swap3A_1271 = arith.constant 1 : i32
      %swap3A_1272 = arith.constant 1 : i32
      %swap3A_1273 = arith.index_cast %swap3A_1271 : i32 to index
      %swap3A_1274 = arith.index_cast %swap3A_1272 : i32 to index
      %swap3A_1275 = arith.constant 96 : index
      %swap3A_1276 = tpu.vector_load %arg6[%swap3A_1273, %swap3A_1274, %swap3A_1275] {strides = array<i32>} : memref<2x5x128xi32, #tpu.memory_space<vmem>>, vector<16xi32>,
      tpu.vector_store %arg6[%swap3A_1273, %swap3A_1274, %swap3A_1275], %get3A_1270 {strides = array<i32>} : memref<2x5x128xi32, #tpu.memory_space<vmem>>, vector<16xi32>,
      %get3A_1277 = arith.constant 1 : i32
      %get3A_1278 = arith.constant 3 : i32
      %get3A_1279 = arith.index_cast %get3A_1277 : i32 to index
      %get3A_1280 = arith.index_cast %get3A_1278 : i32 to index
      %get3A_1281 = arith.constant 48 : index
      %get3A_1282 = tpu.vector_load %arg5[%get3A_1279, %get3A_1280, %get3A_1281] {strides = array<i32>} : memref<2x10x64xi32, #tpu.memory_space<vmem>>, vector<16xi32>,
      %swap3A_1283 = arith.constant 1 : i32
      %swap3A_1284 = arith.constant 1 : i32
      %swap3A_1285 = arith.index_cast %swap3A_1283 : i32 to index
      %swap3A_1286 = arith.index_cast %swap3A_1284 : i32 to index
      %swap3A_1287 = arith.constant 112 : index
      %swap3A_1288 = tpu.vector_load %arg6[%swap3A_1285, %swap3A_1286, %swap3A_1287] {strides = array<i32>} : memref<2x5x128xi32, #tpu.memory_space<vmem>>, vector<16xi32>,
      tpu.vector_store %arg6[%swap3A_1285, %swap3A_1286, %swap3A_1287], %get3A_1282 {strides = array<i32>} : memref<2x5x128xi32, #tpu.memory_space<vmem>>, vector<16xi32>,
      %get3A_1289 = arith.constant 1 : i32
      %get3A_1290 = arith.constant 4 : i32
      %get3A_1291 = arith.index_cast %get3A_1289 : i32 to index
      %get3A_1292 = arith.index_cast %get3A_1290 : i32 to index
      %get3A_1293 = arith.constant 0 : index
      %get3A_1294 = tpu.vector_load %arg5[%get3A_1291, %get3A_1292, %get3A_1293] {strides = array<i32>} : memref<2x10x64xi32, #tpu.memory_space<vmem>>, vector<16xi32>,
      %swap3A_1295 = arith.constant 1 : i32
      %swap3A_1296 = arith.constant 2 : i32
      %swap3A_1297 = arith.index_cast %swap3A_1295 : i32 to index
      %swap3A_1298 = arith.index_cast %swap3A_1296 : i32 to index
      %swap3A_1299 = arith.constant 0 : index
      %swap3A_1300 = tpu.vector_load %arg6[%swap3A_1297, %swap3A_1298, %swap3A_1299] {strides = array<i32>} : memref<2x5x128xi32, #tpu.memory_space<vmem>>, vector<16xi32>,
      tpu.vector_store %arg6[%swap3A_1297, %swap3A_1298, %swap3A_1299], %get3A_1294 {strides = array<i32>} : memref<2x5x128xi32, #tpu.memory_space<vmem>>, vector<16xi32>,
      %get3A_1301 = arith.constant 1 : i32
      %get3A_1302 = arith.constant 4 : i32
      %get3A_1303 = arith.index_cast %get3A_1301 : i32 to index
      %get3A_1304 = arith.index_cast %get3A_1302 : i32 to index
      %get3A_1305 = arith.constant 16 : index
      %get3A_1306 = tpu.vector_load %arg5[%get3A_1303, %get3A_1304, %get3A_1305] {strides = array<i32>} : memref<2x10x64xi32, #tpu.memory_space<vmem>>, vector<16xi32>,
      %swap3A_1307 = arith.constant 1 : i32
      %swap3A_1308 = arith.constant 2 : i32
      %swap3A_1309 = arith.index_cast %swap3A_1307 : i32 to index
      %swap3A_1310 = arith.index_cast %swap3A_1308 : i32 to index
      %swap3A_1311 = arith.constant 16 : index
      %swap3A_1312 = tpu.vector_load %arg6[%swap3A_1309, %swap3A_1310, %swap3A_1311] {strides = array<i32>} : memref<2x5x128xi32, #tpu.memory_space<vmem>>, vector<16xi32>,
      tpu.vector_store %arg6[%swap3A_1309, %swap3A_1310, %swap3A_1311], %get3A_1306 {strides = array<i32>} : memref<2x5x128xi32, #tpu.memory_space<vmem>>, vector<16xi32>,
      %get3A_1313 = arith.constant 1 : i32
      %get3A_1314 = arith.constant 4 : i32
      %get3A_1315 = arith.index_cast %get3A_1313 : i32 to index
      %get3A_1316 = arith.index_cast %get3A_1314 : i32 to index
      %get3A_1317 = arith.constant 32 : index
      %get3A_1318 = tpu.vector_load %arg5[%get3A_1315, %get3A_1316, %get3A_1317] {strides = array<i32>} : memref<2x10x64xi32, #tpu.memory_space<vmem>>, vector<16xi32>,
      %swap3A_1319 = arith.constant 1 : i32
      %swap3A_1320 = arith.constant 2 : i32
      %swap3A_1321 = arith.index_cast %swap3A_1319 : i32 to index
      %swap3A_1322 = arith.index_cast %swap3A_1320 : i32 to index
      %swap3A_1323 = arith.constant 32 : index
      %swap3A_1324 = tpu.vector_load %arg6[%swap3A_1321, %swap3A_1322, %swap3A_1323] {strides = array<i32>} : memref<2x5x128xi32, #tpu.memory_space<vmem>>, vector<16xi32>,
      tpu.vector_store %arg6[%swap3A_1321, %swap3A_1322, %swap3A_1323], %get3A_1318 {strides = array<i32>} : memref<2x5x128xi32, #tpu.memory_space<vmem>>, vector<16xi32>,
      %get3A_1325 = arith.constant 1 : i32
      %get3A_1326 = arith.constant 4 : i32
      %get3A_1327 = arith.index_cast %get3A_1325 : i32 to index
      %get3A_1328 = arith.index_cast %get3A_1326 : i32 to index
      %get3A_1329 = arith.constant 48 : index
      %get3A_1330 = tpu.vector_load %arg5[%get3A_1327, %get3A_1328, %get3A_1329] {strides = array<i32>} : memref<2x10x64xi32, #tpu.memory_space<vmem>>, vector<16xi32>,
      %swap3A_1331 = arith.constant 1 : i32
      %swap3A_1332 = arith.constant 2 : i32
      %swap3A_1333 = arith.index_cast %swap3A_1331 : i32 to index
      %swap3A_1334 = arith.index_cast %swap3A_1332 : i32 to index
      %swap3A_1335 = arith.constant 48 : index
      %swap3A_1336 = tpu.vector_load %arg6[%swap3A_1333, %swap3A_1334, %swap3A_1335] {strides = array<i32>} : memref<2x5x128xi32, #tpu.memory_space<vmem>>, vector<16xi32>,
      tpu.vector_store %arg6[%swap3A_1333, %swap3A_1334, %swap3A_1335], %get3A_1330 {strides = array<i32>} : memref<2x5x128xi32, #tpu.memory_space<vmem>>, vector<16xi32>,
      %get3A_1337 = arith.constant 1 : i32
      %get3A_1338 = arith.constant 5 : i32
      %get3A_1339 = arith.index_cast %get3A_1337 : i32 to index
      %get3A_1340 = arith.index_cast %get3A_1338 : i32 to index
      %get3A_1341 = arith.constant 0 : index
      %get3A_1342 = tpu.vector_load %arg5[%get3A_1339, %get3A_1340, %get3A_1341] {strides = array<i32>} : memref<2x10x64xi32, #tpu.memory_space<vmem>>, vector<16xi32>,
      %swap3A_1343 = arith.constant 1 : i32
      %swap3A_1344 = arith.constant 2 : i32
      %swap3A_1345 = arith.index_cast %swap3A_1343 : i32 to index
      %swap3A_1346 = arith.index_cast %swap3A_1344 : i32 to index
      %swap3A_1347 = arith.constant 64 : index
      %swap3A_1348 = tpu.vector_load %arg6[%swap3A_1345, %swap3A_1346, %swap3A_1347] {strides = array<i32>} : memref<2x5x128xi32, #tpu.memory_space<vmem>>, vector<16xi32>,
      tpu.vector_store %arg6[%swap3A_1345, %swap3A_1346, %swap3A_1347], %get3A_1342 {strides = array<i32>} : memref<2x5x128xi32, #tpu.memory_space<vmem>>, vector<16xi32>,
      %get3A_1349 = arith.constant 1 : i32
      %get3A_1350 = arith.constant 5 : i32
      %get3A_1351 = arith.index_cast %get3A_1349 : i32 to index
      %get3A_1352 = arith.index_cast %get3A_1350 : i32 to index
      %get3A_1353 = arith.constant 16 : index
      %get3A_1354 = tpu.vector_load %arg5[%get3A_1351, %get3A_1352, %get3A_1353] {strides = array<i32>} : memref<2x10x64xi32, #tpu.memory_space<vmem>>, vector<16xi32>,
      %swap3A_1355 = arith.constant 1 : i32
      %swap3A_1356 = arith.constant 2 : i32
      %swap3A_1357 = arith.index_cast %swap3A_1355 : i32 to index
      %swap3A_1358 = arith.index_cast %swap3A_1356 : i32 to index
      %swap3A_1359 = arith.constant 80 : index
      %swap3A_1360 = tpu.vector_load %arg6[%swap3A_1357, %swap3A_1358, %swap3A_1359] {strides = array<i32>} : memref<2x5x128xi32, #tpu.memory_space<vmem>>, vector<16xi32>,
      tpu.vector_store %arg6[%swap3A_1357, %swap3A_1358, %swap3A_1359], %get3A_1354 {strides = array<i32>} : memref<2x5x128xi32, #tpu.memory_space<vmem>>, vector<16xi32>,
      %get3A_1361 = arith.constant 1 : i32
      %get3A_1362 = arith.constant 5 : i32
      %get3A_1363 = arith.index_cast %get3A_1361 : i32 to index
      %get3A_1364 = arith.index_cast %get3A_1362 : i32 to index
      %get3A_1365 = arith.constant 32 : index
      %get3A_1366 = tpu.vector_load %arg5[%get3A_1363, %get3A_1364, %get3A_1365] {strides = array<i32>} : memref<2x10x64xi32, #tpu.memory_space<vmem>>, vector<16xi32>,
      %swap3A_1367 = arith.constant 1 : i32
      %swap3A_1368 = arith.constant 2 : i32
      %swap3A_1369 = arith.index_cast %swap3A_1367 : i32 to index
      %swap3A_1370 = arith.index_cast %swap3A_1368 : i32 to index
      %swap3A_1371 = arith.constant 96 : index
      %swap3A_1372 = tpu.vector_load %arg6[%swap3A_1369, %swap3A_1370, %swap3A_1371] {strides = array<i32>} : memref<2x5x128xi32, #tpu.memory_space<vmem>>, vector<16xi32>,
      tpu.vector_store %arg6[%swap3A_1369, %swap3A_1370, %swap3A_1371], %get3A_1366 {strides = array<i32>} : memref<2x5x128xi32, #tpu.memory_space<vmem>>, vector<16xi32>,
      %get3A_1373 = arith.constant 1 : i32
      %get3A_1374 = arith.constant 5 : i32
      %get3A_1375 = arith.index_cast %get3A_1373 : i32 to index
      %get3A_1376 = arith.index_cast %get3A_1374 : i32 to index
      %get3A_1377 = arith.constant 48 : index
      %get3A_1378 = tpu.vector_load %arg5[%get3A_1375, %get3A_1376, %get3A_1377] {strides = array<i32>} : memref<2x10x64xi32, #tpu.memory_space<vmem>>, vector<16xi32>,
      %swap3A_1379 = arith.constant 1 : i32
      %swap3A_1380 = arith.constant 2 : i32
      %swap3A_1381 = arith.index_cast %swap3A_1379 : i32 to index
      %swap3A_1382 = arith.index_cast %swap3A_1380 : i32 to index
      %swap3A_1383 = arith.constant 112 : index
      %swap3A_1384 = tpu.vector_load %arg6[%swap3A_1381, %swap3A_1382, %swap3A_1383] {strides = array<i32>} : memref<2x5x128xi32, #tpu.memory_space<vmem>>, vector<16xi32>,
      tpu.vector_store %arg6[%swap3A_1381, %swap3A_1382, %swap3A_1383], %get3A_1378 {strides = array<i32>} : memref<2x5x128xi32, #tpu.memory_space<vmem>>, vector<16xi32>,
      %get3A_1385 = arith.constant 1 : i32
      %get3A_1386 = arith.constant 6 : i32
      %get3A_1387 = arith.index_cast %get3A_1385 : i32 to index
      %get3A_1388 = arith.index_cast %get3A_1386 : i32 to index
      %get3A_1389 = arith.constant 0 : index
      %get3A_1390 = tpu.vector_load %arg5[%get3A_1387, %get3A_1388, %get3A_1389] {strides = array<i32>} : memref<2x10x64xi32, #tpu.memory_space<vmem>>, vector<16xi32>,
      %swap3A_1391 = arith.constant 1 : i32
      %swap3A_1392 = arith.constant 3 : i32
      %swap3A_1393 = arith.index_cast %swap3A_1391 : i32 to index
      %swap3A_1394 = arith.index_cast %swap3A_1392 : i32 to index
      %swap3A_1395 = arith.constant 0 : index
      %swap3A_1396 = tpu.vector_load %arg6[%swap3A_1393, %swap3A_1394, %swap3A_1395] {strides = array<i32>} : memref<2x5x128xi32, #tpu.memory_space<vmem>>, vector<16xi32>,
      tpu.vector_store %arg6[%swap3A_1393, %swap3A_1394, %swap3A_1395], %get3A_1390 {strides = array<i32>} : memref<2x5x128xi32, #tpu.memory_space<vmem>>, vector<16xi32>,
      %get3A_1397 = arith.constant 1 : i32
      %get3A_1398 = arith.constant 6 : i32
      %get3A_1399 = arith.index_cast %get3A_1397 : i32 to index
      %get3A_1400 = arith.index_cast %get3A_1398 : i32 to index
      %get3A_1401 = arith.constant 16 : index
      %get3A_1402 = tpu.vector_load %arg5[%get3A_1399, %get3A_1400, %get3A_1401] {strides = array<i32>} : memref<2x10x64xi32, #tpu.memory_space<vmem>>, vector<16xi32>,
      %swap3A_1403 = arith.constant 1 : i32
      %swap3A_1404 = arith.constant 3 : i32
      %swap3A_1405 = arith.index_cast %swap3A_1403 : i32 to index
      %swap3A_1406 = arith.index_cast %swap3A_1404 : i32 to index
      %swap3A_1407 = arith.constant 16 : index
      %swap3A_1408 = tpu.vector_load %arg6[%swap3A_1405, %swap3A_1406, %swap3A_1407] {strides = array<i32>} : memref<2x5x128xi32, #tpu.memory_space<vmem>>, vector<16xi32>,
      tpu.vector_store %arg6[%swap3A_1405, %swap3A_1406, %swap3A_1407], %get3A_1402 {strides = array<i32>} : memref<2x5x128xi32, #tpu.memory_space<vmem>>, vector<16xi32>,
      %get3A_1409 = arith.constant 1 : i32
      %get3A_1410 = arith.constant 6 : i32
      %get3A_1411 = arith.index_cast %get3A_1409 : i32 to index
      %get3A_1412 = arith.index_cast %get3A_1410 : i32 to index
      %get3A_1413 = arith.constant 32 : index
      %get3A_1414 = tpu.vector_load %arg5[%get3A_1411, %get3A_1412, %get3A_1413] {strides = array<i32>} : memref<2x10x64xi32, #tpu.memory_space<vmem>>, vector<16xi32>,
      %swap3A_1415 = arith.constant 1 : i32
      %swap3A_1416 = arith.constant 3 : i32
      %swap3A_1417 = arith.index_cast %swap3A_1415 : i32 to index
      %swap3A_1418 = arith.index_cast %swap3A_1416 : i32 to index
      %swap3A_1419 = arith.constant 32 : index
      %swap3A_1420 = tpu.vector_load %arg6[%swap3A_1417, %swap3A_1418, %swap3A_1419] {strides = array<i32>} : memref<2x5x128xi32, #tpu.memory_space<vmem>>, vector<16xi32>,
      tpu.vector_store %arg6[%swap3A_1417, %swap3A_1418, %swap3A_1419], %get3A_1414 {strides = array<i32>} : memref<2x5x128xi32, #tpu.memory_space<vmem>>, vector<16xi32>,
      %get3A_1421 = arith.constant 1 : i32
      %get3A_1422 = arith.constant 6 : i32
      %get3A_1423 = arith.index_cast %get3A_1421 : i32 to index
      %get3A_1424 = arith.index_cast %get3A_1422 : i32 to index
      %get3A_1425 = arith.constant 48 : index
      %get3A_1426 = tpu.vector_load %arg5[%get3A_1423, %get3A_1424, %get3A_1425] {strides = array<i32>} : memref<2x10x64xi32, #tpu.memory_space<vmem>>, vector<16xi32>,
      %swap3A_1427 = arith.constant 1 : i32
      %swap3A_1428 = arith.constant 3 : i32
      %swap3A_1429 = arith.index_cast %swap3A_1427 : i32 to index
      %swap3A_1430 = arith.index_cast %swap3A_1428 : i32 to index
      %swap3A_1431 = arith.constant 48 : index
      %swap3A_1432 = tpu.vector_load %arg6[%swap3A_1429, %swap3A_1430, %swap3A_1431] {strides = array<i32>} : memref<2x5x128xi32, #tpu.memory_space<vmem>>, vector<16xi32>,
      tpu.vector_store %arg6[%swap3A_1429, %swap3A_1430, %swap3A_1431], %get3A_1426 {strides = array<i32>} : memref<2x5x128xi32, #tpu.memory_space<vmem>>, vector<16xi32>,
      %get3A_1433 = arith.constant 1 : i32
      %get3A_1434 = arith.constant 7 : i32
      %get3A_1435 = arith.index_cast %get3A_1433 : i32 to index
      %get3A_1436 = arith.index_cast %get3A_1434 : i32 to index
      %get3A_1437 = arith.constant 0 : index
      %get3A_1438 = tpu.vector_load %arg5[%get3A_1435, %get3A_1436, %get3A_1437] {strides = array<i32>} : memref<2x10x64xi32, #tpu.memory_space<vmem>>, vector<16xi32>,
      %swap3A_1439 = arith.constant 1 : i32
      %swap3A_1440 = arith.constant 3 : i32
      %swap3A_1441 = arith.index_cast %swap3A_1439 : i32 to index
      %swap3A_1442 = arith.index_cast %swap3A_1440 : i32 to index
      %swap3A_1443 = arith.constant 64 : index
      %swap3A_1444 = tpu.vector_load %arg6[%swap3A_1441, %swap3A_1442, %swap3A_1443] {strides = array<i32>} : memref<2x5x128xi32, #tpu.memory_space<vmem>>, vector<16xi32>,
      tpu.vector_store %arg6[%swap3A_1441, %swap3A_1442, %swap3A_1443], %get3A_1438 {strides = array<i32>} : memref<2x5x128xi32, #tpu.memory_space<vmem>>, vector<16xi32>,
      %get3A_1445 = arith.constant 1 : i32
      %get3A_1446 = arith.constant 7 : i32
      %get3A_1447 = arith.index_cast %get3A_1445 : i32 to index
      %get3A_1448 = arith.index_cast %get3A_1446 : i32 to index
      %get3A_1449 = arith.constant 16 : index
      %get3A_1450 = tpu.vector_load %arg5[%get3A_1447, %get3A_1448, %get3A_1449] {strides = array<i32>} : memref<2x10x64xi32, #tpu.memory_space<vmem>>, vector<16xi32>,
      %swap3A_1451 = arith.constant 1 : i32
      %swap3A_1452 = arith.constant 3 : i32
      %swap3A_1453 = arith.index_cast %swap3A_1451 : i32 to index
      %swap3A_1454 = arith.index_cast %swap3A_1452 : i32 to index
      %swap3A_1455 = arith.constant 80 : index
      %swap3A_1456 = tpu.vector_load %arg6[%swap3A_1453, %swap3A_1454, %swap3A_1455] {strides = array<i32>} : memref<2x5x128xi32, #tpu.memory_space<vmem>>, vector<16xi32>,
      tpu.vector_store %arg6[%swap3A_1453, %swap3A_1454, %swap3A_1455], %get3A_1450 {strides = array<i32>} : memref<2x5x128xi32, #tpu.memory_space<vmem>>, vector<16xi32>,
      %get3A_1457 = arith.constant 1 : i32
      %get3A_1458 = arith.constant 7 : i32
      %get3A_1459 = arith.index_cast %get3A_1457 : i32 to index
      %get3A_1460 = arith.index_cast %get3A_1458 : i32 to index
      %get3A_1461 = arith.constant 32 : index
      %get3A_1462 = tpu.vector_load %arg5[%get3A_1459, %get3A_1460, %get3A_1461] {strides = array<i32>} : memref<2x10x64xi32, #tpu.memory_space<vmem>>, vector<16xi32>,
      %swap3A_1463 = arith.constant 1 : i32
      %swap3A_1464 = arith.constant 3 : i32
      %swap3A_1465 = arith.index_cast %swap3A_1463 : i32 to index
      %swap3A_1466 = arith.index_cast %swap3A_1464 : i32 to index
      %swap3A_1467 = arith.constant 96 : index
      %swap3A_1468 = tpu.vector_load %arg6[%swap3A_1465, %swap3A_1466, %swap3A_1467] {strides = array<i32>} : memref<2x5x128xi32, #tpu.memory_space<vmem>>, vector<16xi32>,
      tpu.vector_store %arg6[%swap3A_1465, %swap3A_1466, %swap3A_1467], %get3A_1462 {strides = array<i32>} : memref<2x5x128xi32, #tpu.memory_space<vmem>>, vector<16xi32>,
      %get3A_1469 = arith.constant 1 : i32
      %get3A_1470 = arith.constant 7 : i32
      %get3A_1471 = arith.index_cast %get3A_1469 : i32 to index
      %get3A_1472 = arith.index_cast %get3A_1470 : i32 to index
      %get3A_1473 = arith.constant 48 : index
      %get3A_1474 = tpu.vector_load %arg5[%get3A_1471, %get3A_1472, %get3A_1473] {strides = array<i32>} : memref<2x10x64xi32, #tpu.memory_space<vmem>>, vector<16xi32>,
      %swap3A_1475 = arith.constant 1 : i32
      %swap3A_1476 = arith.constant 3 : i32
      %swap3A_1477 = arith.index_cast %swap3A_1475 : i32 to index
      %swap3A_1478 = arith.index_cast %swap3A_1476 : i32 to index
      %swap3A_1479 = arith.constant 112 : index
      %swap3A_1480 = tpu.vector_load %arg6[%swap3A_1477, %swap3A_1478, %swap3A_1479] {strides = array<i32>} : memref<2x5x128xi32, #tpu.memory_space<vmem>>, vector<16xi32>,
      tpu.vector_store %arg6[%swap3A_1477, %swap3A_1478, %swap3A_1479], %get3A_1474 {strides = array<i32>} : memref<2x5x128xi32, #tpu.memory_space<vmem>>, vector<16xi32>,
      %get3A_1481 = arith.constant 1 : i32
      %get3A_1482 = arith.constant 8 : i32
      %get3A_1483 = arith.index_cast %get3A_1481 : i32 to index
      %get3A_1484 = arith.index_cast %get3A_1482 : i32 to index
      %get3A_1485 = arith.constant 0 : index
      %get3A_1486 = tpu.vector_load %arg5[%get3A_1483, %get3A_1484, %get3A_1485] {strides = array<i32>} : memref<2x10x64xi32, #tpu.memory_space<vmem>>, vector<16xi32>,
      %swap3A_1487 = arith.constant 1 : i32
      %swap3A_1488 = arith.constant 4 : i32
      %swap3A_1489 = arith.index_cast %swap3A_1487 : i32 to index
      %swap3A_1490 = arith.index_cast %swap3A_1488 : i32 to index
      %swap3A_1491 = arith.constant 0 : index
      %swap3A_1492 = tpu.vector_load %arg6[%swap3A_1489, %swap3A_1490, %swap3A_1491] {strides = array<i32>} : memref<2x5x128xi32, #tpu.memory_space<vmem>>, vector<16xi32>,
      tpu.vector_store %arg6[%swap3A_1489, %swap3A_1490, %swap3A_1491], %get3A_1486 {strides = array<i32>} : memref<2x5x128xi32, #tpu.memory_space<vmem>>, vector<16xi32>,
      %get3A_1493 = arith.constant 1 : i32
      %get3A_1494 = arith.constant 8 : i32
      %get3A_1495 = arith.index_cast %get3A_1493 : i32 to index
      %get3A_1496 = arith.index_cast %get3A_1494 : i32 to index
      %get3A_1497 = arith.constant 16 : index
      %get3A_1498 = tpu.vector_load %arg5[%get3A_1495, %get3A_1496, %get3A_1497] {strides = array<i32>} : memref<2x10x64xi32, #tpu.memory_space<vmem>>, vector<16xi32>,
      %swap3A_1499 = arith.constant 1 : i32
      %swap3A_1500 = arith.constant 4 : i32
      %swap3A_1501 = arith.index_cast %swap3A_1499 : i32 to index
      %swap3A_1502 = arith.index_cast %swap3A_1500 : i32 to index
      %swap3A_1503 = arith.constant 16 : index
      %swap3A_1504 = tpu.vector_load %arg6[%swap3A_1501, %swap3A_1502, %swap3A_1503] {strides = array<i32>} : memref<2x5x128xi32, #tpu.memory_space<vmem>>, vector<16xi32>,
      tpu.vector_store %arg6[%swap3A_1501, %swap3A_1502, %swap3A_1503], %get3A_1498 {strides = array<i32>} : memref<2x5x128xi32, #tpu.memory_space<vmem>>, vector<16xi32>,
      %get3A_1505 = arith.constant 1 : i32
      %get3A_1506 = arith.constant 8 : i32
      %get3A_1507 = arith.index_cast %get3A_1505 : i32 to index
      %get3A_1508 = arith.index_cast %get3A_1506 : i32 to index
      %get3A_1509 = arith.constant 32 : index
      %get3A_1510 = tpu.vector_load %arg5[%get3A_1507, %get3A_1508, %get3A_1509] {strides = array<i32>} : memref<2x10x64xi32, #tpu.memory_space<vmem>>, vector<16xi32>,
      %swap3A_1511 = arith.constant 1 : i32
      %swap3A_1512 = arith.constant 4 : i32
      %swap3A_1513 = arith.index_cast %swap3A_1511 : i32 to index
      %swap3A_1514 = arith.index_cast %swap3A_1512 : i32 to index
      %swap3A_1515 = arith.constant 32 : index
      %swap3A_1516 = tpu.vector_load %arg6[%swap3A_1513, %swap3A_1514, %swap3A_1515] {strides = array<i32>} : memref<2x5x128xi32, #tpu.memory_space<vmem>>, vector<16xi32>,
      tpu.vector_store %arg6[%swap3A_1513, %swap3A_1514, %swap3A_1515], %get3A_1510 {strides = array<i32>} : memref<2x5x128xi32, #tpu.memory_space<vmem>>, vector<16xi32>,
      %get3A_1517 = arith.constant 1 : i32
      %get3A_1518 = arith.constant 8 : i32
      %get3A_1519 = arith.index_cast %get3A_1517 : i32 to index
      %get3A_1520 = arith.index_cast %get3A_1518 : i32 to index
      %get3A_1521 = arith.constant 48 : index
      %get3A_1522 = tpu.vector_load %arg5[%get3A_1519, %get3A_1520, %get3A_1521] {strides = array<i32>} : memref<2x10x64xi32, #tpu.memory_space<vmem>>, vector<16xi32>,
      %swap3A_1523 = arith.constant 1 : i32
      %swap3A_1524 = arith.constant 4 : i32
      %swap3A_1525 = arith.index_cast %swap3A_1523 : i32 to index
      %swap3A_1526 = arith.index_cast %swap3A_1524 : i32 to index
      %swap3A_1527 = arith.constant 48 : index
      %swap3A_1528 = tpu.vector_load %arg6[%swap3A_1525, %swap3A_1526, %swap3A_1527] {strides = array<i32>} : memref<2x5x128xi32, #tpu.memory_space<vmem>>, vector<16xi32>,
      tpu.vector_store %arg6[%swap3A_1525, %swap3A_1526, %swap3A_1527], %get3A_1522 {strides = array<i32>} : memref<2x5x128xi32, #tpu.memory_space<vmem>>, vector<16xi32>,
      %get3A_1529 = arith.constant 1 : i32
      %get3A_1530 = arith.constant 9 : i32
      %get3A_1531 = arith.index_cast %get3A_1529 : i32 to index
      %get3A_1532 = arith.index_cast %get3A_1530 : i32 to index
      %get3A_1533 = arith.constant 0 : index
      %get3A_1534 = tpu.vector_load %arg5[%get3A_1531, %get3A_1532, %get3A_1533] {strides = array<i32>} : memref<2x10x64xi32, #tpu.memory_space<vmem>>, vector<16xi32>,
      %swap3A_1535 = arith.constant 1 : i32
      %swap3A_1536 = arith.constant 4 : i32
      %swap3A_1537 = arith.index_cast %swap3A_1535 : i32 to index
      %swap3A_1538 = arith.index_cast %swap3A_1536 : i32 to index
      %swap3A_1539 = arith.constant 64 : index
      %swap3A_1540 = tpu.vector_load %arg6[%swap3A_1537, %swap3A_1538, %swap3A_1539] {strides = array<i32>} : memref<2x5x128xi32, #tpu.memory_space<vmem>>, vector<16xi32>,
      tpu.vector_store %arg6[%swap3A_1537, %swap3A_1538, %swap3A_1539], %get3A_1534 {strides = array<i32>} : memref<2x5x128xi32, #tpu.memory_space<vmem>>, vector<16xi32>,
      %get3A_1541 = arith.constant 1 : i32
      %get3A_1542 = arith.constant 9 : i32
      %get3A_1543 = arith.index_cast %get3A_1541 : i32 to index
      %get3A_1544 = arith.index_cast %get3A_1542 : i32 to index
      %get3A_1545 = arith.constant 16 : index
      %get3A_1546 = tpu.vector_load %arg5[%get3A_1543, %get3A_1544, %get3A_1545] {strides = array<i32>} : memref<2x10x64xi32, #tpu.memory_space<vmem>>, vector<16xi32>,
      %swap3A_1547 = arith.constant 1 : i32
      %swap3A_1548 = arith.constant 4 : i32
      %swap3A_1549 = arith.index_cast %swap3A_1547 : i32 to index
      %swap3A_1550 = arith.index_cast %swap3A_1548 : i32 to index
      %swap3A_1551 = arith.constant 80 : index
      %swap3A_1552 = tpu.vector_load %arg6[%swap3A_1549, %swap3A_1550, %swap3A_1551] {strides = array<i32>} : memref<2x5x128xi32, #tpu.memory_space<vmem>>, vector<16xi32>,
      tpu.vector_store %arg6[%swap3A_1549, %swap3A_1550, %swap3A_1551], %get3A_1546 {strides = array<i32>} : memref<2x5x128xi32, #tpu.memory_space<vmem>>, vector<16xi32>,
      %get3A_1553 = arith.constant 1 : i32
      %get3A_1554 = arith.constant 9 : i32
      %get3A_1555 = arith.index_cast %get3A_1553 : i32 to index
      %get3A_1556 = arith.index_cast %get3A_1554 : i32 to index
      %get3A_1557 = arith.constant 32 : index
      %get3A_1558 = tpu.vector_load %arg5[%get3A_1555, %get3A_1556, %get3A_1557] {strides = array<i32>} : memref<2x10x64xi32, #tpu.memory_space<vmem>>, vector<16xi32>,
      %swap3A_1559 = arith.constant 1 : i32
      %swap3A_1560 = arith.constant 4 : i32
      %swap3A_1561 = arith.index_cast %swap3A_1559 : i32 to index
      %swap3A_1562 = arith.index_cast %swap3A_1560 : i32 to index
      %swap3A_1563 = arith.constant 96 : index
      %swap3A_1564 = tpu.vector_load %arg6[%swap3A_1561, %swap3A_1562, %swap3A_1563] {strides = array<i32>} : memref<2x5x128xi32, #tpu.memory_space<vmem>>, vector<16xi32>,
      tpu.vector_store %arg6[%swap3A_1561, %swap3A_1562, %swap3A_1563], %get3A_1558 {strides = array<i32>} : memref<2x5x128xi32, #tpu.memory_space<vmem>>, vector<16xi32>,
      %get3A_1565 = arith.constant 1 : i32
      %get3A_1566 = arith.constant 9 : i32
      %get3A_1567 = arith.index_cast %get3A_1565 : i32 to index
      %get3A_1568 = arith.index_cast %get3A_1566 : i32 to index
      %get3A_1569 = arith.constant 48 : index
      %get3A_1570 = tpu.vector_load %arg5[%get3A_1567, %get3A_1568, %get3A_1569] {strides = array<i32>} : memref<2x10x64xi32, #tpu.memory_space<vmem>>, vector<16xi32>,
      %swap3A_1571 = arith.constant 1 : i32
      %swap3A_1572 = arith.constant 4 : i32
      %swap3A_1573 = arith.index_cast %swap3A_1571 : i32 to index
      %swap3A_1574 = arith.index_cast %swap3A_1572 : i32 to index
      %swap3A_1575 = arith.constant 112 : index
      %swap3A_1576 = tpu.vector_load %arg6[%swap3A_1573, %swap3A_1574, %swap3A_1575] {strides = array<i32>} : memref<2x5x128xi32, #tpu.memory_space<vmem>>, vector<16xi32>,
      tpu.vector_store %arg6[%swap3A_1573, %swap3A_1574, %swap3A_1575], %get3A_1570 {strides = array<i32>} : memref<2x5x128xi32, #tpu.memory_space<vmem>>, vector<16xi32>,
      %get3A_1577 = arith.constant 1 : i32
      %get3A_1578 = arith.constant 0 : i32
      %get3A_1579 = arith.index_cast %get3A_1577 : i32 to index
      %get3A_1580 = arith.index_cast %get3A_1578 : i32 to index
      %get3A_1581 = arith.constant 0 : index
      %get3A_1582 = tpu.vector_load %arg5[%get3A_1579, %get3A_1580, %get3A_1581] {strides = array<i32>} : memref<2x10x64xi32, #tpu.memory_space<vmem>>, vector<16xi32>,
      %dma_start3A_1583 = arith.constant 1 : i32
      %dma_start3A_1584 = arith.constant 0 : i32
      %dma_start3A_1585 = arith.constant 1 : i32
      %dma_start3A_1586 = arith.constant 1 : i32
      %dma_start3A_1587 = arith.constant 0 : i32
      %dma_start3A_1588 = arith.constant 0 : i32
      %dma_start3A_1589 = tpu.memref_slice %arg7[%dma_start3A_1585, %dma_start3A_1587, %dma_start3A_1588] : memref<2x640x32xf32, #tpu.memory_space<vmem>> -> memref<1x128x32xf32, #tpu.memory_space<vmem>>
      %dma_start3A_1590 = tpu.memref_squeeze %dma_start3A_1589 : memref<1x128x32xf32, #tpu.memory_space<vmem>> -> memref<128x32xf32, #tpu.memory_space<vmem>>
      %dma_start3A_1591 = arith.constant 0 : i32
      %dma_start3A_1592 = tpu.memref_slice %arg6[%dma_start3A_1583, %dma_start3A_1584, %dma_start3A_1591] : memref<2x5x128xi32, #tpu.memory_space<vmem>> -> memref<1x1x128xi32, #tpu.memory_space<vmem>>
      %dma_start3A_1593 = tpu.memref_squeeze %dma_start3A_1592 : memref<1x1x128xi32, #tpu.memory_space<vmem>> -> memref<128xi32, #tpu.memory_space<vmem>>
      %dma_start3A_1594 = arith.constant 0 : i32
      %dma_start3A_1595 = arith.constant 0 : i32
      %dma_start3A_1596 = tpu.memref_slice %arg2[%dma_start3A_1594, %dma_start3A_1595] : memref<1000000x32xf32, #tpu.memory_space<hbm>> -> memref<1000000x32xf32, #tpu.memory_space<hbm>>
      %dma_start3A_1597 = tpu.memref_slice %arg10[%dma_start3A_1586] : memref<2x!tpu.dma_semaphore, #tpu.memory_space<semaphore_mem>> -> memref<1x!tpu.dma_semaphore, #tpu.memory_space<semaphore_mem>>
      %dma_start3A_1598 = tpu.memref_squeeze %dma_start3A_1597 : memref<1x!tpu.dma_semaphore, #tpu.memory_space<semaphore_mem>> -> memref<!tpu.dma_semaphore, #tpu.memory_space<semaphore_mem>>
      tpu.enqueue_indirect_dma source(%dma_start3A_1596 : memref<1000000x32xf32, #tpu.memory_space<hbm>>) target(%dma_start3A_1590 : memref<128x32xf32, #tpu.memory_space<vmem>>) offsets(%dma_start3A_1593 : memref<128xi32, #tpu.memory_space<vmem>>) semaphore(%dma_start3A_1598 : memref<!tpu.dma_semaphore, #tpu.memory_space<semaphore_mem>>)
      %dma_start3A_1599 = arith.constant 1 : i32
      %dma_start3A_1600 = arith.constant 1 : i32
      %dma_start3A_1601 = arith.constant 1 : i32
      %dma_start3A_1602 = arith.constant 1 : i32
      %dma_start3A_1603 = arith.constant 128 : i32
      %dma_start3A_1604 = arith.constant 0 : i32
      %dma_start3A_1605 = tpu.memref_slice %arg7[%dma_start3A_1601, %dma_start3A_1603, %dma_start3A_1604] : memref<2x640x32xf32, #tpu.memory_space<vmem>> -> memref<1x128x32xf32, #tpu.memory_space<vmem>>
      %dma_start3A_1606 = tpu.memref_squeeze %dma_start3A_1605 : memref<1x128x32xf32, #tpu.memory_space<vmem>> -> memref<128x32xf32, #tpu.memory_space<vmem>>
      %dma_start3A_1607 = arith.constant 0 : i32
      %dma_start3A_1608 = tpu.memref_slice %arg6[%dma_start3A_1599, %dma_start3A_1600, %dma_start3A_1607] : memref<2x5x128xi32, #tpu.memory_space<vmem>> -> memref<1x1x128xi32, #tpu.memory_space<vmem>>
      %dma_start3A_1609 = tpu.memref_squeeze %dma_start3A_1608 : memref<1x1x128xi32, #tpu.memory_space<vmem>> -> memref<128xi32, #tpu.memory_space<vmem>>
      %dma_start3A_1610 = arith.constant 0 : i32
      %dma_start3A_1611 = arith.constant 0 : i32
      %dma_start3A_1612 = tpu.memref_slice %arg2[%dma_start3A_1610, %dma_start3A_1611] : memref<1000000x32xf32, #tpu.memory_space<hbm>> -> memref<1000000x32xf32, #tpu.memory_space<hbm>>
      %dma_start3A_1613 = tpu.memref_slice %arg10[%dma_start3A_1602] : memref<2x!tpu.dma_semaphore, #tpu.memory_space<semaphore_mem>> -> memref<1x!tpu.dma_semaphore, #tpu.memory_space<semaphore_mem>>
      %dma_start3A_1614 = tpu.memref_squeeze %dma_start3A_1613 : memref<1x!tpu.dma_semaphore, #tpu.memory_space<semaphore_mem>> -> memref<!tpu.dma_semaphore, #tpu.memory_space<semaphore_mem>>
      tpu.enqueue_indirect_dma source(%dma_start3A_1612 : memref<1000000x32xf32, #tpu.memory_space<hbm>>) target(%dma_start3A_1606 : memref<128x32xf32, #tpu.memory_space<vmem>>) offsets(%dma_start3A_1609 : memref<128xi32, #tpu.memory_space<vmem>>) semaphore(%dma_start3A_1614 : memref<!tpu.dma_semaphore, #tpu.memory_space<semaphore_mem>>)
      %dma_start3A_1615 = arith.constant 1 : i32
      %dma_start3A_1616 = arith.constant 2 : i32
      %dma_start3A_1617 = arith.constant 1 : i32
      %dma_start3A_1618 = arith.constant 1 : i32
      %dma_start3A_1619 = arith.constant 256 : i32
      %dma_start3A_1620 = arith.constant 0 : i32
      %dma_start3A_1621 = tpu.memref_slice %arg7[%dma_start3A_1617, %dma_start3A_1619, %dma_start3A_1620] : memref<2x640x32xf32, #tpu.memory_space<vmem>> -> memref<1x128x32xf32, #tpu.memory_space<vmem>>
      %dma_start3A_1622 = tpu.memref_squeeze %dma_start3A_1621 : memref<1x128x32xf32, #tpu.memory_space<vmem>> -> memref<128x32xf32, #tpu.memory_space<vmem>>
      %dma_start3A_1623 = arith.constant 0 : i32
      %dma_start3A_1624 = tpu.memref_slice %arg6[%dma_start3A_1615, %dma_start3A_1616, %dma_start3A_1623] : memref<2x5x128xi32, #tpu.memory_space<vmem>> -> memref<1x1x128xi32, #tpu.memory_space<vmem>>
      %dma_start3A_1625 = tpu.memref_squeeze %dma_start3A_1624 : memref<1x1x128xi32, #tpu.memory_space<vmem>> -> memref<128xi32, #tpu.memory_space<vmem>>
      %dma_start3A_1626 = arith.constant 0 : i32
      %dma_start3A_1627 = arith.constant 0 : i32
      %dma_start3A_1628 = tpu.memref_slice %arg2[%dma_start3A_1626, %dma_start3A_1627] : memref<1000000x32xf32, #tpu.memory_space<hbm>> -> memref<1000000x32xf32, #tpu.memory_space<hbm>>
      %dma_start3A_1629 = tpu.memref_slice %arg10[%dma_start3A_1618] : memref<2x!tpu.dma_semaphore, #tpu.memory_space<semaphore_mem>> -> memref<1x!tpu.dma_semaphore, #tpu.memory_space<semaphore_mem>>
      %dma_start3A_1630 = tpu.memref_squeeze %dma_start3A_1629 : memref<1x!tpu.dma_semaphore, #tpu.memory_space<semaphore_mem>> -> memref<!tpu.dma_semaphore, #tpu.memory_space<semaphore_mem>>
      tpu.enqueue_indirect_dma source(%dma_start3A_1628 : memref<1000000x32xf32, #tpu.memory_space<hbm>>) target(%dma_start3A_1622 : memref<128x32xf32, #tpu.memory_space<vmem>>) offsets(%dma_start3A_1625 : memref<128xi32, #tpu.memory_space<vmem>>) semaphore(%dma_start3A_1630 : memref<!tpu.dma_semaphore, #tpu.memory_space<semaphore_mem>>)
      %dma_start3A_1631 = arith.constant 1 : i32
      %dma_start3A_1632 = arith.constant 3 : i32
      %dma_start3A_1633 = arith.constant 1 : i32
      %dma_start3A_1634 = arith.constant 1 : i32
      %dma_start3A_1635 = arith.constant 384 : i32
      %dma_start3A_1636 = arith.constant 0 : i32
      %dma_start3A_1637 = tpu.memref_slice %arg7[%dma_start3A_1633, %dma_start3A_1635, %dma_start3A_1636] : memref<2x640x32xf32, #tpu.memory_space<vmem>> -> memref<1x128x32xf32, #tpu.memory_space<vmem>>
      %dma_start3A_1638 = tpu.memref_squeeze %dma_start3A_1637 : memref<1x128x32xf32, #tpu.memory_space<vmem>> -> memref<128x32xf32, #tpu.memory_space<vmem>>
      %dma_start3A_1639 = arith.constant 0 : i32
      %dma_start3A_1640 = tpu.memref_slice %arg6[%dma_start3A_1631, %dma_start3A_1632, %dma_start3A_1639] : memref<2x5x128xi32, #tpu.memory_space<vmem>> -> memref<1x1x128xi32, #tpu.memory_space<vmem>>
      %dma_start3A_1641 = tpu.memref_squeeze %dma_start3A_1640 : memref<1x1x128xi32, #tpu.memory_space<vmem>> -> memref<128xi32, #tpu.memory_space<vmem>>
      %dma_start3A_1642 = arith.constant 0 : i32
      %dma_start3A_1643 = arith.constant 0 : i32
      %dma_start3A_1644 = tpu.memref_slice %arg2[%dma_start3A_1642, %dma_start3A_1643] : memref<1000000x32xf32, #tpu.memory_space<hbm>> -> memref<1000000x32xf32, #tpu.memory_space<hbm>>
      %dma_start3A_1645 = tpu.memref_slice %arg10[%dma_start3A_1634] : memref<2x!tpu.dma_semaphore, #tpu.memory_space<semaphore_mem>> -> memref<1x!tpu.dma_semaphore, #tpu.memory_space<semaphore_mem>>
      %dma_start3A_1646 = tpu.memref_squeeze %dma_start3A_1645 : memref<1x!tpu.dma_semaphore, #tpu.memory_space<semaphore_mem>> -> memref<!tpu.dma_semaphore, #tpu.memory_space<semaphore_mem>>
      tpu.enqueue_indirect_dma source(%dma_start3A_1644 : memref<1000000x32xf32, #tpu.memory_space<hbm>>) target(%dma_start3A_1638 : memref<128x32xf32, #tpu.memory_space<vmem>>) offsets(%dma_start3A_1641 : memref<128xi32, #tpu.memory_space<vmem>>) semaphore(%dma_start3A_1646 : memref<!tpu.dma_semaphore, #tpu.memory_space<semaphore_mem>>)
      %dma_start3A_1647 = arith.constant 1 : i32
      %dma_start3A_1648 = arith.constant 4 : i32
      %dma_start3A_1649 = arith.constant 1 : i32
      %dma_start3A_1650 = arith.constant 1 : i32
      %dma_start3A_1651 = arith.constant 512 : i32
      %dma_start3A_1652 = arith.constant 0 : i32
      %dma_start3A_1653 = tpu.memref_slice %arg7[%dma_start3A_1649, %dma_start3A_1651, %dma_start3A_1652] : memref<2x640x32xf32, #tpu.memory_space<vmem>> -> memref<1x128x32xf32, #tpu.memory_space<vmem>>
      %dma_start3A_1654 = tpu.memref_squeeze %dma_start3A_1653 : memref<1x128x32xf32, #tpu.memory_space<vmem>> -> memref<128x32xf32, #tpu.memory_space<vmem>>
      %dma_start3A_1655 = arith.constant 0 : i32
      %dma_start3A_1656 = tpu.memref_slice %arg6[%dma_start3A_1647, %dma_start3A_1648, %dma_start3A_1655] : memref<2x5x128xi32, #tpu.memory_space<vmem>> -> memref<1x1x128xi32, #tpu.memory_space<vmem>>
      %dma_start3A_1657 = tpu.memref_squeeze %dma_start3A_1656 : memref<1x1x128xi32, #tpu.memory_space<vmem>> -> memref<128xi32, #tpu.memory_space<vmem>>
      %dma_start3A_1658 = arith.constant 0 : i32
      %dma_start3A_1659 = arith.constant 0 : i32
      %dma_start3A_1660 = tpu.memref_slice %arg2[%dma_start3A_1658, %dma_start3A_1659] : memref<1000000x32xf32, #tpu.memory_space<hbm>> -> memref<1000000x32xf32, #tpu.memory_space<hbm>>
      %dma_start3A_1661 = tpu.memref_slice %arg10[%dma_start3A_1650] : memref<2x!tpu.dma_semaphore, #tpu.memory_space<semaphore_mem>> -> memref<1x!tpu.dma_semaphore, #tpu.memory_space<semaphore_mem>>
      %dma_start3A_1662 = tpu.memref_squeeze %dma_start3A_1661 : memref<1x!tpu.dma_semaphore, #tpu.memory_space<semaphore_mem>> -> memref<!tpu.dma_semaphore, #tpu.memory_space<semaphore_mem>>
      tpu.enqueue_indirect_dma source(%dma_start3A_1660 : memref<1000000x32xf32, #tpu.memory_space<hbm>>) target(%dma_start3A_1654 : memref<128x32xf32, #tpu.memory_space<vmem>>) offsets(%dma_start3A_1657 : memref<128xi32, #tpu.memory_space<vmem>>) semaphore(%dma_start3A_1662 : memref<!tpu.dma_semaphore, #tpu.memory_space<semaphore_mem>>)
      %dma_wait3A_1663 = arith.constant 1 : i32
      %dma_wait3A_1664 = arith.constant 0 : i32
      %dma_wait3A_1665 = arith.constant 1 : i32
      %dma_wait3A_1666 = arith.constant 1 : i32
      %dma_wait3A_1667 = arith.constant 0 : i32
      %dma_wait3A_1668 = arith.constant 0 : i32
      %dma_wait3A_1669 = tpu.memref_slice %arg7[%dma_wait3A_1665, %dma_wait3A_1667, %dma_wait3A_1668] : memref<2x640x32xf32, #tpu.memory_space<vmem>> -> memref<1x128x32xf32, #tpu.memory_space<vmem>>
      %dma_wait3A_1670 = tpu.memref_squeeze %dma_wait3A_1669 : memref<1x128x32xf32, #tpu.memory_space<vmem>> -> memref<128x32xf32, #tpu.memory_space<vmem>>
      %dma_wait3A_1671 = arith.constant 0 : i32
      %dma_wait3A_1672 = tpu.memref_slice %arg6[%dma_wait3A_1663, %dma_wait3A_1664, %dma_wait3A_1671] : memref<2x5x128xi32, #tpu.memory_space<vmem>> -> memref<1x1x128xi32, #tpu.memory_space<vmem>>
      %dma_wait3A_1673 = tpu.memref_squeeze %dma_wait3A_1672 : memref<1x1x128xi32, #tpu.memory_space<vmem>> -> memref<128xi32, #tpu.memory_space<vmem>>
      %dma_wait3A_1674 = arith.constant 0 : i32
      %dma_wait3A_1675 = arith.constant 0 : i32
      %dma_wait3A_1676 = tpu.memref_slice %arg2[%dma_wait3A_1674, %dma_wait3A_1675] : memref<1000000x32xf32, #tpu.memory_space<hbm>> -> memref<1000000x32xf32, #tpu.memory_space<hbm>>
      %dma_wait3A_1677 = tpu.memref_slice %arg10[%dma_wait3A_1666] : memref<2x!tpu.dma_semaphore, #tpu.memory_space<semaphore_mem>> -> memref<1x!tpu.dma_semaphore, #tpu.memory_space<semaphore_mem>>
      %dma_wait3A_1678 = tpu.memref_squeeze %dma_wait3A_1677 : memref<1x!tpu.dma_semaphore, #tpu.memory_space<semaphore_mem>> -> memref<!tpu.dma_semaphore, #tpu.memory_space<semaphore_mem>>
      tpu.wait_indirect_dma semaphore(%dma_wait3A_1678 : memref<!tpu.dma_semaphore, #tpu.memory_space<semaphore_mem>>) src(%dma_wait3A_1676 : memref<1000000x32xf32, #tpu.memory_space<hbm>>) dst(%dma_wait3A_1670 : memref<128x32xf32, #tpu.memory_space<vmem>>)
      %dma_wait3A_1679 = arith.constant 1 : i32
      %dma_wait3A_1680 = arith.constant 1 : i32
      %dma_wait3A_1681 = arith.constant 1 : i32
      %dma_wait3A_1682 = arith.constant 1 : i32
      %dma_wait3A_1683 = arith.constant 128 : i32
      %dma_wait3A_1684 = arith.constant 0 : i32
      %dma_wait3A_1685 = tpu.memref_slice %arg7[%dma_wait3A_1681, %dma_wait3A_1683, %dma_wait3A_1684] : memref<2x640x32xf32, #tpu.memory_space<vmem>> -> memref<1x128x32xf32, #tpu.memory_space<vmem>>
      %dma_wait3A_1686 = tpu.memref_squeeze %dma_wait3A_1685 : memref<1x128x32xf32, #tpu.memory_space<vmem>> -> memref<128x32xf32, #tpu.memory_space<vmem>>
      %dma_wait3A_1687 = arith.constant 0 : i32
      %dma_wait3A_1688 = tpu.memref_slice %arg6[%dma_wait3A_1679, %dma_wait3A_1680, %dma_wait3A_1687] : memref<2x5x128xi32, #tpu.memory_space<vmem>> -> memref<1x1x128xi32, #tpu.memory_space<vmem>>
      %dma_wait3A_1689 = tpu.memref_squeeze %dma_wait3A_1688 : memref<1x1x128xi32, #tpu.memory_space<vmem>> -> memref<128xi32, #tpu.memory_space<vmem>>
      %dma_wait3A_1690 = arith.constant 0 : i32
      %dma_wait3A_1691 = arith.constant 0 : i32
      %dma_wait3A_1692 = tpu.memref_slice %arg2[%dma_wait3A_1690, %dma_wait3A_1691] : memref<1000000x32xf32, #tpu.memory_space<hbm>> -> memref<1000000x32xf32, #tpu.memory_space<hbm>>
      %dma_wait3A_1693 = tpu.memref_slice %arg10[%dma_wait3A_1682] : memref<2x!tpu.dma_semaphore, #tpu.memory_space<semaphore_mem>> -> memref<1x!tpu.dma_semaphore, #tpu.memory_space<semaphore_mem>>
      %dma_wait3A_1694 = tpu.memref_squeeze %dma_wait3A_1693 : memref<1x!tpu.dma_semaphore, #tpu.memory_space<semaphore_mem>> -> memref<!tpu.dma_semaphore, #tpu.memory_space<semaphore_mem>>
      tpu.wait_indirect_dma semaphore(%dma_wait3A_1694 : memref<!tpu.dma_semaphore, #tpu.memory_space<semaphore_mem>>) src(%dma_wait3A_1692 : memref<1000000x32xf32, #tpu.memory_space<hbm>>) dst(%dma_wait3A_1686 : memref<128x32xf32, #tpu.memory_space<vmem>>)
      %dma_wait3A_1695 = arith.constant 1 : i32
      %dma_wait3A_1696 = arith.constant 2 : i32
      %dma_wait3A_1697 = arith.constant 1 : i32
      %dma_wait3A_1698 = arith.constant 1 : i32
      %dma_wait3A_1699 = arith.constant 256 : i32
      %dma_wait3A_1700 = arith.constant 0 : i32
      %dma_wait3A_1701 = tpu.memref_slice %arg7[%dma_wait3A_1697, %dma_wait3A_1699, %dma_wait3A_1700] : memref<2x640x32xf32, #tpu.memory_space<vmem>> -> memref<1x128x32xf32, #tpu.memory_space<vmem>>
      %dma_wait3A_1702 = tpu.memref_squeeze %dma_wait3A_1701 : memref<1x128x32xf32, #tpu.memory_space<vmem>> -> memref<128x32xf32, #tpu.memory_space<vmem>>
      %dma_wait3A_1703 = arith.constant 0 : i32
      %dma_wait3A_1704 = tpu.memref_slice %arg6[%dma_wait3A_1695, %dma_wait3A_1696, %dma_wait3A_1703] : memref<2x5x128xi32, #tpu.memory_space<vmem>> -> memref<1x1x128xi32, #tpu.memory_space<vmem>>
      %dma_wait3A_1705 = tpu.memref_squeeze %dma_wait3A_1704 : memref<1x1x128xi32, #tpu.memory_space<vmem>> -> memref<128xi32, #tpu.memory_space<vmem>>
      %dma_wait3A_1706 = arith.constant 0 : i32
      %dma_wait3A_1707 = arith.constant 0 : i32
      %dma_wait3A_1708 = tpu.memref_slice %arg2[%dma_wait3A_1706, %dma_wait3A_1707] : memref<1000000x32xf32, #tpu.memory_space<hbm>> -> memref<1000000x32xf32, #tpu.memory_space<hbm>>
      %dma_wait3A_1709 = tpu.memref_slice %arg10[%dma_wait3A_1698] : memref<2x!tpu.dma_semaphore, #tpu.memory_space<semaphore_mem>> -> memref<1x!tpu.dma_semaphore, #tpu.memory_space<semaphore_mem>>
      %dma_wait3A_1710 = tpu.memref_squeeze %dma_wait3A_1709 : memref<1x!tpu.dma_semaphore, #tpu.memory_space<semaphore_mem>> -> memref<!tpu.dma_semaphore, #tpu.memory_space<semaphore_mem>>
      tpu.wait_indirect_dma semaphore(%dma_wait3A_1710 : memref<!tpu.dma_semaphore, #tpu.memory_space<semaphore_mem>>) src(%dma_wait3A_1708 : memref<1000000x32xf32, #tpu.memory_space<hbm>>) dst(%dma_wait3A_1702 : memref<128x32xf32, #tpu.memory_space<vmem>>)
      %dma_wait3A_1711 = arith.constant 1 : i32
      %dma_wait3A_1712 = arith.constant 3 : i32
      %dma_wait3A_1713 = arith.constant 1 : i32
      %dma_wait3A_1714 = arith.constant 1 : i32
      %dma_wait3A_1715 = arith.constant 384 : i32
      %dma_wait3A_1716 = arith.constant 0 : i32
      %dma_wait3A_1717 = tpu.memref_slice %arg7[%dma_wait3A_1713, %dma_wait3A_1715, %dma_wait3A_1716] : memref<2x640x32xf32, #tpu.memory_space<vmem>> -> memref<1x128x32xf32, #tpu.memory_space<vmem>>
      %dma_wait3A_1718 = tpu.memref_squeeze %dma_wait3A_1717 : memref<1x128x32xf32, #tpu.memory_space<vmem>> -> memref<128x32xf32, #tpu.memory_space<vmem>>
      %dma_wait3A_1719 = arith.constant 0 : i32
      %dma_wait3A_1720 = tpu.memref_slice %arg6[%dma_wait3A_1711, %dma_wait3A_1712, %dma_wait3A_1719] : memref<2x5x128xi32, #tpu.memory_space<vmem>> -> memref<1x1x128xi32, #tpu.memory_space<vmem>>
      %dma_wait3A_1721 = tpu.memref_squeeze %dma_wait3A_1720 : memref<1x1x128xi32, #tpu.memory_space<vmem>> -> memref<128xi32, #tpu.memory_space<vmem>>
      %dma_wait3A_1722 = arith.constant 0 : i32
      %dma_wait3A_1723 = arith.constant 0 : i32
      %dma_wait3A_1724 = tpu.memref_slice %arg2[%dma_wait3A_1722, %dma_wait3A_1723] : memref<1000000x32xf32, #tpu.memory_space<hbm>> -> memref<1000000x32xf32, #tpu.memory_space<hbm>>
      %dma_wait3A_1725 = tpu.memref_slice %arg10[%dma_wait3A_1714] : memref<2x!tpu.dma_semaphore, #tpu.memory_space<semaphore_mem>> -> memref<1x!tpu.dma_semaphore, #tpu.memory_space<semaphore_mem>>
      %dma_wait3A_1726 = tpu.memref_squeeze %dma_wait3A_1725 : memref<1x!tpu.dma_semaphore, #tpu.memory_space<semaphore_mem>> -> memref<!tpu.dma_semaphore, #tpu.memory_space<semaphore_mem>>
      tpu.wait_indirect_dma semaphore(%dma_wait3A_1726 : memref<!tpu.dma_semaphore, #tpu.memory_space<semaphore_mem>>) src(%dma_wait3A_1724 : memref<1000000x32xf32, #tpu.memory_space<hbm>>) dst(%dma_wait3A_1718 : memref<128x32xf32, #tpu.memory_space<vmem>>)
      %dma_wait3A_1727 = arith.constant 1 : i32
      %dma_wait3A_1728 = arith.constant 4 : i32
      %dma_wait3A_1729 = arith.constant 1 : i32
      %dma_wait3A_1730 = arith.constant 1 : i32
      %dma_wait3A_1731 = arith.constant 512 : i32
      %dma_wait3A_1732 = arith.constant 0 : i32
      %dma_wait3A_1733 = tpu.memref_slice %arg7[%dma_wait3A_1729, %dma_wait3A_1731, %dma_wait3A_1732] : memref<2x640x32xf32, #tpu.memory_space<vmem>> -> memref<1x128x32xf32, #tpu.memory_space<vmem>>
      %dma_wait3A_1734 = tpu.memref_squeeze %dma_wait3A_1733 : memref<1x128x32xf32, #tpu.memory_space<vmem>> -> memref<128x32xf32, #tpu.memory_space<vmem>>
      %dma_wait3A_1735 = arith.constant 0 : i32
      %dma_wait3A_1736 = tpu.memref_slice %arg6[%dma_wait3A_1727, %dma_wait3A_1728, %dma_wait3A_1735] : memref<2x5x128xi32, #tpu.memory_space<vmem>> -> memref<1x1x128xi32, #tpu.memory_space<vmem>>
      %dma_wait3A_1737 = tpu.memref_squeeze %dma_wait3A_1736 : memref<1x1x128xi32, #tpu.memory_space<vmem>> -> memref<128xi32, #tpu.memory_space<vmem>>
      %dma_wait3A_1738 = arith.constant 0 : i32
      %dma_wait3A_1739 = arith.constant 0 : i32
      %dma_wait3A_1740 = tpu.memref_slice %arg2[%dma_wait3A_1738, %dma_wait3A_1739] : memref<1000000x32xf32, #tpu.memory_space<hbm>> -> memref<1000000x32xf32, #tpu.memory_space<hbm>>
      %dma_wait3A_1741 = tpu.memref_slice %arg10[%dma_wait3A_1730] : memref<2x!tpu.dma_semaphore, #tpu.memory_space<semaphore_mem>> -> memref<1x!tpu.dma_semaphore, #tpu.memory_space<semaphore_mem>>
      %dma_wait3A_1742 = tpu.memref_squeeze %dma_wait3A_1741 : memref<1x!tpu.dma_semaphore, #tpu.memory_space<semaphore_mem>> -> memref<!tpu.dma_semaphore, #tpu.memory_space<semaphore_mem>>
      tpu.wait_indirect_dma semaphore(%dma_wait3A_1742 : memref<!tpu.dma_semaphore, #tpu.memory_space<semaphore_mem>>) src(%dma_wait3A_1740 : memref<1000000x32xf32, #tpu.memory_space<hbm>>) dst(%dma_wait3A_1734 : memref<128x32xf32, #tpu.memory_space<vmem>>)
      %ge3A_1743 = arith.constant 2 : i32
      %ge3A_1744 = arith.cmpi sge, %add3A_1037, %ge3A_1743 : i32
      %convert_element_type3A_1745 = arith.extui %ge3A_1744 : i1 to i32
      %cond3A_1746 = arith.constant 0 : i32
      %cond3A_1747 = arith.cmpi ne, %convert_element_type3A_1745, %cond3A_1746 : i32
      scf.if %cond3A_1747 {
        %sub3A_1906 = arith.constant 2 : i32
        %sub3A_1907 = arith.subi %add3A_1037, %sub3A_1906 : i32
        %jit3A_1908 = arith.constant 20 : i32
        %eq3A_1909 = arith.constant 0 : i32
        %eq3A_1910 = arith.cmpi eq, %jit3A_1908, %eq3A_1909 : i32
        %jit3A_1911 = arith.constant 1 : i32
        %select_n3A_1912 = arith.select %eq3A_1910, %jit3A_1911, %jit3A_1908 : i32
        %rem3A_1913 = arith.remsi %sub3A_1907, %select_n3A_1912 : i32
        %ne3A_1914 = arith.constant 0 : i32
        %ne3A_1915 = arith.cmpi ne, %rem3A_1913, %ne3A_1914 : i32
        %lt3A_1916 = arith.constant 0 : i32
        %lt3A_1917 = arith.cmpi slt, %rem3A_1913, %lt3A_1916 : i32
        %lt3A_1918 = arith.constant 0 : i32
        %lt3A_1919 = arith.cmpi slt, %select_n3A_1912, %lt3A_1918 : i32
        %ne3A_1920 = arith.xori %lt3A_1917, %lt3A_1919 : i1
        %and3A_1921 = arith.andi %ne3A_1920, %ne3A_1915 : i1
        %add3A_1922 = arith.addi %rem3A_1913, %select_n3A_1912 : i32
        %select_n3A_1923 = arith.select %and3A_1921, %add3A_1922, %rem3A_1913 : i32
        %mul3A_1924 = arith.constant 10 : i32
        %mul3A_1925 = arith.muli %select_n3A_1923, %mul3A_1924 : i32
        %jit3A_1926 = arith.constant 20 : i32
        %div3A_1927 = arith.divsi %sub3A_1907, %jit3A_1926 : i32
        %sign3A_1928 = arith.constant 0 : i32
        %sign3A_1929 = arith.cmpi sgt, %sub3A_1907, %sign3A_1928 : i32
        %sign3A_1930 = arith.extui %sign3A_1929 : i1 to i32
        %sign3A_1931 = arith.constant 0 : i32
        %sign3A_1932 = arith.cmpi slt, %sub3A_1907, %sign3A_1931 : i32
        %sign3A_1933 = arith.extui %sign3A_1932 : i1 to i32
        %sign3A_1934 = arith.subi %sign3A_1930, %sign3A_1933 : i32
        %sign3A_1935 = arith.constant 0 : i32
        %sign3A_1936 = arith.cmpi sgt, %jit3A_1926, %sign3A_1935 : i32
        %sign3A_1937 = arith.extui %sign3A_1936 : i1 to i32
        %sign3A_1938 = arith.constant 0 : i32
        %sign3A_1939 = arith.cmpi slt, %jit3A_1926, %sign3A_1938 : i32
        %sign3A_1940 = arith.extui %sign3A_1939 : i1 to i32
        %sign3A_1941 = arith.subi %sign3A_1937, %sign3A_1940 : i32
        %ne3A_1942 = arith.cmpi ne, %sign3A_1934, %sign3A_1941 : i32
        %rem3A_1943 = arith.remsi %sub3A_1907, %jit3A_1926 : i32
        %ne3A_1944 = arith.constant 0 : i32
        %ne3A_1945 = arith.cmpi ne, %rem3A_1943, %ne3A_1944 : i32
        %and3A_1946 = arith.andi %ne3A_1942, %ne3A_1945 : i1
        %sub3A_1947 = arith.constant 1 : i32
        %sub3A_1948 = arith.subi %div3A_1927, %sub3A_1947 : i32
        %select_n3A_1949 = arith.select %and3A_1946, %sub3A_1948, %div3A_1927 : i32
        %mul3A_1950 = arith.constant 64 : i32
        %mul3A_1951 = arith.muli %select_n3A_1949, %mul3A_1950 : i32
        %add3A_1952 = arith.addi %mul3A_2, %mul3A_1951 : i32
        %jit3A_1953 = arith.constant 128 : i32
        %div3A_1954 = arith.divsi %add3A_1952, %jit3A_1953 : i32
        %sign3A_1955 = arith.constant 0 : i32
        %sign3A_1956 = arith.cmpi sgt, %add3A_1952, %sign3A_1955 : i32
        %sign3A_1957 = arith.extui %sign3A_1956 : i1 to i32
        %sign3A_1958 = arith.constant 0 : i32
        %sign3A_1959 = arith.cmpi slt, %add3A_1952, %sign3A_1958 : i32
        %sign3A_1960 = arith.extui %sign3A_1959 : i1 to i32
        %sign3A_1961 = arith.subi %sign3A_1957, %sign3A_1960 : i32
        %sign3A_1962 = arith.constant 0 : i32
        %sign3A_1963 = arith.cmpi sgt, %jit3A_1953, %sign3A_1962 : i32
        %sign3A_1964 = arith.extui %sign3A_1963 : i1 to i32
        %sign3A_1965 = arith.constant 0 : i32
        %sign3A_1966 = arith.cmpi slt, %jit3A_1953, %sign3A_1965 : i32
        %sign3A_1967 = arith.extui %sign3A_1966 : i1 to i32
        %sign3A_1968 = arith.subi %sign3A_1964, %sign3A_1967 : i32
        %ne3A_1969 = arith.cmpi ne, %sign3A_1961, %sign3A_1968 : i32
        %rem3A_1970 = arith.remsi %add3A_1952, %jit3A_1953 : i32
        %ne3A_1971 = arith.constant 0 : i32
        %ne3A_1972 = arith.cmpi ne, %rem3A_1970, %ne3A_1971 : i32
        %and3A_1973 = arith.andi %ne3A_1969, %ne3A_1972 : i1
        %sub3A_1974 = arith.constant 1 : i32
        %sub3A_1975 = arith.subi %div3A_1954, %sub3A_1974 : i32
        %select_n3A_1976 = arith.select %and3A_1973, %sub3A_1975, %div3A_1954 : i32
        %jit3A_1977 = arith.constant 128 : i32
        %eq3A_1978 = arith.constant 0 : i32
        %eq3A_1979 = arith.cmpi eq, %jit3A_1977, %eq3A_1978 : i32
        %jit3A_1980 = arith.constant 1 : i32
        %select_n3A_1981 = arith.select %eq3A_1979, %jit3A_1980, %jit3A_1977 : i32
        %rem3A_1982 = arith.remsi %add3A_1952, %select_n3A_1981 : i32
        %ne3A_1983 = arith.constant 0 : i32
        %ne3A_1984 = arith.cmpi ne, %rem3A_1982, %ne3A_1983 : i32
        %lt3A_1985 = arith.constant 0 : i32
        %lt3A_1986 = arith.cmpi slt, %rem3A_1982, %lt3A_1985 : i32
        %lt3A_1987 = arith.constant 0 : i32
        %lt3A_1988 = arith.cmpi slt, %select_n3A_1981, %lt3A_1987 : i32
        %ne3A_1989 = arith.xori %lt3A_1986, %lt3A_1988 : i1
        %and3A_1990 = arith.andi %ne3A_1989, %ne3A_1984 : i1
        %add3A_1991 = arith.addi %rem3A_1982, %select_n3A_1981 : i32
        %select_n3A_1992 = arith.select %and3A_1990, %add3A_1991, %rem3A_1982 : i32
        %dma_wait3A_1993 = arith.constant 1 : i32
        %dma_wait3A_1994 = arith.constant 1 : i32
        %dma_wait3A_1995 = arith.constant 0 : i32
        %dma_wait3A_1996 = arith.constant 0 : i32
        %dma_wait3A_1997 = arith.constant 0 : i32
        %dma_wait3A_1998 = arith.constant 0 : i32
        %dma_wait3A_1999 = arith.constant 0 : i32
        %dma_wait3A_2000 = tpu.memref_slice %arg8[%dma_wait3A_1993, %dma_wait3A_1995, %dma_wait3A_1996, %dma_wait3A_1997, %dma_wait3A_1998, %dma_wait3A_1999] : memref<2x10x4x1x8x65xf32, #tpu.memory_space<vmem>> -> memref<1x10x4x1x8x64xf32, #tpu.memory_space<vmem>>
        %dma_wait3A_2001 = tpu.memref_squeeze %dma_wait3A_2000 : memref<1x10x4x1x8x64xf32, #tpu.memory_space<vmem>> -> memref<10x4x1x8x64xf32, #tpu.memory_space<vmem>>
        %dma_wait3A_2002 = arith.constant 0 : i32
        %dma_wait3A_2003 = arith.constant 0 : i32
        %dma_wait3A_2004 = tpu.memref_slice %arg4[%mul3A_1925, %dma_wait3A_2002, %select_n3A_1976, %dma_wait3A_2003, %select_n3A_1992] : memref<200x4x128x8x128xf32, #tpu.memory_space<hbm>> -> memref<10x4x1x8x64xf32, #tpu.memory_space<hbm>>
        %dma_wait3A_2005 = tpu.memref_slice %arg11[%dma_wait3A_1994] : memref<2x!tpu.dma_semaphore, #tpu.memory_space<semaphore_mem>> -> memref<1x!tpu.dma_semaphore, #tpu.memory_space<semaphore_mem>>
        %dma_wait3A_2006 = tpu.memref_squeeze %dma_wait3A_2005 : memref<1x!tpu.dma_semaphore, #tpu.memory_space<semaphore_mem>> -> memref<!tpu.dma_semaphore, #tpu.memory_space<semaphore_mem>>
        %dma_wait3A_2007 = arith.constant 0 : i32
        %dma_wait3A_2008 = arith.constant 0 : i32
        %dma_wait3A_2009 = tpu.memref_slice %arg4[%mul3A_1925, %dma_wait3A_2007, %select_n3A_1976, %dma_wait3A_2008, %select_n3A_1992] : memref<200x4x128x8x128xf32, #tpu.memory_space<hbm>> -> memref<10x4x1x8x64xf32, #tpu.memory_space<hbm>>
        %dma_wait3A_2010 = arith.constant 0 : i32
        %dma_wait3A_2011 = arith.constant 0 : i32
        %dma_wait3A_2012 = arith.constant 0 : i32
        %dma_wait3A_2013 = arith.constant 0 : i32
        %dma_wait3A_2014 = arith.constant 0 : i32
        %dma_wait3A_2015 = tpu.memref_slice %arg8[%dma_wait3A_1993, %dma_wait3A_2010, %dma_wait3A_2011, %dma_wait3A_2012, %dma_wait3A_2013, %dma_wait3A_2014] : memref<2x10x4x1x8x65xf32, #tpu.memory_space<vmem>> -> memref<1x10x4x1x8x64xf32, #tpu.memory_space<vmem>>
        %dma_wait3A_2016 = tpu.memref_squeeze %dma_wait3A_2015 : memref<1x10x4x1x8x64xf32, #tpu.memory_space<vmem>> -> memref<10x4x1x8x64xf32, #tpu.memory_space<vmem>>
        tpu.wait_dma2 semaphore(%dma_wait3A_2006 : memref<!tpu.dma_semaphore, #tpu.memory_space<semaphore_mem>>) src(%dma_wait3A_2016 : memref<10x4x1x8x64xf32, #tpu.memory_space<vmem>>) dst(%dma_wait3A_2009 : memref<10x4x1x8x64xf32, #tpu.memory_space<hbm>>)
      } else {
      }
      %broadcast_in_dim3A_1748 = arith.constant 0 : i32
      %broadcast_in_dim3A_1749 = vector.broadcast %broadcast_in_dim3A_1748 : i32 to vector<16xi32>
      %jit3A_1750 = arith.constant 8 : i32
      %div3A_1751 = vector.broadcast %jit3A_1750 : i32 to vector<16xi32>
      %div3A_1752 = arith.divsi %iota3A, %div3A_1751 : vector<16xi32>
      %sign3A_1753 = arith.constant 0 : i32
      %sign3A_1754 = vector.broadcast %sign3A_1753 : i32 to vector<16xi32>
      %sign3A_1755 = arith.cmpi sgt, %iota3A, %sign3A_1754 : vector<16xi32>
      %sign3A_1756 = arith.extui %sign3A_1755 : vector<16xi1> to vector<16xi32>
      %sign3A_1757 = arith.constant 0 : i32
      %sign3A_1758 = vector.broadcast %sign3A_1757 : i32 to vector<16xi32>
      %sign3A_1759 = arith.cmpi slt, %iota3A, %sign3A_1758 : vector<16xi32>
      %sign3A_1760 = arith.extui %sign3A_1759 : vector<16xi1> to vector<16xi32>
      %sign3A_1761 = arith.subi %sign3A_1756, %sign3A_1760 : vector<16xi32>
      %sign3A_1762 = arith.constant 0 : i32
      %sign3A_1763 = arith.cmpi sgt, %jit3A_1750, %sign3A_1762 : i32
      %sign3A_1764 = arith.extui %sign3A_1763 : i1 to i32
      %sign3A_1765 = arith.constant 0 : i32
      %sign3A_1766 = arith.cmpi slt, %jit3A_1750, %sign3A_1765 : i32
      %sign3A_1767 = arith.extui %sign3A_1766 : i1 to i32
      %sign3A_1768 = arith.subi %sign3A_1764, %sign3A_1767 : i32
      %ne3A_1769 = vector.broadcast %sign3A_1768 : i32 to vector<16xi32>
      %ne3A_1770 = arith.cmpi ne, %sign3A_1761, %ne3A_1769 : vector<16xi32>
      %rem3A_1771 = vector.broadcast %jit3A_1750 : i32 to vector<16xi32>
      %rem3A_1772 = arith.remsi %iota3A, %rem3A_1771 : vector<16xi32>
      %ne3A_1773 = arith.constant 0 : i32
      %ne3A_1774 = vector.broadcast %ne3A_1773 : i32 to vector<16xi32>
      %ne3A_1775 = arith.cmpi ne, %rem3A_1772, %ne3A_1774 : vector<16xi32>
      %and3A_1776 = arith.andi %ne3A_1770, %ne3A_1775 : vector<16xi1>
      %sub3A_1777 = arith.constant 1 : i32
      %sub3A_1778 = vector.broadcast %sub3A_1777 : i32 to vector<16xi32>
      %sub3A_1779 = arith.subi %div3A_1752, %sub3A_1778 : vector<16xi32>
      %select_n3A_1780 = arith.select %and3A_1776, %sub3A_1779, %div3A_1752 : vector<16xi1>, vector<16xi32>
      %add3A_1781 = arith.constant 2 : i32
      %add3A_1782 = vector.broadcast %add3A_1781 : i32 to vector<16xi32>
      %add3A_1783 = arith.addi %select_n3A_1780, %add3A_1782 : vector<16xi32>
      %broadcast_in_dim3A_1784 = arith.constant 8 : i32
      %broadcast_in_dim3A_1785 = vector.broadcast %broadcast_in_dim3A_1784 : i32 to vector<16xi32>
      %rem3A_1786 = arith.remsi %iota3A, %broadcast_in_dim3A_1785 : vector<16xi32>
      %parallel_loop3A_1787 = arith.constant 0 : i32
      %parallel_loop3A_1788 = arith.constant 640 : i32
      %parallel_loop3A_1789 = arith.constant 1 : i32
      scf.for %parallel_loop3A_1906 = %parallel_loop3A_1787 to %parallel_loop3A_1788 step %parallel_loop3A_1789  : i32 {
        %parallel_loop3A_1907 = arith.constant 64 : i32
        %parallel_loop3A_1908 = arith.divsi %parallel_loop3A_1906, %parallel_loop3A_1907 : i32
        %parallel_loop3A_1909 = arith.constant 0 : i32
        %parallel_loop3A_1910 = arith.cmpi sgt, %parallel_loop3A_1906, %parallel_loop3A_1909 : i32
        %parallel_loop3A_1911 = arith.extui %parallel_loop3A_1910 : i1 to i32
        %parallel_loop3A_1912 = arith.constant 0 : i32
        %parallel_loop3A_1913 = arith.cmpi slt, %parallel_loop3A_1906, %parallel_loop3A_1912 : i32
        %parallel_loop3A_1914 = arith.extui %parallel_loop3A_1913 : i1 to i32
        %parallel_loop3A_1915 = arith.subi %parallel_loop3A_1911, %parallel_loop3A_1914 : i32
        %parallel_loop3A_1916 = arith.constant 0 : i32
        %parallel_loop3A_1917 = arith.cmpi sgt, %parallel_loop3A_1907, %parallel_loop3A_1916 : i32
        %parallel_loop3A_1918 = arith.extui %parallel_loop3A_1917 : i1 to i32
        %parallel_loop3A_1919 = arith.constant 0 : i32
        %parallel_loop3A_1920 = arith.cmpi slt, %parallel_loop3A_1907, %parallel_loop3A_1919 : i32
        %parallel_loop3A_1921 = arith.extui %parallel_loop3A_1920 : i1 to i32
        %parallel_loop3A_1922 = arith.subi %parallel_loop3A_1918, %parallel_loop3A_1921 : i32
        %parallel_loop3A_1923 = arith.cmpi ne, %parallel_loop3A_1915, %parallel_loop3A_1922 : i32
        %parallel_loop3A_1924 = arith.remsi %parallel_loop3A_1906, %parallel_loop3A_1907 : i32
        %parallel_loop3A_1925 = arith.constant 0 : i32
        %parallel_loop3A_1926 = arith.cmpi ne, %parallel_loop3A_1924, %parallel_loop3A_1925 : i32
        %parallel_loop3A_1927 = arith.andi %parallel_loop3A_1923, %parallel_loop3A_1926 : i1
        %parallel_loop3A_1928 = arith.constant 1 : i32
        %parallel_loop3A_1929 = arith.subi %parallel_loop3A_1908, %parallel_loop3A_1928 : i32
        %parallel_loop3A_1930 = arith.select %parallel_loop3A_1927, %parallel_loop3A_1929, %parallel_loop3A_1908 : i32
        %parallel_loop3A_1931 = arith.constant 64 : i32
        %parallel_loop3A_1932 = arith.constant 0 : i32
        %parallel_loop3A_1933 = arith.cmpi eq, %parallel_loop3A_1931, %parallel_loop3A_1932 : i32
        %parallel_loop3A_1934 = arith.constant 1 : i32
        %parallel_loop3A_1935 = arith.select %parallel_loop3A_1933, %parallel_loop3A_1934, %parallel_loop3A_1931 : i32
        %parallel_loop3A_1936 = arith.remsi %parallel_loop3A_1906, %parallel_loop3A_1935 : i32
        %parallel_loop3A_1937 = arith.constant 0 : i32
        %parallel_loop3A_1938 = arith.cmpi ne, %parallel_loop3A_1936, %parallel_loop3A_1937 : i32
        %parallel_loop3A_1939 = arith.constant 0 : i32
        %parallel_loop3A_1940 = arith.cmpi slt, %parallel_loop3A_1936, %parallel_loop3A_1939 : i32
        %parallel_loop3A_1941 = arith.constant 0 : i32
        %parallel_loop3A_1942 = arith.cmpi slt, %parallel_loop3A_1935, %parallel_loop3A_1941 : i32
        %parallel_loop3A_1943 = arith.xori %parallel_loop3A_1940, %parallel_loop3A_1942 : i1
        %parallel_loop3A_1944 = arith.andi %parallel_loop3A_1943, %parallel_loop3A_1938 : i1
        %parallel_loop3A_1945 = arith.addi %parallel_loop3A_1936, %parallel_loop3A_1935 : i32
        %parallel_loop3A_1946 = arith.select %parallel_loop3A_1944, %parallel_loop3A_1945, %parallel_loop3A_1936 : i32
        %parallel_loop3A_1947 = vector.broadcast %parallel_loop3A_1946 : i32 to vector<16xi32>
        %parallel_loop3A_1948 = arith.constant 1 : i32
        %parallel_loop3A_1949 = arith.index_cast %parallel_loop3A_1948 : i32 to index
        %parallel_loop3A_1950 = arith.index_cast %parallel_loop3A_1906 : i32 to index
        %parallel_loop3A_1951 = arith.constant 0 : index
        %parallel_loop3A_1952 = tpu.vector_load %arg7[%parallel_loop3A_1949, %parallel_loop3A_1950, %parallel_loop3A_1951] {strides = array<i32>} : memref<2x640x32xf32, #tpu.memory_space<vmem>>, vector<16xf32>,
        %parallel_loop3A_1953 = arith.constant 1 : i32
        %parallel_loop3A_1954 = arith.index_cast %parallel_loop3A_1953 : i32 to index
        %parallel_loop3A_1955 = arith.index_cast %parallel_loop3A_1906 : i32 to index
        %parallel_loop3A_1956 = arith.constant 16 : index
        %parallel_loop3A_1957 = tpu.vector_load %arg7[%parallel_loop3A_1954, %parallel_loop3A_1955, %parallel_loop3A_1956] {strides = array<i32>} : memref<2x640x32xf32, #tpu.memory_space<vmem>>, vector<16xf32>,
        %parallel_loop3A_1958 = arith.constant 1 : i32
        %parallel_loop3A_1959 = arith.constant 0 : i32
        %parallel_loop3A_1960 = arith.constant 0 : i32
        %parallel_loop3A_1961 = arith.constant 0 : i32
        %parallel_loop3A_1962 = arith.constant 0 : i32
        %parallel_loop3A_1963 = tpu.memref_slice %arg8[%parallel_loop3A_1958, %parallel_loop3A_1930, %parallel_loop3A_1959, %parallel_loop3A_1960, %parallel_loop3A_1961, %parallel_loop3A_1962] : memref<2x10x4x1x8x65xf32, #tpu.memory_space<vmem>> -> memref<1x1x4x1x8x65xf32, #tpu.memory_space<vmem>>
        %parallel_loop3A_1964 = tpu.memref_squeeze %parallel_loop3A_1963 : memref<1x1x4x1x8x65xf32, #tpu.memory_space<vmem>> -> memref<4x1x8x65xf32, #tpu.memory_space<vmem>>
        tpu.vector_store_idx %parallel_loop3A_1964[%select_n3A_1780, %broadcast_in_dim3A_1749, %rem3A_1786, %parallel_loop3A_1947], %parallel_loop3A_1952 : memref<4x1x8x65xf32, #tpu.memory_space<vmem>>[vector<16xi32>, vector<16xi32>, vector<16xi32>, vector<16xi32>], vector<16xf32>,
        %parallel_loop3A_1965 = arith.constant 1 : i32
        %parallel_loop3A_1966 = arith.constant 0 : i32
        %parallel_loop3A_1967 = arith.constant 0 : i32
        %parallel_loop3A_1968 = arith.constant 0 : i32
        %parallel_loop3A_1969 = arith.constant 0 : i32
        %parallel_loop3A_1970 = tpu.memref_slice %arg8[%parallel_loop3A_1965, %parallel_loop3A_1930, %parallel_loop3A_1966, %parallel_loop3A_1967, %parallel_loop3A_1968, %parallel_loop3A_1969] : memref<2x10x4x1x8x65xf32, #tpu.memory_space<vmem>> -> memref<1x1x4x1x8x65xf32, #tpu.memory_space<vmem>>
        %parallel_loop3A_1971 = tpu.memref_squeeze %parallel_loop3A_1970 : memref<1x1x4x1x8x65xf32, #tpu.memory_space<vmem>> -> memref<4x1x8x65xf32, #tpu.memory_space<vmem>>
        tpu.vector_store_idx %parallel_loop3A_1971[%add3A_1783, %broadcast_in_dim3A_1749, %rem3A_1786, %parallel_loop3A_1947], %parallel_loop3A_1957 : memref<4x1x8x65xf32, #tpu.memory_space<vmem>>[vector<16xi32>, vector<16xi32>, vector<16xi32>, vector<16xi32>], vector<16xf32>,
      } {sc.loop_unroll_factor = 8 : i64, sc.parallel_access}
      %jit3A_1790 = arith.constant 20 : i32
      %eq3A_1791 = arith.constant 0 : i32
      %eq3A_1792 = arith.cmpi eq, %jit3A_1790, %eq3A_1791 : i32
      %jit3A_1793 = arith.constant 1 : i32
      %select_n3A_1794 = arith.select %eq3A_1792, %jit3A_1793, %jit3A_1790 : i32
      %rem3A_1795 = arith.remsi %add3A_1037, %select_n3A_1794 : i32
      %ne3A_1796 = arith.constant 0 : i32
      %ne3A_1797 = arith.cmpi ne, %rem3A_1795, %ne3A_1796 : i32
      %lt3A_1798 = arith.constant 0 : i32
      %lt3A_1799 = arith.cmpi slt, %rem3A_1795, %lt3A_1798 : i32
      %lt3A_1800 = arith.constant 0 : i32
      %lt3A_1801 = arith.cmpi slt, %select_n3A_1794, %lt3A_1800 : i32
      %ne3A_1802 = arith.xori %lt3A_1799, %lt3A_1801 : i1
      %and3A_1803 = arith.andi %ne3A_1802, %ne3A_1797 : i1
      %add3A_1804 = arith.addi %rem3A_1795, %select_n3A_1794 : i32
      %select_n3A_1805 = arith.select %and3A_1803, %add3A_1804, %rem3A_1795 : i32
      %mul3A_1806 = arith.constant 10 : i32
      %mul3A_1807 = arith.muli %select_n3A_1805, %mul3A_1806 : i32
      %jit3A_1808 = arith.constant 20 : i32
      %div3A_1809 = arith.divsi %add3A_1037, %jit3A_1808 : i32
      %sign3A_1810 = arith.constant 0 : i32
      %sign3A_1811 = arith.cmpi sgt, %add3A_1037, %sign3A_1810 : i32
      %sign3A_1812 = arith.extui %sign3A_1811 : i1 to i32
      %sign3A_1813 = arith.constant 0 : i32
      %sign3A_1814 = arith.cmpi slt, %add3A_1037, %sign3A_1813 : i32
      %sign3A_1815 = arith.extui %sign3A_1814 : i1 to i32
      %sign3A_1816 = arith.subi %sign3A_1812, %sign3A_1815 : i32
      %sign3A_1817 = arith.constant 0 : i32
      %sign3A_1818 = arith.cmpi sgt, %jit3A_1808, %sign3A_1817 : i32
      %sign3A_1819 = arith.extui %sign3A_1818 : i1 to i32
      %sign3A_1820 = arith.constant 0 : i32
      %sign3A_1821 = arith.cmpi slt, %jit3A_1808, %sign3A_1820 : i32
      %sign3A_1822 = arith.extui %sign3A_1821 : i1 to i32
      %sign3A_1823 = arith.subi %sign3A_1819, %sign3A_1822 : i32
      %ne3A_1824 = arith.cmpi ne, %sign3A_1816, %sign3A_1823 : i32
      %rem3A_1825 = arith.remsi %add3A_1037, %jit3A_1808 : i32
      %ne3A_1826 = arith.constant 0 : i32
      %ne3A_1827 = arith.cmpi ne, %rem3A_1825, %ne3A_1826 : i32
      %and3A_1828 = arith.andi %ne3A_1824, %ne3A_1827 : i1
      %sub3A_1829 = arith.constant 1 : i32
      %sub3A_1830 = arith.subi %div3A_1809, %sub3A_1829 : i32
      %select_n3A_1831 = arith.select %and3A_1828, %sub3A_1830, %div3A_1809 : i32
      %mul3A_1832 = arith.constant 64 : i32
      %mul3A_1833 = arith.muli %select_n3A_1831, %mul3A_1832 : i32
      %add3A_1834 = arith.addi %mul3A_2, %mul3A_1833 : i32
      %jit3A_1835 = arith.constant 128 : i32
      %div3A_1836 = arith.divsi %add3A_1834, %jit3A_1835 : i32
      %sign3A_1837 = arith.constant 0 : i32
      %sign3A_1838 = arith.cmpi sgt, %add3A_1834, %sign3A_1837 : i32
      %sign3A_1839 = arith.extui %sign3A_1838 : i1 to i32
      %sign3A_1840 = arith.constant 0 : i32
      %sign3A_1841 = arith.cmpi slt, %add3A_1834, %sign3A_1840 : i32
      %sign3A_1842 = arith.extui %sign3A_1841 : i1 to i32
      %sign3A_1843 = arith.subi %sign3A_1839, %sign3A_1842 : i32
      %sign3A_1844 = arith.constant 0 : i32
      %sign3A_1845 = arith.cmpi sgt, %jit3A_1835, %sign3A_1844 : i32
      %sign3A_1846 = arith.extui %sign3A_1845 : i1 to i32
      %sign3A_1847 = arith.constant 0 : i32
      %sign3A_1848 = arith.cmpi slt, %jit3A_1835, %sign3A_1847 : i32
      %sign3A_1849 = arith.extui %sign3A_1848 : i1 to i32
      %sign3A_1850 = arith.subi %sign3A_1846, %sign3A_1849 : i32
      %ne3A_1851 = arith.cmpi ne, %sign3A_1843, %sign3A_1850 : i32
      %rem3A_1852 = arith.remsi %add3A_1834, %jit3A_1835 : i32
      %ne3A_1853 = arith.constant 0 : i32
      %ne3A_1854 = arith.cmpi ne, %rem3A_1852, %ne3A_1853 : i32
      %and3A_1855 = arith.andi %ne3A_1851, %ne3A_1854 : i1
      %sub3A_1856 = arith.constant 1 : i32
      %sub3A_1857 = arith.subi %div3A_1836, %sub3A_1856 : i32
      %select_n3A_1858 = arith.select %and3A_1855, %sub3A_1857, %div3A_1836 : i32
      %jit3A_1859 = arith.constant 128 : i32
      %eq3A_1860 = arith.constant 0 : i32
      %eq3A_1861 = arith.cmpi eq, %jit3A_1859, %eq3A_1860 : i32
      %jit3A_1862 = arith.constant 1 : i32
      %select_n3A_1863 = arith.select %eq3A_1861, %jit3A_1862, %jit3A_1859 : i32
      %rem3A_1864 = arith.remsi %add3A_1834, %select_n3A_1863 : i32
      %ne3A_1865 = arith.constant 0 : i32
      %ne3A_1866 = arith.cmpi ne, %rem3A_1864, %ne3A_1865 : i32
      %lt3A_1867 = arith.constant 0 : i32
      %lt3A_1868 = arith.cmpi slt, %rem3A_1864, %lt3A_1867 : i32
      %lt3A_1869 = arith.constant 0 : i32
      %lt3A_1870 = arith.cmpi slt, %select_n3A_1863, %lt3A_1869 : i32
      %ne3A_1871 = arith.xori %lt3A_1868, %lt3A_1870 : i1
      %and3A_1872 = arith.andi %ne3A_1871, %ne3A_1866 : i1
      %add3A_1873 = arith.addi %rem3A_1864, %select_n3A_1863 : i32
      %select_n3A_1874 = arith.select %and3A_1872, %add3A_1873, %rem3A_1864 : i32
      %dma_start3A_1875 = arith.constant 1 : i32
      %dma_start3A_1876 = arith.constant 1 : i32
      %dma_start3A_1877 = arith.constant 0 : i32
      %dma_start3A_1878 = arith.constant 0 : i32
      %dma_start3A_1879 = arith.constant 0 : i32
      %dma_start3A_1880 = arith.constant 0 : i32
      %dma_start3A_1881 = arith.constant 0 : i32
      %dma_start3A_1882 = tpu.memref_slice %arg8[%dma_start3A_1875, %dma_start3A_1877, %dma_start3A_1878, %dma_start3A_1879, %dma_start3A_1880, %dma_start3A_1881] : memref<2x10x4x1x8x65xf32, #tpu.memory_space<vmem>> -> memref<1x10x4x1x8x64xf32, #tpu.memory_space<vmem>>
      %dma_start3A_1883 = tpu.memref_squeeze %dma_start3A_1882 : memref<1x10x4x1x8x64xf32, #tpu.memory_space<vmem>> -> memref<10x4x1x8x64xf32, #tpu.memory_space<vmem>>
      %dma_start3A_1884 = arith.constant 0 : i32
      %dma_start3A_1885 = arith.constant 0 : i32
      %dma_start3A_1886 = tpu.memref_slice %arg4[%mul3A_1807, %dma_start3A_1884, %select_n3A_1858, %dma_start3A_1885, %select_n3A_1874] : memref<200x4x128x8x128xf32, #tpu.memory_space<hbm>> -> memref<10x4x1x8x64xf32, #tpu.memory_space<hbm>>
      %dma_start3A_1887 = tpu.memref_slice %arg11[%dma_start3A_1876] : memref<2x!tpu.dma_semaphore, #tpu.memory_space<semaphore_mem>> -> memref<1x!tpu.dma_semaphore, #tpu.memory_space<semaphore_mem>>
      %dma_start3A_1888 = tpu.memref_squeeze %dma_start3A_1887 : memref<1x!tpu.dma_semaphore, #tpu.memory_space<semaphore_mem>> -> memref<!tpu.dma_semaphore, #tpu.memory_space<semaphore_mem>>
      %dma_start3A_1889 = arith.constant 0 : i32
      %dma_start3A_1890 = arith.constant 0 : i32
      %dma_start3A_1891 = tpu.memref_slice %arg4[%mul3A_1807, %dma_start3A_1889, %select_n3A_1858, %dma_start3A_1890, %select_n3A_1874] : memref<200x4x128x8x128xf32, #tpu.memory_space<hbm>> -> memref<10x4x1x8x64xf32, #tpu.memory_space<hbm>>
      %dma_start3A_1892 = arith.constant 0 : i32
      %dma_start3A_1893 = arith.constant 0 : i32
      %dma_start3A_1894 = arith.constant 0 : i32
      %dma_start3A_1895 = arith.constant 0 : i32
      %dma_start3A_1896 = arith.constant 0 : i32
      %dma_start3A_1897 = tpu.memref_slice %arg8[%dma_start3A_1875, %dma_start3A_1892, %dma_start3A_1893, %dma_start3A_1894, %dma_start3A_1895, %dma_start3A_1896] : memref<2x10x4x1x8x65xf32, #tpu.memory_space<vmem>> -> memref<1x10x4x1x8x64xf32, #tpu.memory_space<vmem>>
      %dma_start3A_1898 = tpu.memref_squeeze %dma_start3A_1897 : memref<1x10x4x1x8x64xf32, #tpu.memory_space<vmem>> -> memref<10x4x1x8x64xf32, #tpu.memory_space<vmem>>
      tpu.enqueue_dma source(%dma_start3A_1898 : memref<10x4x1x8x64xf32, #tpu.memory_space<vmem>>) target(%dma_start3A_1891 : memref<10x4x1x8x64xf32, #tpu.memory_space<hbm>>) target_semaphore(%dma_start3A_1888 : memref<!tpu.dma_semaphore, #tpu.memory_space<semaphore_mem>>)
      %add3A_1899 = arith.constant 2 : i32
      %add3A_1900 = arith.addi %add3A_1037, %add3A_1899 : i32
      %lt3A_1901 = arith.constant 160 : i32
      %lt3A_1902 = arith.cmpi slt, %add3A_1900, %lt3A_1901 : i32
      %convert_element_type3A_1903 = arith.extui %lt3A_1902 : i1 to i32
      %cond3A_1904 = arith.constant 0 : i32
      %cond3A_1905 = arith.cmpi ne, %convert_element_type3A_1903, %cond3A_1904 : i32
      scf.if %cond3A_1905 {
        %add3A_1906 = arith.constant 2 : i32
        %add3A_1907 = arith.addi %add3A_1037, %add3A_1906 : i32
        %jit3A_1908 = arith.constant 20 : i32
        %eq3A_1909 = arith.constant 0 : i32
        %eq3A_1910 = arith.cmpi eq, %jit3A_1908, %eq3A_1909 : i32
        %jit3A_1911 = arith.constant 1 : i32
        %select_n3A_1912 = arith.select %eq3A_1910, %jit3A_1911, %jit3A_1908 : i32
        %rem3A_1913 = arith.remsi %add3A_1907, %select_n3A_1912 : i32
        %ne3A_1914 = arith.constant 0 : i32
        %ne3A_1915 = arith.cmpi ne, %rem3A_1913, %ne3A_1914 : i32
        %lt3A_1916 = arith.constant 0 : i32
        %lt3A_1917 = arith.cmpi slt, %rem3A_1913, %lt3A_1916 : i32
        %lt3A_1918 = arith.constant 0 : i32
        %lt3A_1919 = arith.cmpi slt, %select_n3A_1912, %lt3A_1918 : i32
        %ne3A_1920 = arith.xori %lt3A_1917, %lt3A_1919 : i1
        %and3A_1921 = arith.andi %ne3A_1920, %ne3A_1915 : i1
        %add3A_1922 = arith.addi %rem3A_1913, %select_n3A_1912 : i32
        %select_n3A_1923 = arith.select %and3A_1921, %add3A_1922, %rem3A_1913 : i32
        %mul3A_1924 = arith.constant 10 : i32
        %mul3A_1925 = arith.muli %select_n3A_1923, %mul3A_1924 : i32
        %jit3A_1926 = arith.constant 20 : i32
        %div3A_1927 = arith.divsi %add3A_1907, %jit3A_1926 : i32
        %sign3A_1928 = arith.constant 0 : i32
        %sign3A_1929 = arith.cmpi sgt, %add3A_1907, %sign3A_1928 : i32
        %sign3A_1930 = arith.extui %sign3A_1929 : i1 to i32
        %sign3A_1931 = arith.constant 0 : i32
        %sign3A_1932 = arith.cmpi slt, %add3A_1907, %sign3A_1931 : i32
        %sign3A_1933 = arith.extui %sign3A_1932 : i1 to i32
        %sign3A_1934 = arith.subi %sign3A_1930, %sign3A_1933 : i32
        %sign3A_1935 = arith.constant 0 : i32
        %sign3A_1936 = arith.cmpi sgt, %jit3A_1926, %sign3A_1935 : i32
        %sign3A_1937 = arith.extui %sign3A_1936 : i1 to i32
        %sign3A_1938 = arith.constant 0 : i32
        %sign3A_1939 = arith.cmpi slt, %jit3A_1926, %sign3A_1938 : i32
        %sign3A_1940 = arith.extui %sign3A_1939 : i1 to i32
        %sign3A_1941 = arith.subi %sign3A_1937, %sign3A_1940 : i32
        %ne3A_1942 = arith.cmpi ne, %sign3A_1934, %sign3A_1941 : i32
        %rem3A_1943 = arith.remsi %add3A_1907, %jit3A_1926 : i32
        %ne3A_1944 = arith.constant 0 : i32
        %ne3A_1945 = arith.cmpi ne, %rem3A_1943, %ne3A_1944 : i32
        %and3A_1946 = arith.andi %ne3A_1942, %ne3A_1945 : i1
        %sub3A_1947 = arith.constant 1 : i32
        %sub3A_1948 = arith.subi %div3A_1927, %sub3A_1947 : i32
        %select_n3A_1949 = arith.select %and3A_1946, %sub3A_1948, %div3A_1927 : i32
        %mul3A_1950 = arith.constant 64 : i32
        %mul3A_1951 = arith.muli %select_n3A_1949, %mul3A_1950 : i32
        %add3A_1952 = arith.addi %mul3A_2, %mul3A_1951 : i32
        %dma_start3A_1953 = arith.constant 1 : i32
        %dma_start3A_1954 = arith.constant 1 : i32
        %dma_start3A_1955 = arith.constant 0 : i32
        %dma_start3A_1956 = arith.constant 0 : i32
        %dma_start3A_1957 = tpu.memref_slice %arg5[%dma_start3A_1953, %dma_start3A_1955, %dma_start3A_1956] : memref<2x10x64xi32, #tpu.memory_space<vmem>> -> memref<1x10x64xi32, #tpu.memory_space<vmem>>
        %dma_start3A_1958 = tpu.memref_squeeze %dma_start3A_1957 : memref<1x10x64xi32, #tpu.memory_space<vmem>> -> memref<10x64xi32, #tpu.memory_space<vmem>>
        %dma_start3A_1959 = tpu.memref_slice %arg3[%mul3A_1925, %add3A_1952] : memref<200x16384xi32, #tpu.memory_space<hbm>> -> memref<10x64xi32, #tpu.memory_space<hbm>>
        %dma_start3A_1960 = tpu.memref_slice %arg9[%dma_start3A_1954] : memref<2x!tpu.dma_semaphore, #tpu.memory_space<semaphore_mem>> -> memref<1x!tpu.dma_semaphore, #tpu.memory_space<semaphore_mem>>
        %dma_start3A_1961 = tpu.memref_squeeze %dma_start3A_1960 : memref<1x!tpu.dma_semaphore, #tpu.memory_space<semaphore_mem>> -> memref<!tpu.dma_semaphore, #tpu.memory_space<semaphore_mem>>
        %dma_start3A_1962 = arith.constant 0 : i32
        %dma_start3A_1963 = arith.constant 0 : i32
        %dma_start3A_1964 = tpu.memref_slice %arg5[%dma_start3A_1953, %dma_start3A_1962, %dma_start3A_1963] : memref<2x10x64xi32, #tpu.memory_space<vmem>> -> memref<1x10x64xi32, #tpu.memory_space<vmem>>
        %dma_start3A_1965 = tpu.memref_squeeze %dma_start3A_1964 : memref<1x10x64xi32, #tpu.memory_space<vmem>> -> memref<10x64xi32, #tpu.memory_space<vmem>>
        %dma_start3A_1966 = tpu.memref_slice %arg3[%mul3A_1925, %add3A_1952] : memref<200x16384xi32, #tpu.memory_space<hbm>> -> memref<10x64xi32, #tpu.memory_space<hbm>>
        tpu.enqueue_dma source(%dma_start3A_1966 : memref<10x64xi32, #tpu.memory_space<hbm>>) target(%dma_start3A_1965 : memref<10x64xi32, #tpu.memory_space<vmem>>) target_semaphore(%dma_start3A_1961 : memref<!tpu.dma_semaphore, #tpu.memory_space<semaphore_mem>>)
      } else {
      }
    }
    %scan3A_42 = arith.constant 80 : i32
    %add3A_43 = arith.constant 448 : i32
    %add3A_44 = arith.addi %mul3A_2, %add3A_43 : i32
    %jit3A = arith.constant 128 : i32
    %div3A = arith.divsi %add3A_44, %jit3A : i32
    %sign3A = arith.constant 0 : i32
    %sign3A_45 = arith.cmpi sgt, %add3A_44, %sign3A : i32
    %sign3A_46 = arith.extui %sign3A_45 : i1 to i32
    %sign3A_47 = arith.constant 0 : i32
    %sign3A_48 = arith.cmpi slt, %add3A_44, %sign3A_47 : i32
    %sign3A_49 = arith.extui %sign3A_48 : i1 to i32
    %sign3A_50 = arith.subi %sign3A_46, %sign3A_49 : i32
    %sign3A_51 = arith.constant 0 : i32
    %sign3A_52 = arith.cmpi sgt, %jit3A, %sign3A_51 : i32
    %sign3A_53 = arith.extui %sign3A_52 : i1 to i32
    %sign3A_54 = arith.constant 0 : i32
    %sign3A_55 = arith.cmpi slt, %jit3A, %sign3A_54 : i32
    %sign3A_56 = arith.extui %sign3A_55 : i1 to i32
    %sign3A_57 = arith.subi %sign3A_53, %sign3A_56 : i32
    %ne3A = arith.cmpi ne, %sign3A_50, %sign3A_57 : i32
    %rem3A = arith.remsi %add3A_44, %jit3A : i32
    %ne3A_58 = arith.constant 0 : i32
    %ne3A_59 = arith.cmpi ne, %rem3A, %ne3A_58 : i32
    %and3A = arith.andi %ne3A, %ne3A_59 : i1
    %sub3A = arith.constant 1 : i32
    %sub3A_60 = arith.subi %div3A, %sub3A : i32
    %select_n3A = arith.select %and3A, %sub3A_60, %div3A : i32
    %jit3A_61 = arith.constant 128 : i32
    %eq3A = arith.constant 0 : i32
    %eq3A_62 = arith.cmpi eq, %jit3A_61, %eq3A : i32
    %jit3A_63 = arith.constant 1 : i32
    %select_n3A_64 = arith.select %eq3A_62, %jit3A_63, %jit3A_61 : i32
    %rem3A_65 = arith.remsi %add3A_44, %select_n3A_64 : i32
    %ne3A_66 = arith.constant 0 : i32
    %ne3A_67 = arith.cmpi ne, %rem3A_65, %ne3A_66 : i32
    %lt3A = arith.constant 0 : i32
    %lt3A_68 = arith.cmpi slt, %rem3A_65, %lt3A : i32
    %lt3A_69 = arith.constant 0 : i32
    %lt3A_70 = arith.cmpi slt, %select_n3A_64, %lt3A_69 : i32
    %ne3A_71 = arith.xori %lt3A_68, %lt3A_70 : i1
    %and3A_72 = arith.andi %ne3A_71, %ne3A_67 : i1
    %add3A_73 = arith.addi %rem3A_65, %select_n3A_64 : i32
    %select_n3A_74 = arith.select %and3A_72, %add3A_73, %rem3A_65 : i32
    %dma_wait3A = arith.constant 0 : i32
    %dma_wait3A_75 = arith.constant 0 : i32
    %dma_wait3A_76 = arith.constant 0 : i32
    %dma_wait3A_77 = arith.constant 0 : i32
    %dma_wait3A_78 = arith.constant 0 : i32
    %dma_wait3A_79 = arith.constant 0 : i32
    %dma_wait3A_80 = arith.constant 0 : i32
    %dma_wait3A_81 = tpu.memref_slice %arg8[%dma_wait3A, %dma_wait3A_76, %dma_wait3A_77, %dma_wait3A_78, %dma_wait3A_79, %dma_wait3A_80] : memref<2x10x4x1x8x65xf32, #tpu.memory_space<vmem>> -> memref<1x10x4x1x8x64xf32, #tpu.memory_space<vmem>>
    %dma_wait3A_82 = tpu.memref_squeeze %dma_wait3A_81 : memref<1x10x4x1x8x64xf32, #tpu.memory_space<vmem>> -> memref<10x4x1x8x64xf32, #tpu.memory_space<vmem>>
    %dma_wait3A_83 = arith.constant 180 : i32
    %dma_wait3A_84 = arith.constant 0 : i32
    %dma_wait3A_85 = arith.constant 0 : i32
    %dma_wait3A_86 = tpu.memref_slice %arg4[%dma_wait3A_83, %dma_wait3A_84, %select_n3A, %dma_wait3A_85, %select_n3A_74] : memref<200x4x128x8x128xf32, #tpu.memory_space<hbm>> -> memref<10x4x1x8x64xf32, #tpu.memory_space<hbm>>
    %dma_wait3A_87 = tpu.memref_slice %arg11[%dma_wait3A_75] : memref<2x!tpu.dma_semaphore, #tpu.memory_space<semaphore_mem>> -> memref<1x!tpu.dma_semaphore, #tpu.memory_space<semaphore_mem>>
    %dma_wait3A_88 = tpu.memref_squeeze %dma_wait3A_87 : memref<1x!tpu.dma_semaphore, #tpu.memory_space<semaphore_mem>> -> memref<!tpu.dma_semaphore, #tpu.memory_space<semaphore_mem>>
    %dma_wait3A_89 = arith.constant 180 : i32
    %dma_wait3A_90 = arith.constant 0 : i32
    %dma_wait3A_91 = arith.constant 0 : i32
    %dma_wait3A_92 = tpu.memref_slice %arg4[%dma_wait3A_89, %dma_wait3A_90, %select_n3A, %dma_wait3A_91, %select_n3A_74] : memref<200x4x128x8x128xf32, #tpu.memory_space<hbm>> -> memref<10x4x1x8x64xf32, #tpu.memory_space<hbm>>
    %dma_wait3A_93 = arith.constant 0 : i32
    %dma_wait3A_94 = arith.constant 0 : i32
    %dma_wait3A_95 = arith.constant 0 : i32
    %dma_wait3A_96 = arith.constant 0 : i32
    %dma_wait3A_97 = arith.constant 0 : i32
    %dma_wait3A_98 = tpu.memref_slice %arg8[%dma_wait3A, %dma_wait3A_93, %dma_wait3A_94, %dma_wait3A_95, %dma_wait3A_96, %dma_wait3A_97] : memref<2x10x4x1x8x65xf32, #tpu.memory_space<vmem>> -> memref<1x10x4x1x8x64xf32, #tpu.memory_space<vmem>>
    %dma_wait3A_99 = tpu.memref_squeeze %dma_wait3A_98 : memref<1x10x4x1x8x64xf32, #tpu.memory_space<vmem>> -> memref<10x4x1x8x64xf32, #tpu.memory_space<vmem>>
    tpu.wait_dma2 semaphore(%dma_wait3A_88 : memref<!tpu.dma_semaphore, #tpu.memory_space<semaphore_mem>>) src(%dma_wait3A_99 : memref<10x4x1x8x64xf32, #tpu.memory_space<vmem>>) dst(%dma_wait3A_92 : memref<10x4x1x8x64xf32, #tpu.memory_space<hbm>>)
    %add3A_100 = arith.constant 448 : i32
    %add3A_101 = arith.addi %mul3A_2, %add3A_100 : i32
    %jit3A_102 = arith.constant 128 : i32
    %div3A_103 = arith.divsi %add3A_101, %jit3A_102 : i32
    %sign3A_104 = arith.constant 0 : i32
    %sign3A_105 = arith.cmpi sgt, %add3A_101, %sign3A_104 : i32
    %sign3A_106 = arith.extui %sign3A_105 : i1 to i32
    %sign3A_107 = arith.constant 0 : i32
    %sign3A_108 = arith.cmpi slt, %add3A_101, %sign3A_107 : i32
    %sign3A_109 = arith.extui %sign3A_108 : i1 to i32
    %sign3A_110 = arith.subi %sign3A_106, %sign3A_109 : i32
    %sign3A_111 = arith.constant 0 : i32
    %sign3A_112 = arith.cmpi sgt, %jit3A_102, %sign3A_111 : i32
    %sign3A_113 = arith.extui %sign3A_112 : i1 to i32
    %sign3A_114 = arith.constant 0 : i32
    %sign3A_115 = arith.cmpi slt, %jit3A_102, %sign3A_114 : i32
    %sign3A_116 = arith.extui %sign3A_115 : i1 to i32
    %sign3A_117 = arith.subi %sign3A_113, %sign3A_116 : i32
    %ne3A_118 = arith.cmpi ne, %sign3A_110, %sign3A_117 : i32
    %rem3A_119 = arith.remsi %add3A_101, %jit3A_102 : i32
    %ne3A_120 = arith.constant 0 : i32
    %ne3A_121 = arith.cmpi ne, %rem3A_119, %ne3A_120 : i32
    %and3A_122 = arith.andi %ne3A_118, %ne3A_121 : i1
    %sub3A_123 = arith.constant 1 : i32
    %sub3A_124 = arith.subi %div3A_103, %sub3A_123 : i32
    %select_n3A_125 = arith.select %and3A_122, %sub3A_124, %div3A_103 : i32
    %jit3A_126 = arith.constant 128 : i32
    %eq3A_127 = arith.constant 0 : i32
    %eq3A_128 = arith.cmpi eq, %jit3A_126, %eq3A_127 : i32
    %jit3A_129 = arith.constant 1 : i32
    %select_n3A_130 = arith.select %eq3A_128, %jit3A_129, %jit3A_126 : i32
    %rem3A_131 = arith.remsi %add3A_101, %select_n3A_130 : i32
    %ne3A_132 = arith.constant 0 : i32
    %ne3A_133 = arith.cmpi ne, %rem3A_131, %ne3A_132 : i32
    %lt3A_134 = arith.constant 0 : i32
    %lt3A_135 = arith.cmpi slt, %rem3A_131, %lt3A_134 : i32
    %lt3A_136 = arith.constant 0 : i32
    %lt3A_137 = arith.cmpi slt, %select_n3A_130, %lt3A_136 : i32
    %ne3A_138 = arith.xori %lt3A_135, %lt3A_137 : i1
    %and3A_139 = arith.andi %ne3A_138, %ne3A_133 : i1
    %add3A_140 = arith.addi %rem3A_131, %select_n3A_130 : i32
    %select_n3A_141 = arith.select %and3A_139, %add3A_140, %rem3A_131 : i32
    %dma_wait3A_142 = arith.constant 1 : i32
    %dma_wait3A_143 = arith.constant 1 : i32
    %dma_wait3A_144 = arith.constant 0 : i32
    %dma_wait3A_145 = arith.constant 0 : i32
    %dma_wait3A_146 = arith.constant 0 : i32
    %dma_wait3A_147 = arith.constant 0 : i32
    %dma_wait3A_148 = arith.constant 0 : i32
    %dma_wait3A_149 = tpu.memref_slice %arg8[%dma_wait3A_142, %dma_wait3A_144, %dma_wait3A_145, %dma_wait3A_146, %dma_wait3A_147, %dma_wait3A_148] : memref<2x10x4x1x8x65xf32, #tpu.memory_space<vmem>> -> memref<1x10x4x1x8x64xf32, #tpu.memory_space<vmem>>
    %dma_wait3A_150 = tpu.memref_squeeze %dma_wait3A_149 : memref<1x10x4x1x8x64xf32, #tpu.memory_space<vmem>> -> memref<10x4x1x8x64xf32, #tpu.memory_space<vmem>>
    %dma_wait3A_151 = arith.constant 190 : i32
    %dma_wait3A_152 = arith.constant 0 : i32
    %dma_wait3A_153 = arith.constant 0 : i32
    %dma_wait3A_154 = tpu.memref_slice %arg4[%dma_wait3A_151, %dma_wait3A_152, %select_n3A_125, %dma_wait3A_153, %select_n3A_141] : memref<200x4x128x8x128xf32, #tpu.memory_space<hbm>> -> memref<10x4x1x8x64xf32, #tpu.memory_space<hbm>>
    %dma_wait3A_155 = tpu.memref_slice %arg11[%dma_wait3A_143] : memref<2x!tpu.dma_semaphore, #tpu.memory_space<semaphore_mem>> -> memref<1x!tpu.dma_semaphore, #tpu.memory_space<semaphore_mem>>
    %dma_wait3A_156 = tpu.memref_squeeze %dma_wait3A_155 : memref<1x!tpu.dma_semaphore, #tpu.memory_space<semaphore_mem>> -> memref<!tpu.dma_semaphore, #tpu.memory_space<semaphore_mem>>
    %dma_wait3A_157 = arith.constant 190 : i32
    %dma_wait3A_158 = arith.constant 0 : i32
    %dma_wait3A_159 = arith.constant 0 : i32
    %dma_wait3A_160 = tpu.memref_slice %arg4[%dma_wait3A_157, %dma_wait3A_158, %select_n3A_125, %dma_wait3A_159, %select_n3A_141] : memref<200x4x128x8x128xf32, #tpu.memory_space<hbm>> -> memref<10x4x1x8x64xf32, #tpu.memory_space<hbm>>
    %dma_wait3A_161 = arith.constant 0 : i32
    %dma_wait3A_162 = arith.constant 0 : i32
    %dma_wait3A_163 = arith.constant 0 : i32
    %dma_wait3A_164 = arith.constant 0 : i32
    %dma_wait3A_165 = arith.constant 0 : i32
    %dma_wait3A_166 = tpu.memref_slice %arg8[%dma_wait3A_142, %dma_wait3A_161, %dma_wait3A_162, %dma_wait3A_163, %dma_wait3A_164, %dma_wait3A_165] : memref<2x10x4x1x8x65xf32, #tpu.memory_space<vmem>> -> memref<1x10x4x1x8x64xf32, #tpu.memory_space<vmem>>
    %dma_wait3A_167 = tpu.memref_squeeze %dma_wait3A_166 : memref<1x10x4x1x8x64xf32, #tpu.memory_space<vmem>> -> memref<10x4x1x8x64xf32, #tpu.memory_space<vmem>>
    tpu.wait_dma2 semaphore(%dma_wait3A_156 : memref<!tpu.dma_semaphore, #tpu.memory_space<semaphore_mem>>) src(%dma_wait3A_167 : memref<10x4x1x8x64xf32, #tpu.memory_space<vmem>>) dst(%dma_wait3A_160 : memref<10x4x1x8x64xf32, #tpu.memory_space<hbm>>)
    return
  }
}

</mosaic_0001>

<sc_bundles>
// kernel: kernel.3.cloned.1.call-start
scs
__scs_entry_jumppad:
0x0: {  	(pc) =	sbr.rel $0x88, $3  }
0x1: {  	(tag) =	ssettag $0x0;
	lr =	simm.s32 $0x1  }
0x2: {  	[smem:$0x3F9E] =	sst lr;
	_ =	strace $0xD0000000  }
0x3: {  	_ = 	snop  }
0x4: {  	_ = 	snop  }
0x5: {  	_ = 	snop  }
0x6: {  	_ = 	snop  }
0x7: {  	_ = 	snop  }
__scs_overlays_trampoline_lowered:
0x8: {  	[smem:$0x3FAD] =	sst s0  }
0x9: {  	[smem:$0x3FAE] =	sst s1  }
0xa: {  	[smem:$0x3FAF] =	sst s2  }
0xb: {  	[smem:$0x3FB0] =	sst s3  }
0xc: {  	[smem:$0x3FB1] =	sst s4  }
0xd: {  	[smem:$0x3FB2] =	sst s5  }
0xe: {  	[smem:$0x3FB3] =	sst s6  }
0xf: {  	[smem:$0x3FB4] =	sst s7  }
0x10: {  	[smem:$0x3FB5] =	sst s8  }
0x11: {  	[smem:$0x3FB6] =	sst s9;
	s0 =	simm.s32 @!p0 $0x0  }
0x12: {  	s1 =	sld [smem:$0x3F9C];
	s0 =	simm.s32 @p0 $0x1  }
0x13: {  	[smem:$0x3FB7] =	sst s0;
	s0 =	simm.s32 @!p1 $0x0  }
0x14: {  	s2 =	sld [smem:$0x3F9B];
	s0 =	simm.s32 @p1 $0x1  }
0x15: {  	[smem:$0x3FB8] =	sst s0;
	s0 =	simm.s32 @!p2 $0x0  }
0x16: {  	s3 =	sld [smem:$0x3FDB];
	s0 =	simm.s32 @p2 $0x1  }
0x17: {  	s4 =	simm.s32 $0x1BF5;
	[smem:$0x3FBA] =	sst s0  }
0x18: {  	s0 =	sld [smem:$0x3F9D];
	_ =	swait.ge [sflag:s4], $0x0  }
0x19: {  	s7 =	sld [smem:$0x3F9E]  }
0x1a: {  	s8 =	sadd.s32 $0xFFFFE003, lr  }
0x1b: {  	s9 =	sadd.s32 $0xFFFFFEF7, lr;
	s5 =	simm.s32 $0xFFFFFFFF;
	p2 =	slt.u32 s8, $0xFFFFF086  }
0x1c: {  	p1 =	slt.u32 s9, $0xF7A;
	s5 =	simm.s32 @!p2 $0x0  }
0x1d: {  	s5 =	simm.s32 @p1 $0x1;
	p0 =	seq.s32 s7, s2  }
0x1e: {  	s7 =	smul.u32 @!p0 $0xF7A, s2;
	p2 =	seq.s32 @!p0 s5, $0x0  }
0x1f: {  	s9 =	smul.u32 $0xF7A, s1;
	s8 =	simm.s32 @!p0 $0x1BF5;
	p2 =	por !p2, p0  }
0x20: {  	[sflag:s8] =	ssyncset.s32 @!p0 $0xFFFFF086;
	s6 =	sadd.s32 @!p0 s3, s7;
	s7 =	simm.s32 @!p0 $0x108  }
0x21: {  	s3 =	sadd.s32 s3, s9;
	s6 =	sadd.s32 @!p0 $0x88, s6;
	s7 =	simm.s32 @p2 $0x1082  }
0x22: {  	[simem:s7], [sflag:s8] =	dma.local @!p0 [hbm:s6], $0xF7A  }
0x23: {  	s9 =	sor.u32 $0xD0000000, s2;
	s6 =	simm.s32 $0x108;
	_ =	swait.ge @!p0 [sflag:s8], $0x0  }
0x24: {  	s3 =	sadd.s32 $0x88, s3;
	s6 =	simm.s32 @!p1 $0x1082;
	[sflag:s4] =	ssyncset.s32 $0xFFFFF086  }
0x25: {  	[simem:s6], [sflag:s4] =	dma.local [hbm:s3], $0xF7A  }
0x26: {  	[smem:$0x3F9E] =	sst s1;
	(tag) =	ssettag s2;
	_ =	strace s9  }
0x27: {  	s1 =	sld [smem:$0x3FAE]  }
0x28: {  	s2 =	sld [smem:$0x3FAF]  }
0x29: {  	s4 =	sld [smem:$0x3FB1]  }
0x2a: {  	p0 =	seq.s32 s5, $0x0;
	s5 =	sld [smem:$0x3FB2]  }
0x2b: {  	s6 =	sld [smem:$0x3FB3]  }
0x2c: {  	s7 =	sld [smem:$0x3FB4]  }
0x2d: {  	s3 =	simm.s32 $0x108;
	s8 =	sld [smem:$0x3FB5]  }
0x2e: {  	s3 =	simm.s32 @!p0 $0x1082;
	s9 =	sld [smem:$0x3FB6]  }
0x2f: {  	lr =	sadd.s32 s0, s3;
	s0 =	sld [smem:$0x3FAD]  }
0x30: {  	s3 =	sld [smem:$0x3FB0]  }
0x31: {  	[smem:$0x3FB9] =	sst s10  }
0x32: {  	s10 =	sld [smem:$0x3FB7];
	_ =	sdelay $0x3  }
0x33: {  	p0 =	seq.s32 s10, $0x1;
	s10 =	sld [smem:$0x3FB9];
	_ =	sdelay $0x3  }
0x34: {  	[smem:$0x3FB9] =	sst s10  }
0x35: {  	s10 =	sld [smem:$0x3FB8];
	_ =	sdelay $0x3  }
0x36: {  	p1 =	seq.s32 s10, $0x1;
	s10 =	sld [smem:$0x3FB9];
	_ =	sdelay $0x3  }
0x37: {  	[smem:$0x3FB9] =	sst s10  }
0x38: {  	s10 =	sld [smem:$0x3FBA]  }
0x39: {  	_ = 	snop;
	(pc) =	sbr.ind lr, $3  }
0x3a: {  	_ = 	snop  }
0x3b: {  	_ = 	snop  }
0x3c: {  	p2 =	seq.s32 s10, $0x1;
	s10 =	sld [smem:$0x3FB9]  }
0x3d: {  	_ =	shalt  }
0x3e: {  	_ =	shalt  }
0x3f: {  	_ =	shalt  }
0x40: {  	_ =	shalt  }
0x41: {  	_ =	shalt  }
0x42: {  	_ =	shalt  }
0x43: {  	_ =	shalt  }
0x44: {  	_ =	shalt  }
0x45: {  	_ =	shalt  }
0x46: {  	_ =	shalt  }
0x47: {  	_ =	shalt  }
0x48: {  	_ =	shalt  }
0x49: {  	_ =	shalt  }
0x4a: {  	_ =	shalt  }
0x4b: {  	_ =	shalt  }
0x4c: {  	_ =	shalt  }
0x4d: {  	_ =	shalt  }
0x4e: {  	_ =	shalt  }
0x4f: {  	_ =	shalt  }
0x50: {  	_ =	shalt  }
0x51: {  	_ =	shalt  }
0x52: {  	_ =	shalt  }
0x53: {  	_ =	shalt  }
0x54: {  	_ =	shalt  }
0x55: {  	_ =	shalt  }
0x56: {  	_ =	shalt  }
0x57: {  	_ =	shalt  }
0x58: {  	_ =	shalt  }
0x59: {  	_ =	shalt  }
0x5a: {  	_ =	shalt  }
0x5b: {  	_ =	shalt  }
0x5c: {  	_ =	shalt  }
0x5d: {  	_ =	shalt  }
0x5e: {  	_ =	shalt  }
0x5f: {  	_ =	shalt  }
0x60: {  	_ =	shalt  }
0x61: {  	_ =	shalt  }
0x62: {  	_ =	shalt  }
0x63: {  	_ =	shalt  }
0x64: {  	_ =	shalt  }
0x65: {  	_ =	shalt  }
0x66: {  	_ =	shalt  }
0x67: {  	_ =	shalt  }
0x68: {  	_ =	shalt  }
0x69: {  	_ =	shalt  }
0x6a: {  	_ =	shalt  }
0x6b: {  	_ =	shalt  }
0x6c: {  	_ =	shalt  }
0x6d: {  	_ =	shalt  }
0x6e: {  	_ =	shalt  }
0x6f: {  	_ =	shalt  }
0x70: {  	_ =	shalt  }
0x71: {  	_ =	shalt  }
0x72: {  	_ =	shalt  }
0x73: {  	_ =	shalt  }
0x74: {  	_ =	shalt  }
0x75: {  	_ =	shalt  }
0x76: {  	_ =	shalt  }
0x77: {  	_ =	shalt  }
0x78: {  	_ =	shalt  }
0x79: {  	_ =	shalt  }
0x7a: {  	_ =	shalt  }
0x7b: {  	_ =	shalt  }
0x7c: {  	_ =	shalt  }
0x7d: {  	_ =	shalt  }
0x7e: {  	_ =	shalt  }
0x7f: {  	_ =	shalt  }
0x80: {  	_ =	shalt  }
0x81: {  	_ =	shalt  }
0x82: {  	_ =	shalt  }
0x83: {  	_ =	shalt  }
0x84: {  	_ =	shalt  }
0x85: {  	_ =	shalt  }
0x86: {  	_ =	shalt  }
0x87: {  	_ =	shalt  }
.Lfunc_end0:
.L_simem_size_0:
called_computation.1_lowered:
.L_overlay_start_0:
0x88: {  	s2 =	sld [smem:$0x3FD9]  }
0x89: {  	s3 =	sld [smem:$0x3FFE];
	_ =	sdelay $0x1  }
0x8a: {  	s1 =	srdreg.scid  }
0x8b: {  	s0 =	sand.u32 $0x1, s1  }
0x8c: {  	s17 =	sshll.u32 s0, $0xA;
	s2 =	sadd.s32 s3, s2  }
0x8d: {  	s2 =	sadd.s32 s2, s17  }
0x8e: {  	[smem:$0x3FC5] =	sst s2  }
0x8f: {  	_ = 	snop  }
0x90: {  	s2 =	sld [smem:$0x3FD0];
	(tm) =	ssettm $0x1  }
0x91: {  	s18 =	sld [smem:$0x3FFB];
	_ =	sdelay $0x3  }
0x92: {  	_ =	strace s18  }
0x93: {  	s3 =	sld [smem:$0x3FFC];
	_ =	sdelay $0x3  }
0x94: {  	_ =	strace s3  }
0x95: {  	s3 =	sld [smem:$0x3FFD];
	_ =	sdelay $0x3  }
0x96: {  	_ =	strace s3  }
0x97: {  	_ =	strace $0x8FFFFFFF  }
0x98: {  	s19 =	sld [smem:$0x3FDB];
	_ =	sdelay $0x1  }
0x99: {  	s4 =	simm.s32 $_scs_section_size  }
0x9a: {  	s5 =	simm.s32 $_size__tile_overlayer_lowered;
	s6 =	simm.s32 $_tile_overlayer_lowered  }
0x9b: {  	s22 =	simm.s32 $0x1BFF;
	s21 =	sshll.u32 s6, $0x1;
	s3 =	sadd.s32 s4, s19  }
0x9c: {  	s7 =	simm.s32 $0x0;
	s20 =	sshll.u32 s5, $0x1;
	s5 =	sadd.s32 s21, s3  }
0x9d: {  	[timem:s7], [sflag:s22] =	dma.local [hbm:s5], s20  }
0x9e: {  	_ =	swait.ge [sflag:s22], s20  }
0x9f: {  	s4 =	ssub.s32 $0x0, s20;
	[sflag:s22] =	ssyncset.done $0x0  }
0xa0: {  	[sflag:s22] =	ssyncadd.s32 s4;
	_ =	sdelay $0x1  }
0xa1: {  	s23 =	simm.s32 $0x1B8B  }
0xa2: {  	_ =	swait.ge [sflag:s23], $0x1  }
0xa3: {  	[sflag:s23] =	ssyncset.done $0x0  }
0xa4: {  	s25 =	simm.s32 $0x1B8E;
	s24 =	sld [smem:$0x3FFE];
	[sflag:s23] =	ssyncadd.s32 $0xFFFFFFFF  }
0xa5: {  	s26 =	simm.s32 $execute0_lowered;
	[smem:$0x3FD2] =	sst s25  }
0xa6: {  	s5 =	sshll.u32 s26, $0x1;
	_ =	strace $0x80000049;
	[dreg:$0x1] =	wrdreg $0xFFFFFFFF  }
0xa7: {  	s28 =	simm.s32 $_size_execute0_lowered;
	s3 =	sadd.s32 s3, s5;
	[dreg:$0x0] =	wrdreg $0x0  }
0xa8: {  	s5 =	sshll.u32 s28, $0x1;
	[dreg:$0x2] =	wrdreg s3  }
0xa9: {  	[dreg:$0x3] =	wrdreg s5  }
0xaa: {  	[dreg:$0x4] =	wrdreg $0xC0  }
0xab: {  	_ =	task [dreg:s7], $0x5FFFF  }
0xac: {  	[dreg:$0x1] =	wrdreg $0xFFFFFFFF  }
0xad: {  	[dreg:$0x0] =	wrdreg $0x60  }
0xae: {  	[dreg:$0x2] =	wrdreg s24  }
0xaf: {  	[dreg:$0x3] =	wrdreg s2  }
0xb0: {  	[dreg:$0x4] =	wrdreg $0x9  }
0xb1: {  	_ =	task.clear_ibuf [dreg:s7], $0x5FFFF;
	_ =	strace $0x90000049  }
0xb2: {  	s29 =	simm.s32 $0x9;
	_ =	strace $0x8000004B  }
0xb3: {  	_ =	swait.ge [sflag:s29], $0x1  }
0xb4: {  	[sflag:s29] =	ssyncadd.s32 $0xFFFFFFFF  }
0xb5: {  	_ =	strace $0x9000004B  }
0xb6: {  	_ =	sfence  }
0xb7: {  	s30 =	sld [smem:$0x0];
	_ =	sdelay $0x2  }
0xb8: {  	s31 =	sshll.u32 s1, $0xD;
	s1 =	sshrl.u32 s1, $0x2  }
0xb9: {  	s3 =	sand.u32 $0x4000, s31;
	s1 =	sadd.s32 s1, s30  }
0xba: {  	s0 =	sor.u32 s3, s0;
	s1 =	sshll.u32 s1, $0x11  }
0xbb: {  	s0 =	sor.u32 s1, s0  }
0xbc: {  	s0 =	sadd.s32 $0x8F2B, s0  }
0xbd: {  	[sflag:s0] =	ssyncadd.remote.s32 $0x1  }
0xbe: {  	_ =	sfence.sel $0xFFFF  }
0xbf: {  	[dreg:$0x0] =	wrdreg $0xFFFFFFFF;
	(pc) =	sbr.abs _section_cstart, $3  }
0xc0: {  	[dreg:$0x1] =	wrdreg $0xFFFFFFFF  }
0xc1: {  	_ =	task.clear_ibuf [dreg:s7], $0x2FFFF;
	_ =	strace $0x9FFFFFFF  }
0xc2: {  	(tm) =	ssettm $0x7FFFFFFF  }
0xc3: {  	_ =	shalt  }
tec
execute0_lowered:
.L_overlay_start_1:
0x0: {  	(tag) =	ssettag $0x1  }
0x1: {  	s0 =	rddreg [dreg:$0x0]  }
0x2: {  	s2 =	rddreg [dreg:$0x1]  }
0x3: {  	s1 =	srdreg.scid;
	s3 =	simm.s32 $0x0;
	s4 =	stileid.u32  }
0x4: {  	s13 =	simm.s32 $0x1;
	s14 =	simm.s32 $0x80;
	s25 =	simm.s32 $0x3  }
0x5: {  	v0 =	vlaneseq.u32;
	s26 =	simm.s32 $0x2;
	s12 =	simm.s32 $0x9A00;
	s1 =	sand.u32 $0x1, s1  }
0x6: {  	v1 =	vimm.s32 $0x0;
	vm0 =	vcmask $0x300;
	[smem:$0x7FF] =	sst s3;
	s4 =	sshll.u32 s4, $0xA;
	v0 =	vmul.u32 $0x48, v0;
	s5 =	sshll.u32 s1, $0x9  }
0x7: {  	v1 =	vsel vm0, $0x3, v1;
	s1 =	ssub.s32 $0x2, s1;
	s4 =	sor.u32 s5, s4;
	s5 =	sadd.s32 $0xF42E00, s0  }
.Ltmp0:
0x8: {  	s7 =	sshrl.u32 s1, $0x1;
	v2 =	vadd.s32 $0x480, v0;
	v3 =	vor.u32 $0x1, v0;
	v4 =	vadd.s32 $0x481, v0;
	s8 =	sshrl.u32 s4, $0x3;
	(pc) =	sbr.rel .LBB2_1-.Ltmp0, $4  }
0x9: {  	s6 =	sadd.s32 $0xFA6E00, s0;
	v5 =	vor.u32 $0x2, v0;
	v6 =	vadd.s32 $0x482, v0;
	v7 =	vor.u32 $0x3, v0;
	s30 =	ssub.s32 s1, s7;
	s31 =	sadd.s32 s5, s8  }
0xa: {  	_ =	strace $0x8000004A;
	v8 =	vadd.s32 $0x483, v0;
	v9 =	vor.u32 $0x4, v0;
	v10 =	vadd.s32 $0x484, v0;
	s0 =	smax.u32 s30, $0x1;
	[dreg:$0x3] =	wrdreg s31  }
0xb: {  	s15 =	simm.s32 $0x4;
	v11 =	vor.u32 $0x5, v0;
	v12 =	vadd.s32 $0x485, v0;
	v13 =	vor.u32 $0x6, v0;
	s1 =	sadd.s32 $0x5000, s31;
	[dreg:$0x5] =	wrdreg s0  }
0xc: {  	s11 =	simm.s32 $0x40;
	v14 =	vadd.s32 $0x486, v0;
	v15 =	vor.u32 $0x7, v0;
	v16 =	vadd.s32 $0x487, v0;
	s7 =	simm.s32 $0x0;
	[dreg:$0x4] =	wrdreg s1  }
.LBB2_12:
0xd: {  	s0 =	simm.s32 $0x5  }
0xe: {  	_ =	swait.ge [sflag:s0], $0x5000  }
0xf: {  	[sflag:s0] =	ssyncset.done $0x0  }
0x10: {  	s1 =	simm.s32 $0x6;
	[sflag:s0] =	ssyncadd.s32 $0xFFFFB000  }
0x11: {  	_ =	swait.ge [sflag:s1], $0x5000  }
0x12: {  	s7 =	rddreg [dreg:$0x6]  }
0x13: {  	s31 =	rddreg [dreg:$0x5];
	s7 =	sadd.s32 $0x1, s7  }
0x14: {  	p0 =	sne.s32 s7, s31  }
.Ltmp1:
0x15: {  	_ = 	snop;
	(pc) =	sbr.rel @!p0 .LBB2_13-.Ltmp1, $3  }
0x16: {  	_ =	sdelay $0x1  }
0x17: {  	[sflag:s1] =	ssyncset.done $0x0  }
0x18: {  	[sflag:s1] =	ssyncadd.s32 $0xFFFFB000  }
.LBB2_1:
0x19: {  	[dreg:$0x6] =	wrdreg s7  }
0x1a: {  	s0 =	rddreg [dreg:$0x3]  }
0x1b: {  	s1 =	simm.s32 $0x40;
	s8 =	simm.s32 $0x4000;
	s31 =	rddreg [dreg:$0x4]  }
0x1c: {  	[tilespmem:s3], [sflag:$0x1] =	stream.strided.gather [hbm4b:s0+s1], $0x280, s8, s1, $0x38;
	[tilespmem:$0x15E00] =	vst v63  }
0x1d: {  	s7 =	simm.s32 $0x4000;
	s9 =	simm.s32 $0x280;
	s16 =	simm.s32 $0x0  }
0x1e: {  	[tilespmem:s9], [sflag:$0x2] =	stream.strided.gather [hbm4b:s31+s1], $0x280, s8, s1, $0x38;
	[tilespmem:$0x15E00] =	vst v63  }
.LBB2_2:
0x1f: {  	_ =	swait.ge [sflag:s13], $0x280  }
0x20: {  	[sflag:s13] =	ssyncset.done $0x0  }
0x21: {  	[sflag:s13] =	ssyncadd.s32 $0xFFFFFD80  }
0x22: {  	v17 =	vld [tilespmem:$0x0]  }
0x23: {  	v18 =	vld [tilespmem:$0x10]  }
0x24: {  	v19 =	vld [tilespmem:$0x20]  }
0x25: {  	v20 =	vld [tilespmem:$0x30]  }
0x26: {  	v21 =	vld [tilespmem:$0x40]  }
0x27: {  	[tilespmem:$0x500] =	vst v17;
	v17 =	vld [tilespmem:$0x50]  }
0x28: {  	[tilespmem:$0x510] =	vst v18;
	v18 =	vld [tilespmem:$0x60]  }
0x29: {  	[tilespmem:$0x520] =	vst v19;
	v19 =	vld [tilespmem:$0x70]  }
0x2a: {  	[tilespmem:$0x530] =	vst v20;
	v20 =	vld [tilespmem:$0x80]  }
0x2b: {  	[tilespmem:$0x540] =	vst v21;
	v21 =	vld [tilespmem:$0x90]  }
0x2c: {  	[tilespmem:$0x550] =	vst v17;
	v17 =	vld [tilespmem:$0xA0]  }
0x2d: {  	[tilespmem:$0x560] =	vst v18;
	v18 =	vld [tilespmem:$0xB0]  }
0x2e: {  	[tilespmem:$0x570] =	vst v19;
	v19 =	vld [tilespmem:$0xC0]  }
0x2f: {  	[tilespmem:$0x580] =	vst v20;
	v20 =	vld [tilespmem:$0xD0]  }
0x30: {  	[tilespmem:$0x590] =	vst v21;
	v21 =	vld [tilespmem:$0xE0]  }
0x31: {  	[tilespmem:$0x5A0] =	vst v17;
	v17 =	vld [tilespmem:$0xF0]  }
0x32: {  	[tilespmem:$0x5B0] =	vst v18;
	v18 =	vld [tilespmem:$0x100]  }
0x33: {  	[tilespmem:$0x5C0] =	vst v19;
	v19 =	vld [tilespmem:$0x110]  }
0x34: {  	[tilespmem:$0x5D0] =	vst v20;
	v20 =	vld [tilespmem:$0x120]  }
0x35: {  	[tilespmem:$0x5E0] =	vst v21;
	v21 =	vld [tilespmem:$0x130]  }
0x36: {  	[tilespmem:$0x5F0] =	vst v17;
	v17 =	vld [tilespmem:$0x140]  }
0x37: {  	[tilespmem:$0x600] =	vst v18;
	v18 =	vld [tilespmem:$0x150]  }
0x38: {  	[tilespmem:$0x610] =	vst v19;
	v19 =	vld [tilespmem:$0x160]  }
0x39: {  	[tilespmem:$0x620] =	vst v20;
	v20 =	vld [tilespmem:$0x170]  }
0x3a: {  	[tilespmem:$0x630] =	vst v21;
	v21 =	vld [tilespmem:$0x180]  }
0x3b: {  	[tilespmem:$0x640] =	vst v17;
	v17 =	vld [tilespmem:$0x190]  }
0x3c: {  	[tilespmem:$0x650] =	vst v18;
	v18 =	vld [tilespmem:$0x1A0]  }
0x3d: {  	[tilespmem:$0x660] =	vst v19;
	v19 =	vld [tilespmem:$0x1B0]  }
0x3e: {  	[tilespmem:$0x670] =	vst v20;
	v20 =	vld [tilespmem:$0x1C0]  }
0x3f: {  	[tilespmem:$0x680] =	vst v21;
	v21 =	vld [tilespmem:$0x1D0]  }
0x40: {  	[tilespmem:$0x690] =	vst v17;
	v17 =	vld [tilespmem:$0x1E0]  }
0x41: {  	[tilespmem:$0x6A0] =	vst v18;
	v18 =	vld [tilespmem:$0x1F0]  }
0x42: {  	[tilespmem:$0x6B0] =	vst v19;
	v19 =	vld [tilespmem:$0x200]  }
0x43: {  	[tilespmem:$0x6C0] =	vst v20;
	v20 =	vld [tilespmem:$0x210]  }
0x44: {  	[tilespmem:$0x6D0] =	vst v21;
	v21 =	vld [tilespmem:$0x220]  }
0x45: {  	[tilespmem:$0x6E0] =	vst v17;
	v17 =	vld [tilespmem:$0x230]  }
0x46: {  	[tilespmem:$0x6F0] =	vst v18;
	v18 =	vld [tilespmem:$0x240]  }
0x47: {  	[tilespmem:$0x700] =	vst v19;
	v19 =	vld [tilespmem:$0x250]  }
0x48: {  	[tilespmem:$0x710] =	vst v20;
	v20 =	vld [tilespmem:$0x260]  }
0x49: {  	[tilespmem:$0x720] =	vst v21;
	v21 =	vld [tilespmem:$0x270]  }
0x4a: {  	[tilespmem:$0x730] =	vst v17  }
0x4b: {  	[tilespmem:$0x740] =	vst v18  }
0x4c: {  	[tilespmem:$0x750] =	vst v19  }
0x4d: {  	[tilespmem:$0x760] =	vst v20  }
0x4e: {  	s0 =	simm.s32 $0x500;
	s1 =	simm.s32 $0xA00;
	[tilespmem:$0x770] =	vst v21  }
0x4f: {  	[tilespmem:s1], [sflag:$0x3] =	stream.indirect.gather [hbm4b:s6+s14], $0x20, s0, s14, $0xb8;
	[tilespmem:$0x15E00] =	vst v63  }
0x50: {  	s8 =	simm.s32 $0x1A00;
	s1 =	simm.s32 $0x580  }
0x51: {  	[tilespmem:s8], [sflag:$0x3] =	stream.indirect.gather [hbm4b:s6+s14], $0x20, s1, s14, $0xb8;
	[tilespmem:$0x15E00] =	vst v63  }
0x52: {  	s9 =	simm.s32 $0x600;
	s10 =	simm.s32 $0x2A00  }
0x53: {  	[tilespmem:s10], [sflag:$0x3] =	stream.indirect.gather [hbm4b:s6+s14], $0x20, s9, s14, $0xb8;
	[tilespmem:$0x15E00] =	vst v63  }
0x54: {  	s17 =	simm.s32 $0x680;
	s18 =	simm.s32 $0x3A00  }
0x55: {  	[tilespmem:s18], [sflag:$0x3] =	stream.indirect.gather [hbm4b:s6+s14], $0x20, s17, s14, $0xb8;
	[tilespmem:$0x15E00] =	vst v63  }
0x56: {  	s19 =	simm.s32 $0x700;
	s20 =	simm.s32 $0x4A00  }
0x57: {  	[tilespmem:s20], [sflag:$0x3] =	stream.indirect.gather [hbm4b:s6+s14], $0x20, s19, s14, $0xb8;
	[tilespmem:$0x15E00] =	vst v63  }
0x58: {  	_ =	swait.ge [sflag:s25], $0x1000  }
0x59: {  	[sflag:s25] =	ssyncset.done $0x0  }
0x5a: {  	[sflag:s25] =	ssyncadd.s32 $0xFFFFF000  }
0x5b: {  	_ =	swait.ge [sflag:s25], $0x1000  }
0x5c: {  	[sflag:s25] =	ssyncset.done $0x0  }
0x5d: {  	[sflag:s25] =	ssyncadd.s32 $0xFFFFF000  }
0x5e: {  	_ =	swait.ge [sflag:s25], $0x1000  }
0x5f: {  	[sflag:s25] =	ssyncset.done $0x0  }
0x60: {  	p0 =	seq.s32 s16, $0x0;
	[sflag:s25] =	ssyncadd.s32 $0xFFFFF000  }
0x61: {  	s21 =	simm.s32 $0x6;
	s24 =	simm.s32 $0x7;
	_ =	swait.ge [sflag:s25], $0x1000  }
0x62: {  	s17 =	simm.s32 $0x5;
	s18 =	simm.s32 $0x3;
	[sflag:s25] =	ssyncset.done $0x0  }
0x63: {  	s17 =	sand.u32 $0x38, s17;
	s18 =	sand.u32 $0x38, s18;
	[sflag:s25] =	ssyncadd.s32 $0xFFFFF000  }
0x64: {  	s19 =	simm.s32 $0x0;
	s20 =	simm.s32 $0x1;
	v17 =	vmov s17;
	_ =	swait.ge [sflag:s25], $0x1000  }
0x65: {  	v18 =	vmov s18;
	s18 =	sand.u32 $0x38, s21;
	s19 =	sand.u32 $0x38, s19;
	v17 =	vshrl.u32 v17, $0x3;
	[sflag:s25] =	ssyncset.done $0x0  }
0x66: {  	s17 =	simm.s32 @!p0 $0x5;
	s20 =	sand.u32 $0x38, s20;
	v18 =	vshrl.u32 v18, $0x3;
	v21 =	vmov s18;
	v19 =	vmov s19;
	[sflag:s25] =	ssyncadd.s32 $0xFFFFF000  }
0x67: {  	s22 =	simm.s32 $0x2;
	s18 =	sand.u32 $0x38, s24;
	v20 =	vmov s20;
	v17 =	vshll.u32 v17, v1;
	v18 =	vshll.u32 v18, v1;
	_ =	swait.ge @!p0 [sflag:s17], $0x5000  }
0x68: {  	s0 =	simm.s32 $0x9;
	s19 =	sand.u32 $0x38, s22;
	v25 =	vmov s18;
	v19 =	vshrl.u32 v19, $0x3;
	v17 =	vbroadcast v17, $0x0;
	[sflag:s17] =	ssyncset.done @!p0 $0x0  }
0x69: {  	s21 =	simm.s32 $0xA80;
	v22 =	vmov s19;
	v18 =	vbroadcast v18, $0x0;
	v20 =	vshrl.u32 v20, $0x3;
	s19 =	sand.u32 $0x38, s0;
	[sflag:s17] =	ssyncadd.s32 @!p0 $0xFFFFB000  }
0x6a: {  	v20 =	vshll.u32 v20, v1;
	v46 =	vmov s19;
	v23 =	vadd.s32 v11, v17;
	v24 =	vld [tilespmem:s21+$0x20]  }
0x6b: {  	v26 =	vadd.s32 v12, v17;
	v17 =	vshrl.u32 v21, $0x3;
	v27 =	vadd.s32 v7, v18;
	v37 =	vld [tilespmem:s21+$0xFFFFFFF0]  }
0x6c: {  	s20 =	simm.s32 $0x8;
	v41 =	vadd.s32 v8, v18;
	v18 =	vshrl.u32 v25, $0x3;
	v17 =	vshll.u32 v17, v1;
	v28 =	vld [tilespmem:s21+$0x30]  }
0x6d: {  	s23 =	simm.s32 $0x4;
	s8 =	sand.u32 $0x38, s20;
	v48 =	vbroadcast v20, $0x0;
	v46 =	vshrl.u32 v46, $0x3;
	v25 =	vbroadcast v17, $0x0;
	v30 =	vld [tilespmem:s21+$0xFFFFFFE0]  }
0x6e: {  	v19 =	vshll.u32 v19, v1;
	v33 =	vmov s8;
	v46 =	vshll.u32 v46, v1;
	s17 =	sand.u32 $0x38, s23;
	v47 =	vld [tilespmem:s21+$0xFFFFFFA0]  }
0x6f: {  	s30 =	simm.s32 $0xB;
	v49 =	vadd.s32 v3, v48;
	v38 =	vadd.s32 v13, v25;
	v21 =	vmov s17;
	v17 =	vld [tilespmem:s21+$0xFFFFFFB0]  }
0x70: {  	s17 =	sand.u32 $0x38, s30;
	v40 =	vld [tilespmem:s21+$0x40];
	v29 =	vshrl.u32 v21, $0x3;
	v21 =	vbroadcast v19, $0x0;
	v19 =	vshrl.u32 v22, $0x3  }
0x71: {  	v32 =	vld [tilespmem:s21+$0xFFFFFF80];
	s30 =	simm.s32 $0xF;
	v22 =	vshll.u32 v18, v1;
	v20 =	vmov s17;
	v18 =	vshll.u32 v19, v1  }
0x72: {  	s31 =	simm.s32 $0xD;
	s1 =	simm.s32 $0x0;
	v45 =	vld [tilespmem:s21+$0xFFFFFF90];
	s28 =	sand.u32 $0x38, s30;
	v19 =	vadd.s32 v14, v25;
	v22 =	vbroadcast v22, $0x0;
	v29 =	vshll.u32 v29, v1  }
0x73: {  	s18 =	sand.u32 $0x38, s31;
	v34 =	vld [tilespmem:s21+$0x50];
	s17 =	smul.u32 $0x2400, s1;
	v35 =	vshrl.u32 v20, $0x3;
	v52 =	vmov s28;
	v31 =	vadd.s32 v2, v21  }
0x74: {  	s9 =	smul.u32 $0x19A, s16;
	s10 =	simm.s32 $0xA;
	s22 =	simm.s32 $0xE;
	v43 =	vbroadcast v18, $0x0;
	v18 =	vmov s18;
	v42 =	vadd.s32 v0, v21;
	v21 =	vld [tilespmem:s21+$0x10]  }
0x75: {  	v44 =	vbroadcast v29, $0x0;
	s19 =	sshra.s32 s17, $0x2;
	v29 =	vshrl.u32 v33, $0x3;
	s18 =	simm.s32 $0xB80;
	s17 =	sand.u32 $0x38, s10;
	v25 =	vshrl.u32 v18, $0x3;
	v18 =	vld [tilespmem:s21+$0xFFFFFFC0]  }
0x76: {  	s22 =	sand.u32 $0x38, s22;
	s23 =	sshrl.u32 s9, $0xC;
	v50 =	vshll.u32 v35, v1;
	v36 =	vshll.u32 v29, v1;
	v33 =	vmov s17;
	v35 =	vld [tilespmem:s18+$0xFFFFFFF0];
	[tilespmem:v23+s19+$0xAA00] =	vst.idx.msk $0xffff, v24  }
0x77: {  	s23 =	sand.u32 $0xF, s23;
	v20 =	vshll.u32 v25, v1;
	v25 =	vld [tilespmem:s21+$0x60];
	v23 =	vmov s22;
	v29 =	vadd.s32 v10, v44;
	[tilespmem:v27+s19+$0xAA00] =	vst.idx.msk $0xffff, v30  }
0x78: {  	s24 =	simm.s32 $0xC;
	s22 =	smul.u32 $0x14, s23;
	v24 =	vadd.s32 v6, v43;
	v44 =	vadd.s32 v9, v44;
	v30 =	vld [tilespmem:s18+$0xFFFFFFE0];
	[tilespmem:v38+s19+$0xAA00] =	vst.idx.msk $0xffff, v40;
	v39 =	vbroadcast v20, $0x0  }
0x79: {  	v50 =	vbroadcast v50, $0x0;
	s23 =	sand.u32 $0x38, s24;
	s24 =	smul.u32 $0xCD, s16;
	v38 =	vld [tilespmem:s18+$0xFFFFFFA0];
	v43 =	vadd.s32 v5, v43;
	[tilespmem:v49+s19+$0xAA00] =	vst.idx.msk $0xffff, v47;
	v20 =	vadd.s32 v16, v22  }
0x7a: {  	s31 =	simm.s32 $0x0;
	s17 =	sshll.u32 s16, $0x1;
	[tilespmem:v26+s19+$0xAA00] =	vst.idx.msk $0xffff, v28;
	v23 =	vshrl.u32 v23, $0x3;
	v28 =	vadd.s32 v11, v39;
	v27 =	vadd.s32 v12, v39;
	v39 =	vld [tilespmem:s21+$0x0]  }
0x7b: {  	s28 =	smul.u32 $0x2400, s31;
	v26 =	vld [tilespmem:s18+$0x20];
	v51 =	vmov s23;
	[tilespmem:v41+s19+$0xAA00] =	vst.idx.msk $0xffff, v37;
	v37 =	vadd.s32 v4, v48;
	v23 =	vshll.u32 v23, v1;
	s22 =	ssub.s32 s17, s22;
	s24 =	sshrl.u32 s24, $0x5  }
0x7c: {  	v41 =	vshrl.u32 v51, $0x3;
	[tilespmem:v42+s19+$0xAA00] =	vst.idx.msk $0xffff, v32;
	v32 =	vld [tilespmem:s18+$0x30];
	v42 =	vadd.s32 v15, v22;
	v22 =	vadd.s32 v8, v50;
	s23 =	sand.u32 $0xFE, s22;
	s22 =	sand.u32 $0x7C0, s24  }
0x7d: {  	s29 =	simm.s32 $0xC80;
	s28 =	sshra.s32 s28, $0x2;
	v40 =	vbroadcast v23, $0x0;
	v23 =	vld [tilespmem:s18+$0xFFFFFFB0];
	[tilespmem:v31+s19+$0xAA00] =	vst.idx.msk $0xffff, v45;
	v31 =	vadd.s32 v7, v50;
	v45 =	vshrl.u32 v52, $0x3;
	s24 =	sadd.s32 s4, s22  }
.LBB2_3:
0x7e: {  	s30 =	sadd.s32 $0x9, s20  }
0x7f: {  	s31 =	sadd.s32 $0xA, s20;
	v36 =	vbroadcast v36, $0x0;
	v33 =	vshrl.u32 v33, $0x3;
	v45 =	vshll.u32 v45, v1;
	v47 =	vld [tilespmem:s21+$0xFFFFFFD0];
	[tilespmem:v44+s19+$0xAA00] =	vst.idx.msk $0xffff, v39;
	v48 =	vmovc v35;
	s0 =	smov.u32 s20;
	s20 =	sadd.s32 $0x8, s20  }
0x80: {  	v49 =	vbroadcast v46, $0x0;
	v46 =	vadd.s32 v13, v40;
	s1 =	sadd.s32 $0xB, s0;
	s8 =	sadd.s32 $0xD, s0;
	s10 =	sadd.s32 $0xF, s0;
	v33 =	vshll.u32 v33, v1;
	[tilespmem:v19+s19+$0xAA00] =	vst.idx.msk $0xffff, v34;
	v34 =	vld [tilespmem:s21+$0x70]  }
0x81: {  	s21 =	sadd.s32 $0xE, s0;
	v19 =	vadd.s32 v14, v40;
	s1 =	sand.u32 $0x38, s1;
	s8 =	sand.u32 $0x38, s8;
	v50 =	vadd.s32 v2, v36;
	v51 =	vbroadcast v33, $0x0;
	v52 =	vld [tilespmem:s18+$0x40];
	[tilespmem:v42+s19+$0xAA00] =	vst.idx.msk $0xffff, v25  }
0x82: {  	s9 =	sand.u32 $0x38, s20;
	s30 =	sand.u32 $0x38, s30;
	s0 =	sadd.s32 $0xC, s0;
	v42 =	vadd.s32 v0, v36;
	v25 =	vmov s1;
	v33 =	vmov s8;
	v40 =	vld [tilespmem:s18+$0xFFFFFF80];
	[tilespmem:v29+s19+$0xAA00] =	vst.idx.msk $0xffff, v21;
	v53 =	vmovc v38  }
0x83: {  	s0 =	sand.u32 $0x38, s0;
	v54 =	vadd.s32 v3, v49;
	s1 =	sand.u32 $0x38, s21;
	s8 =	sand.u32 $0x38, s10;
	v38 =	vbroadcast v45, $0x0;
	v29 =	vshrl.u32 v33, $0x3;
	[tilespmem:v43+s19+$0xAA00] =	vst.idx.msk $0xffff, v18;
	v18 =	vld [tilespmem:s18+$0xFFFFFFC0]  }
0x84: {  	v35 =	vshll.u32 v41, v1;
	p1 =	slt.u32 s20, $0x278;
	s10 =	sshrl.u32 s20, $0x6;
	v33 =	vmov s9;
	v43 =	vmov s30;
	s9 =	sand.u32 $0x38, s31;
	v21 =	vld [tilespmem:s18+$0x10];
	[tilespmem:v28+s28+$0xAA00] =	vst.idx.msk $0xffff, v26  }
0x85: {  	v41 =	vbroadcast v35, $0x0;
	s21 =	smov.u32 s18;
	s10 =	smul.u32 $0x2400, s10;
	v26 =	vshrl.u32 v25, $0x3;
	v28 =	vshll.u32 v29, v1;
	[tilespmem:v27+s28+$0xAA00] =	vst.idx.msk $0xffff, v32;
	v25 =	vld [tilespmem:s18+$0x60];
	s18 =	smov.u32 s29  }
0x86: {  	v27 =	vshrl.u32 v33, $0x3;
	v32 =	vbroadcast v28, $0x0;
	v45 =	vld [tilespmem:s21+$0xFFFFFF90];
	[tilespmem:v20+s19+$0xAA00] =	vst.idx.msk $0xffff, v34;
	v20 =	vadd.s32 v16, v38  }
0x87: {  	v35 =	vmov s1;
	v29 =	vadd.s32 v10, v41;
	v36 =	vshll.u32 v27, v1;
	v34 =	vld [tilespmem:s21+$0x50];
	[tilespmem:v24+s19+$0xAA00] =	vst.idx.msk $0xffff, v47  }
0x88: {  	v33 =	vmov s9;
	v44 =	vshll.u32 v26, v1;
	v28 =	vadd.s32 v11, v32;
	v26 =	vld [tilespmem:s29+$0x20];
	[tilespmem:v31+s28+$0xAA00] =	vst.idx.msk $0xffff, v30  }
0x89: {  	v27 =	vadd.s32 v12, v32;
	v24 =	vadd.s32 v6, v51;
	v30 =	vshrl.u32 v35, $0x3;
	v39 =	vld [tilespmem:s21+$0x0];
	[tilespmem:v37+s19+$0xAA00] =	vst.idx.msk $0xffff, v17;
	s19 =	smov.u32 s28  }
.Ltmp2:
0x8a: {  	v47 =	vmov s0;
	v37 =	vbroadcast v44, $0x0;
	v44 =	vadd.s32 v9, v41;
	v17 =	vmovc v23;
	v35 =	vld [tilespmem:s29+$0xFFFFFFF0];
	[tilespmem:v42+s19+$0xAA00] =	vst.idx.msk $0xffff, v40;
	(pc) =	sbr.rel @p1 .LBB2_3-.Ltmp2, $4  }
0x8b: {  	v23 =	vshll.u32 v30, v1;
	v40 =	vmov s8;
	v42 =	vadd.s32 v15, v38;
	v32 =	vld [tilespmem:s29+$0x30];
	[tilespmem:v50+s19+$0xAA00] =	vst.idx.msk $0xffff, v45  }
0x8c: {  	v31 =	vadd.s32 v7, v37;
	v37 =	vadd.s32 v8, v37;
	v45 =	vshrl.u32 v40, $0x3;
	v30 =	vld [tilespmem:s29+$0xFFFFFFE0];
	[tilespmem:v46+s19+$0xAA00] =	vst.idx.msk $0xffff, v52  }
0x8d: {  	v41 =	vshrl.u32 v43, $0x3;
	v43 =	vadd.s32 v5, v51;
	v40 =	vbroadcast v23, $0x0;
	v38 =	vld [tilespmem:s29+$0xFFFFFFA0];
	[tilespmem:v22+s19+$0xAA00] =	vst.idx.msk $0xffff, v48;
	v22 =	vmovc v37  }
0x8e: {  	s28 =	sshra.s32 s10, $0x2;
	v46 =	vshll.u32 v41, v1;
	v41 =	vshrl.u32 v47, $0x3;
	s29 =	sadd.s32 $0x100, s29;
	v37 =	vadd.s32 v4, v49;
	v23 =	vld [tilespmem:s18+$0xFFFFFFB0];
	[tilespmem:v54+s19+$0xAA00] =	vst.idx.msk $0xffff, v53  }
0x8f: {  	_ =	sdelay $0x3  }
0x90: {  	[tilespmem:v44+s19+$0xAA00] =	vst.idx.msk $0xffff, v39  }
0x91: {  	[tilespmem:v19+s19+$0xAA00] =	vst.idx.msk $0xffff, v34  }
0x92: {  	v19 =	vld [tilespmem:s21+$0x70];
	[tilespmem:v42+s19+$0xAA00] =	vst.idx.msk $0xffff, v25  }
0x93: {  	v42 =	vld [tilespmem:s21+$0xFFFFFFD0];
	[tilespmem:v43+s19+$0xAA00] =	vst.idx.msk $0xffff, v18  }
0x94: {  	[tilespmem:v28+s28+$0xAA00] =	vst.idx.msk $0xffff, v26  }
0x95: {  	[tilespmem:v37+s19+$0xAA00] =	vst.idx.msk $0xffff, v17  }
0x96: {  	v44 =	vbroadcast v36, $0x0;
	[tilespmem:v29+s19+$0xAA00] =	vst.idx.msk $0xffff, v21  }
0x97: {  	v49 =	vadd.s32 v13, v40;
	v50 =	vld [tilespmem:s18+$0x40];
	v17 =	vshrl.u32 v33, $0x3;
	[tilespmem:v27+s28+$0xAA00] =	vst.idx.msk $0xffff, v32  }
0x98: {  	v18 =	vld [tilespmem:s18+$0xFFFFFF80];
	v17 =	vshll.u32 v17, v1;
	v47 =	vadd.s32 v0, v44;
	[tilespmem:v31+s28+$0xAA00] =	vst.idx.msk $0xffff, v30  }
0x99: {  	v56 =	vadd.s32 v14, v40;
	v57 =	vld [tilespmem:s18+$0x50];
	v17 =	vbroadcast v17, $0x0;
	[tilespmem:v22+s28+$0xAA00] =	vst.idx.msk $0xffff, v35  }
0x9a: {  	v48 =	vld [tilespmem:s18+$0xFFFFFF90];
	v51 =	vshll.u32 v41, v1;
	v21 =	vadd.s32 v2, v44;
	[tilespmem:v20+s19+$0xAA00] =	vst.idx.msk $0xffff, v19  }
0x9b: {  	v61 =	vld [tilespmem:s18+$0xFFFFFFC0];
	v52 =	vbroadcast v51, $0x0;
	v62 =	vadd.s32 v5, v17;
	[tilespmem:v24+s19+$0xAA00] =	vst.idx.msk $0xffff, v42  }
0x9c: {  	v53 =	vshll.u32 v45, v1;
	s0 =	sshrl.u32 s22, $0x6;
	v63 =	vld [tilespmem:s18+$0xFFFFFFD0];
	v17 =	vadd.s32 v6, v17;
	v19 =	vbroadcast v46, $0x0;
	[tilespmem:v49+s28+$0xAA00] =	vst.idx.msk $0xffff, v50  }
0x9d: {  	v55 =	vld [tilespmem:s18+$0x0];
	v25 =	vbroadcast v53, $0x0;
	s0 =	sand.u32 $0x1, s0;
	[tilespmem:v47+s28+$0xAA00] =	vst.idx.msk $0xffff, v18;
	v18 =	vadd.s32 v9, v52  }
0x9e: {  	p1 =	seq.s32 s24, $0x0;
	p2 =	seq.s32 s0, $0x1;
	[tilespmem:v56+s28+$0xAA00] =	vst.idx.msk $0xffff, v57;
	v54 =	vadd.s32 v3, v19  }
0x9f: {  	v58 =	vld [tilespmem:s18+$0x60];
	v59 =	vadd.s32 v15, v25;
	p1 =	por !p1, !p2;
	[tilespmem:v21+s28+$0xAA00] =	vst.idx.msk $0xffff, v48  }
0xa0: {  	v60 =	vld [tilespmem:s18+$0x10];
	s0 =	simm.s32 $0x1;
	p1 =	por !p1, !p1;
	v24 =	vadd.s32 v10, v52;
	[tilespmem:v62+s28+$0xAA00] =	vst.idx.msk $0xffff, v61  }
0xa1: {  	s1 =	sshrl.u32 s24, $0x7;
	s0 =	simm.s32 @!p1 $0x0;
	v19 =	vadd.s32 v4, v19;
	[tilespmem:v17+s28+$0xAA00] =	vst.idx.msk $0xffff, v63  }
0xa2: {  	s8 =	smul.u32 $0x500000, s23;
	v25 =	vadd.s32 v16, v25;
	s0 =	ssub.s32 s1, s0;
	[tilespmem:v18+s28+$0xAA00] =	vst.idx.msk $0xffff, v55;
	v18 =	vld [tilespmem:s18+$0x70]  }
0xa3: {  	s19 =	sshll.u32 s0, $0xA;
	[tilespmem:v54+s28+$0xAA00] =	vst.idx.msk $0xffff, v38  }
0xa4: {  	s0 =	sadd.s32 s8, s19;
	[tilespmem:v59+s28+$0xAA00] =	vst.idx.msk $0xffff, v58;
	s18 =	sand.u32 $0x40, s22  }
0xa5: {  	[tilespmem:v24+s28+$0xAA00] =	vst.idx.msk $0xffff, v60;
	s0 =	sor.u32 s18, s0  }
0xa6: {  	[tilespmem:v19+s28+$0xAA00] =	vst.idx.msk $0xffff, v23;
	s0 =	sshrl.u32 s0, $0x3  }
0xa7: {  	s31 =	simm.s32 $0xAA00;
	s0 =	sadd.s32 s2, s0;
	[tilespmem:v25+s28+$0xAA00] =	vst.idx.msk $0xffff, v18  }
0xa8: {  	[hbm4b:s0+s3] =	stream.linear.scatter [tilespmem:s31], [sflag:$0x5], $0x40, $0x38;
	[tilespmem:$0x15E00] =	vst v63  }
0xa9: {  	s8 =	simm.s32 $0xAA48;
	s9 =	sadd.s32 $0x10, s0  }
0xaa: {  	[hbm4b:s9+s3] =	stream.linear.scatter [tilespmem:s8], [sflag:$0x5], $0x40, $0x38;
	[tilespmem:$0x15E00] =	vst v63  }
0xab: {  	s10 =	simm.s32 $0xAA90;
	s21 =	simm.s32 $0xAAD8;
	s20 =	sadd.s32 $0x20, s0  }
0xac: {  	[hbm4b:s20+s3] =	stream.linear.scatter [tilespmem:s10], [sflag:$0x5], $0x40, $0x38;
	[tilespmem:$0x15E00] =	vst v63  }
0xad: {  	s23 =	simm.s32 $0xAB20;
	s30 =	simm.s32 $0xABB0;
	s22 =	sadd.s32 $0x30, s0  }
0xae: {  	[hbm4b:s22+s3] =	stream.linear.scatter [tilespmem:s21], [sflag:$0x5], $0x40, $0x38;
	[tilespmem:$0x15E00] =	vst v63  }
0xaf: {  	s24 =	sadd.s32 $0x40, s0;
	s29 =	sadd.s32 $0x50, s0;
	s28 =	simm.s32 $0xAB68  }
0xb0: {  	[hbm4b:s24+s3] =	stream.linear.scatter [tilespmem:s23], [sflag:$0x5], $0x40, $0x38;
	[tilespmem:$0x15E00] =	vst v63  }
0xb1: {  	s31 =	sadd.s32 $0x60, s0;
	s20 =	simm.s32 $0x240;
	s22 =	simm.s32 $0x1200  }
0xb2: {  	[hbm4b:s29+s3] =	stream.linear.scatter [tilespmem:s28], [sflag:$0x5], $0x40, $0x38;
	[tilespmem:$0x15E00] =	vst v63  }
0xb3: {  	s21 =	sadd.s32 $0x4000, s0;
	s23 =	simm.s32 $0xABF8;
	s24 =	sadd.s32 $0x70, s0  }
0xb4: {  	[hbm4b:s31+s3] =	stream.linear.scatter [tilespmem:s30], [sflag:$0x5], $0x40, $0x38;
	[tilespmem:$0x15E00] =	vst v63  }
.LBB2_5:
0xb5: {  	[hbm4b:s24+s3] =	stream.linear.scatter [tilespmem:s23], [sflag:$0x5], $0x40, $0x38;
	[tilespmem:$0x15E00] =	vst v63  }
0xb6: {  	s0 =	smov.u32 s20;
	s1 =	smov.u32 s22  }
0xb7: {  	s20 =	sshra.s32 s1, $0x2;
	s1 =	sadd.s32 $0x900, s22;
	s8 =	sadd.s32 $0xAA00, s0  }
0xb8: {  	[hbm4b:s21+s3] =	stream.linear.scatter [tilespmem:s8], [sflag:$0x5], $0x40, $0x38;
	[tilespmem:$0x15E00] =	vst v63  }
0xb9: {  	p1 =	sne.s32 s22, $0x15F00;
	s9 =	sadd.s32 $0x10, s21;
	s8 =	sadd.s32 $0xAA48, s0  }
0xba: {  	[hbm4b:s9+s3] =	stream.linear.scatter [tilespmem:s8], [sflag:$0x5], $0x40, $0x38;
	[tilespmem:$0x15E00] =	vst v63  }
0xbb: {  	s8 =	sadd.s32 $0xAA90, s0;
	s9 =	sadd.s32 $0x20, s21  }
0xbc: {  	[hbm4b:s9+s3] =	stream.linear.scatter [tilespmem:s8], [sflag:$0x5], $0x40, $0x38;
	[tilespmem:$0x15E00] =	vst v63  }
0xbd: {  	s8 =	sadd.s32 $0xAAD8, s0;
	s9 =	sadd.s32 $0x30, s21  }
0xbe: {  	[hbm4b:s9+s3] =	stream.linear.scatter [tilespmem:s8], [sflag:$0x5], $0x40, $0x38;
	[tilespmem:$0x15E00] =	vst v63  }
0xbf: {  	s8 =	sadd.s32 $0xAB20, s0;
	s9 =	sadd.s32 $0x40, s21  }
0xc0: {  	[hbm4b:s9+s3] =	stream.linear.scatter [tilespmem:s8], [sflag:$0x5], $0x40, $0x38;
	[tilespmem:$0x15E00] =	vst v63  }
.Ltmp3:
0xc1: {  	s8 =	sadd.s32 $0xAB68, s0;
	s9 =	sadd.s32 $0x50, s21;
	(pc) =	sbr.rel @p1 .LBB2_5-.Ltmp3, $4  }
0xc2: {  	[hbm4b:s9+s3] =	stream.linear.scatter [tilespmem:s8], [sflag:$0x5], $0x40, $0x38;
	[tilespmem:$0x15E00] =	vst v63  }
0xc3: {  	s24 =	sadd.s32 $0x70, s21;
	s8 =	sadd.s32 $0xABB0, s0;
	s9 =	sadd.s32 $0x60, s21  }
0xc4: {  	[hbm4b:s9+s3] =	stream.linear.scatter [tilespmem:s8], [sflag:$0x5], $0x40, $0x38;
	[tilespmem:$0x15E00] =	vst v63  }
0xc5: {  	s23 =	sadd.s32 $0xABF8, s0;
	s22 =	smov.u32 s1;
	s21 =	sadd.s32 $0x4000, s21  }
0xc6: {  	[hbm4b:s24+s3] =	stream.linear.scatter [tilespmem:s23], [sflag:$0x5], $0x40, $0x38;
	[tilespmem:$0x15E00] =	vst v63  }
0xc7: {  	s0 =	sadd.s32 $0xAA00, s20  }
0xc8: {  	[hbm4b:s21+s3] =	stream.linear.scatter [tilespmem:s0], [sflag:$0x5], $0x40, $0x38;
	[tilespmem:$0x15E00] =	vst v63  }
0xc9: {  	s31 =	sadd.s32 $0xAA48, s20;
	s1 =	sadd.s32 $0x10, s21  }
0xca: {  	[hbm4b:s1+s3] =	stream.linear.scatter [tilespmem:s31], [sflag:$0x5], $0x40, $0x38;
	[tilespmem:$0x15E00] =	vst v63  }
0xcb: {  	s8 =	sadd.s32 $0x20, s21;
	p1 =	seq.s32 s16, $0x4F;
	s1 =	sadd.s32 $0xAA90, s20  }
0xcc: {  	[hbm4b:s8+s3] =	stream.linear.scatter [tilespmem:s1], [sflag:$0x5], $0x40, $0x38;
	[tilespmem:$0x15E00] =	vst v63  }
0xcd: {  	s9 =	sadd.s32 $0xAAD8, s20;
	s10 =	sadd.s32 $0x30, s21;
	s0 =	sadd.s32 @!p1 $0x2, s17  }
0xce: {  	[hbm4b:s10+s3] =	stream.linear.scatter [tilespmem:s9], [sflag:$0x5], $0x40, $0x38;
	[tilespmem:$0x15E00] =	vst v63  }
0xcf: {  	s22 =	sadd.s32 $0xAB20, s20;
	s23 =	sadd.s32 $0x40, s21;
	s9 =	smulhi.u32 @!p1 $0x66666667, s0  }
0xd0: {  	[hbm4b:s23+s3] =	stream.linear.scatter [tilespmem:s22], [sflag:$0x5], $0x40, $0x38;
	[tilespmem:$0x15E00] =	vst v63  }
0xd1: {  	s24 =	sadd.s32 $0xAB68, s20;
	s30 =	sadd.s32 $0x50, s21;
	s1 =	sshrl.u32 @!p1 s9, $0x3  }
0xd2: {  	s31 =	sadd.s32 $0xABB0, s20;
	s8 =	sadd.s32 $0x60, s21;
	s10 =	smul.u32 @!p1 $0x14, s1  }
0xd3: {  	[hbm4b:s30+s3] =	stream.linear.scatter [tilespmem:s24], [sflag:$0x5], $0x40, $0x38;
	[tilespmem:$0x15E00] =	vst v63  }
0xd4: {  	s9 =	sadd.s32 $0xABF8, s20;
	s1 =	sshll.u32 @!p1 s1, $0x6;
	s0 =	ssub.s32 @!p1 s0, s10  }
0xd5: {  	[hbm4b:s8+s3] =	stream.linear.scatter [tilespmem:s31], [sflag:$0x5], $0x40, $0x38;
	[tilespmem:$0x15E00] =	vst v63  }
0xd6: {  	s20 =	sadd.s32 $0x70, s21;
	s1 =	sadd.s32 @!p1 s4, s1;
	s0 =	smul.u32 @!p1 $0x28000, s0  }
0xd7: {  	[hbm4b:s20+s3] =	stream.linear.scatter [tilespmem:s9], [sflag:$0x5], $0x40, $0x38;
	[tilespmem:$0x15E00] =	vst v63  }
0xd8: {  	s0 =	sadd.s32 @!p1 s0, s1  }
0xd9: {  	s8 =	simm.s32 @!p1 $0x4000;
	s0 =	sshrl.u32 @!p1 s0, $0x3  }
0xda: {  	s1 =	simm.s32 @!p1 $0x40;
	s9 =	simm.s32 @!p1 $0x0;
	s0 =	sadd.s32 @!p1 s5, s0  }
0xdb: {  	[tilespmem:s9], [sflag:$0x1] =	stream.strided.gather @!p1 [hbm4b:s0+s1], $0x280, s8, s1, $0x38;
	[tilespmem:$0x15E00] =	vst v63  }
0xdc: {  	_ =	swait.ge [sflag:s26], $0x280  }
0xdd: {  	[sflag:s26] =	ssyncset.done $0x0  }
0xde: {  	[sflag:s26] =	ssyncadd.s32 $0xFFFFFD80  }
0xdf: {  	v17 =	vld [tilespmem:$0x280]  }
0xe0: {  	v18 =	vld [tilespmem:$0x290]  }
0xe1: {  	v19 =	vld [tilespmem:$0x2A0]  }
0xe2: {  	v20 =	vld [tilespmem:$0x2B0]  }
0xe3: {  	v21 =	vld [tilespmem:$0x2C0]  }
0xe4: {  	[tilespmem:$0x780] =	vst v17;
	v17 =	vld [tilespmem:$0x2D0]  }
0xe5: {  	[tilespmem:$0x790] =	vst v18;
	v18 =	vld [tilespmem:$0x2E0]  }
0xe6: {  	[tilespmem:$0x7A0] =	vst v19;
	v19 =	vld [tilespmem:$0x2F0]  }
0xe7: {  	[tilespmem:$0x7B0] =	vst v20;
	v20 =	vld [tilespmem:$0x300]  }
0xe8: {  	[tilespmem:$0x7C0] =	vst v21;
	v21 =	vld [tilespmem:$0x310]  }
0xe9: {  	[tilespmem:$0x7D0] =	vst v17;
	v17 =	vld [tilespmem:$0x320]  }
0xea: {  	[tilespmem:$0x7E0] =	vst v18;
	v18 =	vld [tilespmem:$0x330]  }
0xeb: {  	[tilespmem:$0x7F0] =	vst v19;
	v19 =	vld [tilespmem:$0x340]  }
0xec: {  	[tilespmem:$0x800] =	vst v20;
	v20 =	vld [tilespmem:$0x350]  }
0xed: {  	[tilespmem:$0x810] =	vst v21;
	v21 =	vld [tilespmem:$0x360]  }
0xee: {  	[tilespmem:$0x820] =	vst v17;
	v17 =	vld [tilespmem:$0x370]  }
0xef: {  	[tilespmem:$0x830] =	vst v18;
	v18 =	vld [tilespmem:$0x380]  }
0xf0: {  	[tilespmem:$0x840] =	vst v19;
	v19 =	vld [tilespmem:$0x390]  }
0xf1: {  	[tilespmem:$0x850] =	vst v20;
	v20 =	vld [tilespmem:$0x3A0]  }
0xf2: {  	[tilespmem:$0x860] =	vst v21;
	v21 =	vld [tilespmem:$0x3B0]  }
0xf3: {  	[tilespmem:$0x870] =	vst v17;
	v17 =	vld [tilespmem:$0x3C0]  }
0xf4: {  	[tilespmem:$0x880] =	vst v18;
	v18 =	vld [tilespmem:$0x3D0]  }
0xf5: {  	[tilespmem:$0x890] =	vst v19;
	v19 =	vld [tilespmem:$0x3E0]  }
0xf6: {  	[tilespmem:$0x8A0] =	vst v20;
	v20 =	vld [tilespmem:$0x3F0]  }
0xf7: {  	[tilespmem:$0x8B0] =	vst v21;
	v21 =	vld [tilespmem:$0x400]  }
0xf8: {  	[tilespmem:$0x8C0] =	vst v17;
	v17 =	vld [tilespmem:$0x410]  }
0xf9: {  	[tilespmem:$0x8D0] =	vst v18;
	v18 =	vld [tilespmem:$0x420]  }
0xfa: {  	[tilespmem:$0x8E0] =	vst v19;
	v19 =	vld [tilespmem:$0x430]  }
0xfb: {  	[tilespmem:$0x8F0] =	vst v20;
	v20 =	vld [tilespmem:$0x440]  }
0xfc: {  	[tilespmem:$0x900] =	vst v21;
	v21 =	vld [tilespmem:$0x450]  }
0xfd: {  	[tilespmem:$0x910] =	vst v17;
	v17 =	vld [tilespmem:$0x460]  }
0xfe: {  	[tilespmem:$0x920] =	vst v18;
	v18 =	vld [tilespmem:$0x470]  }
0xff: {  	[tilespmem:$0x930] =	vst v19;
	v19 =	vld [tilespmem:$0x480]  }
0x100: {  	[tilespmem:$0x940] =	vst v20;
	v20 =	vld [tilespmem:$0x490]  }
0x101: {  	[tilespmem:$0x950] =	vst v21;
	v21 =	vld [tilespmem:$0x4A0]  }
0x102: {  	[tilespmem:$0x960] =	vst v17;
	v17 =	vld [tilespmem:$0x4B0]  }
0x103: {  	[tilespmem:$0x970] =	vst v18;
	v18 =	vld [tilespmem:$0x4C0]  }
0x104: {  	[tilespmem:$0x980] =	vst v19;
	v19 =	vld [tilespmem:$0x4D0]  }
0x105: {  	[tilespmem:$0x990] =	vst v20;
	v20 =	vld [tilespmem:$0x4E0]  }
0x106: {  	[tilespmem:$0x9A0] =	vst v21;
	v21 =	vld [tilespmem:$0x4F0]  }
0x107: {  	[tilespmem:$0x9B0] =	vst v17  }
0x108: {  	[tilespmem:$0x9C0] =	vst v18  }
0x109: {  	[tilespmem:$0x9D0] =	vst v19  }
0x10a: {  	[tilespmem:$0x9E0] =	vst v20  }
0x10b: {  	s21 =	simm.s32 $0x780;
	s22 =	simm.s32 $0x5A00;
	[tilespmem:$0x9F0] =	vst v21  }
0x10c: {  	[tilespmem:s22], [sflag:$0x4] =	stream.indirect.gather [hbm4b:s6+s14], $0x20, s21, s14, $0xb8;
	[tilespmem:$0x15E00] =	vst v63  }
0x10d: {  	s23 =	simm.s32 $0x800;
	s24 =	simm.s32 $0x6A00  }
0x10e: {  	[tilespmem:s24], [sflag:$0x4] =	stream.indirect.gather [hbm4b:s6+s14], $0x20, s23, s14, $0xb8;
	[tilespmem:$0x15E00] =	vst v63  }
0x10f: {  	s30 =	simm.s32 $0x880;
	s31 =	simm.s32 $0x7A00  }
0x110: {  	[tilespmem:s31], [sflag:$0x4] =	stream.indirect.gather [hbm4b:s6+s14], $0x20, s30, s14, $0xb8;
	[tilespmem:$0x15E00] =	vst v63  }
0x111: {  	s1 =	simm.s32 $0x900;
	s8 =	simm.s32 $0x8A00  }
0x112: {  	[tilespmem:s8], [sflag:$0x4] =	stream.indirect.gather [hbm4b:s6+s14], $0x20, s1, s14, $0xb8;
	[tilespmem:$0x15E00] =	vst v63  }
0x113: {  	s9 =	simm.s32 $0x980  }
0x114: {  	[tilespmem:s12], [sflag:$0x4] =	stream.indirect.gather [hbm4b:s6+s14], $0x20, s9, s14, $0xb8;
	[tilespmem:$0x15E00] =	vst v63  }
0x115: {  	_ =	swait.ge [sflag:s15], $0x1000  }
0x116: {  	[sflag:s15] =	ssyncset.done $0x0  }
0x117: {  	[sflag:s15] =	ssyncadd.s32 $0xFFFFF000  }
0x118: {  	_ =	swait.ge [sflag:s15], $0x1000  }
0x119: {  	[sflag:s15] =	ssyncset.done $0x0  }
0x11a: {  	[sflag:s15] =	ssyncadd.s32 $0xFFFFF000  }
0x11b: {  	_ =	swait.ge [sflag:s15], $0x1000  }
0x11c: {  	s10 =	simm.s32 $0x5;
	[sflag:s15] =	ssyncset.done $0x0  }
0x11d: {  	s0 =	sand.u32 $0x38, s10;
	[sflag:s15] =	ssyncadd.s32 $0xFFFFF000  }
0x11e: {  	v17 =	vmov s0;
	_ =	swait.ge [sflag:s15], $0x1000  }
0x11f: {  	s20 =	simm.s32 $0x3;
	s0 =	simm.s32 @!p0 $0x6;
	v17 =	vshrl.u32 v17, $0x3;
	[sflag:s15] =	ssyncset.done $0x0  }
0x120: {  	s21 =	simm.s32 $0x0;
	s22 =	simm.s32 $0x1;
	v17 =	vshll.u32 v17, v1;
	[sflag:s15] =	ssyncadd.s32 $0xFFFFF000  }
0x121: {  	s23 =	simm.s32 $0x6;
	s24 =	simm.s32 $0x2;
	v17 =	vbroadcast v17, $0x0;
	_ =	swait.ge [sflag:s15], $0x1000  }
0x122: {  	s31 =	simm.s32 $0x7;
	s1 =	sand.u32 $0x38, s20;
	[sflag:s15] =	ssyncset.done $0x0  }
0x123: {  	v23 =	vadd.s32 v11, v17;
	s8 =	sand.u32 $0x38, s21;
	s21 =	simm.s32 $0x8;
	v18 =	vmov s1;
	[sflag:s15] =	ssyncadd.s32 $0xFFFFF000  }
0x124: {  	v26 =	vadd.s32 v12, v17;
	v19 =	vmov s8;
	s1 =	sand.u32 $0x38, s23;
	s8 =	sand.u32 $0x38, s24;
	v18 =	vshrl.u32 v18, $0x3;
	_ =	swait.ge @!p0 [sflag:s0], $0x5000  }
0x125: {  	s23 =	sand.u32 $0x38, s21;
	s9 =	sand.u32 $0x38, s22;
	v19 =	vshrl.u32 v19, $0x3;
	v21 =	vmov s1;
	v22 =	vmov s8;
	[sflag:s0] =	ssyncset.done @!p0 $0x0  }
0x126: {  	s22 =	simm.s32 $0x5AF0;
	s1 =	sand.u32 $0x38, s31;
	v31 =	vmov s23;
	v20 =	vmov s9;
	v18 =	vshll.u32 v18, v1;
	[sflag:s0] =	ssyncadd.s32 @!p0 $0xFFFFB000  }
0x127: {  	v17 =	vshrl.u32 v21, $0x3;
	v25 =	vmov s1;
	v18 =	vbroadcast v18, $0x0;
	v24 =	vld [tilespmem:s22+$0xFFFFFFB0]  }
0x128: {  	v31 =	vshrl.u32 v31, $0x3;
	v17 =	vshll.u32 v17, v1;
	v20 =	vshrl.u32 v20, $0x3;
	v35 =	vld [tilespmem:s22+$0xFFFFFF80]  }
0x129: {  	s24 =	simm.s32 $0xE;
	v20 =	vshll.u32 v20, v1;
	v27 =	vadd.s32 v7, v18;
	v40 =	vadd.s32 v8, v18;
	v28 =	vld [tilespmem:s22+$0xFFFFFFC0]  }
0x12a: {  	s30 =	simm.s32 $0x4;
	s31 =	sand.u32 $0x38, s24;
	v18 =	vshrl.u32 v25, $0x3;
	v25 =	vbroadcast v17, $0x0;
	v48 =	vbroadcast v20, $0x0;
	v29 =	vld [tilespmem:s22+$0xFFFFFF70]  }
0x12b: {  	v19 =	vshll.u32 v19, v1;
	v44 =	vmov s31;
	v37 =	vshll.u32 v31, v1;
	s0 =	sand.u32 $0x38, s30;
	v47 =	vld [tilespmem:s22+$0xFFFFFF30]  }
0x12c: {  	s10 =	simm.s32 $0x9;
	s8 =	simm.s32 $0xB;
	v38 =	vadd.s32 v13, v25;
	v49 =	vadd.s32 v3, v48;
	v21 =	vmov s0;
	v17 =	vld [tilespmem:s22+$0xFFFFFF40]  }
0x12d: {  	s0 =	sand.u32 $0x38, s8;
	v46 =	vld [tilespmem:s22+$0xFFFFFFD0];
	s8 =	sand.u32 $0x38, s10;
	v30 =	vshrl.u32 v21, $0x3;
	v21 =	vbroadcast v19, $0x0;
	v19 =	vshrl.u32 v22, $0x3  }
0x12e: {  	v32 =	vld [tilespmem:s22+$0xFFFFFF10];
	v22 =	vshll.u32 v18, v1;
	v20 =	vmov s0;
	v50 =	vmov s8  }
0x12f: {  	s20 =	simm.s32 $0x0;
	s9 =	simm.s32 $0xD;
	v45 =	vld [tilespmem:s22+$0xFFFFFF20];
	v18 =	vshll.u32 v19, v1;
	v19 =	vadd.s32 v14, v25;
	v22 =	vbroadcast v22, $0x0  }
0x130: {  	s1 =	sand.u32 $0x38, s9;
	v34 =	vld [tilespmem:s22+$0xFFFFFFE0];
	s0 =	smul.u32 $0x2400, s20;
	v30 =	vshll.u32 v30, v1;
	v39 =	vadd.s32 v2, v21;
	v42 =	vbroadcast v18, $0x0  }
0x131: {  	s30 =	simm.s32 $0xA;
	v18 =	vmov s1;
	v43 =	vadd.s32 v0, v21;
	v21 =	vld [tilespmem:s22+$0xFFFFFFA0];
	v30 =	vbroadcast v30, $0x0  }
0x132: {  	v36 =	vshrl.u32 v20, $0x3;
	v63 =	vshrl.u32 v50, $0x3;
	s23 =	sshra.s32 s0, $0x2;
	s1 =	sand.u32 $0x38, s30;
	v25 =	vshrl.u32 v18, $0x3;
	v18 =	vld [tilespmem:s22+$0xFFFFFF50]  }
0x133: {  	s10 =	sor.u32 $0x1, s17;
	s20 =	simm.s32 $0x5BF0;
	v33 =	vmov s1;
	v20 =	vshll.u32 v25, v1;
	v25 =	vld [tilespmem:s22+$0xFFFFFFF0];
	[tilespmem:v23+s23+$0x10400] =	vst.idx.msk $0xffff, v24;
	v31 =	vadd.s32 v10, v30  }
0x134: {  	s9 =	simm.s32 $0xC;
	s24 =	smulhi.u32 $0x66666667, s10;
	v23 =	vshll.u32 v36, v1;
	[tilespmem:v27+s23+$0x10400] =	vst.idx.msk $0xffff, v29;
	v29 =	vshrl.u32 v44, $0x3;
	v24 =	vadd.s32 v6, v42;
	v36 =	vld [tilespmem:s20+$0xFFFFFF80]  }
0x135: {  	s0 =	sand.u32 $0x38, s9;
	v44 =	vadd.s32 v9, v30;
	[tilespmem:v38+s23+$0x10400] =	vst.idx.msk $0xffff, v46;
	v38 =	vld [tilespmem:s20+$0xFFFFFF30];
	v42 =	vadd.s32 v5, v42;
	v41 =	vbroadcast v20, $0x0  }
0x136: {  	s30 =	simm.s32 $0xF;
	v51 =	vmov s0;
	s1 =	sshrl.u32 s24, $0x3;
	v46 =	vshll.u32 v63, v1;
	v20 =	vadd.s32 v16, v22;
	[tilespmem:v26+s23+$0x10400] =	vst.idx.msk $0xffff, v28;
	v26 =	vld [tilespmem:s20+$0xFFFFFFB0]  }
0x137: {  	s31 =	simm.s32 $0x0;
	s0 =	sand.u32 $0x38, s30;
	s1 =	smul.u32 $0x14, s1;
	[tilespmem:v49+s23+$0x10400] =	vst.idx.msk $0xffff, v47;
	v23 =	vbroadcast v23, $0x0;
	v28 =	vadd.s32 v11, v41;
	v27 =	vadd.s32 v12, v41;
	v41 =	vld [tilespmem:s22+$0xFFFFFF90]  }
0x138: {  	v52 =	vmov s0;
	s0 =	smul.u32 $0x2400, s31;
	v53 =	vshll.u32 v29, v1;
	v29 =	vld [tilespmem:s20+$0xFFFFFF70];
	[tilespmem:v40+s23+$0x10400] =	vst.idx.msk $0xffff, v35;
	v35 =	vadd.s32 v4, v48  }
0x139: {  	v40 =	vshrl.u32 v51, $0x3;
	[tilespmem:v43+s23+$0x10400] =	vst.idx.msk $0xffff, v32;
	v32 =	vld [tilespmem:s20+$0xFFFFFFC0];
	v43 =	vadd.s32 v15, v22;
	v30 =	vadd.s32 v7, v23  }
0x13a: {  	s29 =	simm.s32 $0x5CF0;
	s24 =	ssub.s32 s10, s1;
	s28 =	sshra.s32 s0, $0x2;
	v22 =	vadd.s32 v8, v23;
	v23 =	vld [tilespmem:s20+$0xFFFFFF40];
	[tilespmem:v39+s23+$0x10400] =	vst.idx.msk $0xffff, v45;
	v45 =	vshrl.u32 v52, $0x3;
	v39 =	vbroadcast v53, $0x0  }
.LBB2_7:
0x13b: {  	s0 =	sadd.s32 $0x9, s21  }
0x13c: {  	s1 =	sadd.s32 $0xA, s21;
	v37 =	vbroadcast v37, $0x0;
	v33 =	vshrl.u32 v33, $0x3;
	v45 =	vshll.u32 v45, v1;
	v47 =	vld [tilespmem:s22+$0xFFFFFF60];
	[tilespmem:v44+s23+$0x10400] =	vst.idx.msk $0xffff, v41;
	v48 =	vmovc v36;
	s8 =	smov.u32 s21;
	s21 =	sadd.s32 $0x8, s21  }
0x13d: {  	v49 =	vbroadcast v46, $0x0;
	v46 =	vadd.s32 v13, v39;
	s9 =	sadd.s32 $0xB, s8;
	s10 =	sadd.s32 $0xD, s8;
	s30 =	sadd.s32 $0xF, s8;
	v33 =	vshll.u32 v33, v1;
	[tilespmem:v19+s23+$0x10400] =	vst.idx.msk $0xffff, v34;
	v34 =	vld [tilespmem:s22+$0x0]  }
0x13e: {  	s22 =	sadd.s32 $0xE, s8;
	v19 =	vadd.s32 v14, v39;
	s9 =	sand.u32 $0x38, s9;
	s10 =	sand.u32 $0x38, s10;
	v50 =	vadd.s32 v2, v37;
	v51 =	vbroadcast v33, $0x0;
	v52 =	vld [tilespmem:s20+$0xFFFFFFD0];
	[tilespmem:v43+s23+$0x10400] =	vst.idx.msk $0xffff, v25  }
0x13f: {  	s31 =	sand.u32 $0x38, s21;
	s0 =	sand.u32 $0x38, s0;
	s8 =	sadd.s32 $0xC, s8;
	v43 =	vadd.s32 v0, v37;
	v25 =	vmov s9;
	v33 =	vmov s10;
	v39 =	vld [tilespmem:s20+$0xFFFFFF10];
	[tilespmem:v31+s23+$0x10400] =	vst.idx.msk $0xffff, v21;
	v53 =	vmovc v38  }
0x140: {  	s8 =	sand.u32 $0x38, s8;
	v54 =	vadd.s32 v3, v49;
	s9 =	sand.u32 $0x38, s22;
	s10 =	sand.u32 $0x38, s30;
	v38 =	vbroadcast v45, $0x0;
	v31 =	vshrl.u32 v33, $0x3;
	[tilespmem:v42+s23+$0x10400] =	vst.idx.msk $0xffff, v18;
	v18 =	vld [tilespmem:s20+$0xFFFFFF50]  }
0x141: {  	v36 =	vshll.u32 v40, v1;
	p0 =	slt.u32 s21, $0x278;
	s22 =	sshrl.u32 s21, $0x6;
	v33 =	vmov s31;
	v42 =	vmov s0;
	s0 =	sand.u32 $0x38, s1;
	v21 =	vld [tilespmem:s20+$0xFFFFFFA0];
	[tilespmem:v28+s28+$0x10400] =	vst.idx.msk $0xffff, v26  }
0x142: {  	v40 =	vbroadcast v36, $0x0;
	s1 =	smul.u32 $0x2400, s22;
	s22 =	smov.u32 s20;
	v26 =	vshrl.u32 v25, $0x3;
	v28 =	vshll.u32 v31, v1;
	[tilespmem:v27+s28+$0x10400] =	vst.idx.msk $0xffff, v32;
	v25 =	vld [tilespmem:s20+$0xFFFFFFF0];
	s20 =	smov.u32 s29  }
0x143: {  	v27 =	vshrl.u32 v33, $0x3;
	v32 =	vbroadcast v28, $0x0;
	v45 =	vld [tilespmem:s22+$0xFFFFFF20];
	[tilespmem:v20+s23+$0x10400] =	vst.idx.msk $0xffff, v34;
	v20 =	vadd.s32 v16, v38  }
0x144: {  	v36 =	vmov s9;
	v31 =	vadd.s32 v10, v40;
	v37 =	vshll.u32 v27, v1;
	v34 =	vld [tilespmem:s22+$0xFFFFFFE0];
	[tilespmem:v24+s23+$0x10400] =	vst.idx.msk $0xffff, v47  }
0x145: {  	v33 =	vmov s0;
	v44 =	vshll.u32 v26, v1;
	v28 =	vadd.s32 v11, v32;
	v26 =	vld [tilespmem:s29+$0xFFFFFFB0];
	[tilespmem:v30+s28+$0x10400] =	vst.idx.msk $0xffff, v29  }
0x146: {  	v27 =	vadd.s32 v12, v32;
	v24 =	vadd.s32 v6, v51;
	v29 =	vshrl.u32 v36, $0x3;
	v41 =	vld [tilespmem:s22+$0xFFFFFF90];
	[tilespmem:v35+s23+$0x10400] =	vst.idx.msk $0xffff, v17;
	s23 =	smov.u32 s28  }
.Ltmp4:
0x147: {  	v47 =	vmov s8;
	v35 =	vbroadcast v44, $0x0;
	v44 =	vadd.s32 v9, v40;
	v17 =	vmovc v23;
	v36 =	vld [tilespmem:s29+$0xFFFFFF80];
	[tilespmem:v43+s23+$0x10400] =	vst.idx.msk $0xffff, v39;
	(pc) =	sbr.rel @p0 .LBB2_7-.Ltmp4, $4  }
0x148: {  	v23 =	vshll.u32 v29, v1;
	v39 =	vmov s10;
	v43 =	vadd.s32 v15, v38;
	v32 =	vld [tilespmem:s29+$0xFFFFFFC0];
	[tilespmem:v50+s23+$0x10400] =	vst.idx.msk $0xffff, v45  }
0x149: {  	v30 =	vadd.s32 v7, v35;
	v35 =	vadd.s32 v8, v35;
	v45 =	vshrl.u32 v39, $0x3;
	v29 =	vld [tilespmem:s29+$0xFFFFFF70];
	[tilespmem:v46+s23+$0x10400] =	vst.idx.msk $0xffff, v52  }
0x14a: {  	v40 =	vshrl.u32 v42, $0x3;
	v42 =	vadd.s32 v5, v51;
	v39 =	vbroadcast v23, $0x0;
	v38 =	vld [tilespmem:s29+$0xFFFFFF30];
	[tilespmem:v22+s23+$0x10400] =	vst.idx.msk $0xffff, v48;
	v22 =	vmovc v35  }
0x14b: {  	s28 =	sshra.s32 s1, $0x2;
	v46 =	vshll.u32 v40, v1;
	v40 =	vshrl.u32 v47, $0x3;
	s29 =	sadd.s32 $0x100, s29;
	v35 =	vadd.s32 v4, v49;
	v23 =	vld [tilespmem:s20+$0xFFFFFF40];
	[tilespmem:v54+s23+$0x10400] =	vst.idx.msk $0xffff, v53  }
0x14c: {  	_ =	sdelay $0x3  }
0x14d: {  	[tilespmem:v44+s23+$0x10400] =	vst.idx.msk $0xffff, v41  }
0x14e: {  	[tilespmem:v19+s23+$0x10400] =	vst.idx.msk $0xffff, v34  }
0x14f: {  	v19 =	vld [tilespmem:s22+$0x0];
	[tilespmem:v43+s23+$0x10400] =	vst.idx.msk $0xffff, v25  }
0x150: {  	v43 =	vld [tilespmem:s22+$0xFFFFFF60];
	[tilespmem:v42+s23+$0x10400] =	vst.idx.msk $0xffff, v18  }
0x151: {  	[tilespmem:v28+s28+$0x10400] =	vst.idx.msk $0xffff, v26  }
0x152: {  	[tilespmem:v35+s23+$0x10400] =	vst.idx.msk $0xffff, v17  }
0x153: {  	v44 =	vbroadcast v37, $0x0;
	[tilespmem:v31+s23+$0x10400] =	vst.idx.msk $0xffff, v21  }
0x154: {  	v49 =	vadd.s32 v13, v39;
	v50 =	vld [tilespmem:s20+$0xFFFFFFD0];
	v17 =	vshrl.u32 v33, $0x3;
	[tilespmem:v27+s28+$0x10400] =	vst.idx.msk $0xffff, v32  }
0x155: {  	v18 =	vld [tilespmem:s20+$0xFFFFFF10];
	v17 =	vshll.u32 v17, v1;
	v47 =	vadd.s32 v0, v44;
	[tilespmem:v30+s28+$0x10400] =	vst.idx.msk $0xffff, v29  }
0x156: {  	v56 =	vadd.s32 v14, v39;
	v57 =	vld [tilespmem:s20+$0xFFFFFFE0];
	v17 =	vbroadcast v17, $0x0;
	[tilespmem:v22+s28+$0x10400] =	vst.idx.msk $0xffff, v36  }
0x157: {  	v48 =	vld [tilespmem:s20+$0xFFFFFF20];
	v51 =	vshll.u32 v40, v1;
	v21 =	vadd.s32 v2, v44;
	[tilespmem:v20+s23+$0x10400] =	vst.idx.msk $0xffff, v19  }
0x158: {  	v61 =	vld [tilespmem:s20+$0xFFFFFF50];
	v52 =	vbroadcast v51, $0x0;
	v62 =	vadd.s32 v5, v17;
	[tilespmem:v24+s23+$0x10400] =	vst.idx.msk $0xffff, v43  }
0x159: {  	v53 =	vshll.u32 v45, v1;
	v63 =	vld [tilespmem:s20+$0xFFFFFF60];
	v17 =	vadd.s32 v6, v17;
	v19 =	vbroadcast v46, $0x0;
	[tilespmem:v49+s28+$0x10400] =	vst.idx.msk $0xffff, v50  }
0x15a: {  	v55 =	vld [tilespmem:s20+$0xFFFFFF90];
	v25 =	vbroadcast v53, $0x0;
	[tilespmem:v47+s28+$0x10400] =	vst.idx.msk $0xffff, v18;
	v18 =	vadd.s32 v9, v52  }
0x15b: {  	[tilespmem:v56+s28+$0x10400] =	vst.idx.msk $0xffff, v57;
	v54 =	vadd.s32 v3, v19  }
0x15c: {  	v58 =	vld [tilespmem:s20+$0xFFFFFFF0];
	v59 =	vadd.s32 v15, v25;
	[tilespmem:v21+s28+$0x10400] =	vst.idx.msk $0xffff, v48  }
0x15d: {  	v60 =	vld [tilespmem:s20+$0xFFFFFFA0];
	v24 =	vadd.s32 v10, v52;
	[tilespmem:v62+s28+$0x10400] =	vst.idx.msk $0xffff, v61  }
0x15e: {  	v19 =	vadd.s32 v4, v19;
	[tilespmem:v17+s28+$0x10400] =	vst.idx.msk $0xffff, v63  }
0x15f: {  	s0 =	smul.u32 $0x500000, s24;
	v25 =	vadd.s32 v16, v25;
	[tilespmem:v18+s28+$0x10400] =	vst.idx.msk $0xffff, v55;
	v18 =	vld [tilespmem:s20+$0x0]  }
0x160: {  	[tilespmem:v54+s28+$0x10400] =	vst.idx.msk $0xffff, v38  }
0x161: {  	s0 =	sadd.s32 s0, s19;
	[tilespmem:v59+s28+$0x10400] =	vst.idx.msk $0xffff, v58  }
0x162: {  	s0 =	sor.u32 s18, s0;
	[tilespmem:v24+s28+$0x10400] =	vst.idx.msk $0xffff, v60  }
0x163: {  	s0 =	sshrl.u32 s0, $0x3;
	[tilespmem:v19+s28+$0x10400] =	vst.idx.msk $0xffff, v23  }
0x164: {  	s1 =	simm.s32 $0x10400;
	s0 =	sadd.s32 s2, s0;
	[tilespmem:v25+s28+$0x10400] =	vst.idx.msk $0xffff, v18  }
0x165: {  	[hbm4b:s0+s3] =	stream.linear.scatter [tilespmem:s1], [sflag:$0x6], $0x40, $0x38;
	[tilespmem:$0x15E00] =	vst v63  }
0x166: {  	s18 =	simm.s32 $0x10448;
	s8 =	sadd.s32 $0x10, s0  }
0x167: {  	[hbm4b:s8+s3] =	stream.linear.scatter [tilespmem:s18], [sflag:$0x6], $0x40, $0x38;
	[tilespmem:$0x15E00] =	vst v63  }
0x168: {  	s21 =	simm.s32 $0x104D8;
	s19 =	simm.s32 $0x10490;
	s20 =	sadd.s32 $0x20, s0  }
0x169: {  	[hbm4b:s20+s3] =	stream.linear.scatter [tilespmem:s19], [sflag:$0x6], $0x40, $0x38;
	[tilespmem:$0x15E00] =	vst v63  }
0x16a: {  	s30 =	simm.s32 $0x105B0;
	s23 =	simm.s32 $0x10520;
	s22 =	sadd.s32 $0x30, s0  }
0x16b: {  	[hbm4b:s22+s3] =	stream.linear.scatter [tilespmem:s21], [sflag:$0x6], $0x40, $0x38;
	[tilespmem:$0x15E00] =	vst v63  }
0x16c: {  	s24 =	sadd.s32 $0x40, s0;
	s29 =	sadd.s32 $0x50, s0;
	s31 =	sadd.s32 $0x60, s0  }
0x16d: {  	[hbm4b:s24+s3] =	stream.linear.scatter [tilespmem:s23], [sflag:$0x6], $0x40, $0x38;
	[tilespmem:$0x15E00] =	vst v63  }
0x16e: {  	s28 =	simm.s32 $0x10568;
	s18 =	simm.s32 $0x240;
	s20 =	simm.s32 $0x1200  }
0x16f: {  	[hbm4b:s29+s3] =	stream.linear.scatter [tilespmem:s28], [sflag:$0x6], $0x40, $0x38;
	[tilespmem:$0x15E00] =	vst v63  }
0x170: {  	s19 =	sadd.s32 $0x4000, s0;
	s21 =	simm.s32 $0x105F8;
	s22 =	sadd.s32 $0x70, s0  }
0x171: {  	[hbm4b:s31+s3] =	stream.linear.scatter [tilespmem:s30], [sflag:$0x6], $0x40, $0x38;
	[tilespmem:$0x15E00] =	vst v63  }
.LBB2_9:
0x172: {  	[hbm4b:s22+s3] =	stream.linear.scatter [tilespmem:s21], [sflag:$0x6], $0x40, $0x38;
	[tilespmem:$0x15E00] =	vst v63  }
0x173: {  	s0 =	smov.u32 s18;
	s1 =	smov.u32 s20  }
0x174: {  	s18 =	sshra.s32 s1, $0x2;
	s1 =	sadd.s32 $0x900, s20;
	s8 =	sadd.s32 $0x10400, s0  }
0x175: {  	[hbm4b:s19+s3] =	stream.linear.scatter [tilespmem:s8], [sflag:$0x6], $0x40, $0x38;
	[tilespmem:$0x15E00] =	vst v63  }
0x176: {  	p0 =	sne.s32 s20, $0x15F00;
	s9 =	sadd.s32 $0x10, s19;
	s8 =	sadd.s32 $0x10448, s0  }
0x177: {  	[hbm4b:s9+s3] =	stream.linear.scatter [tilespmem:s8], [sflag:$0x6], $0x40, $0x38;
	[tilespmem:$0x15E00] =	vst v63  }
0x178: {  	s8 =	sadd.s32 $0x10490, s0;
	s9 =	sadd.s32 $0x20, s19  }
0x179: {  	[hbm4b:s9+s3] =	stream.linear.scatter [tilespmem:s8], [sflag:$0x6], $0x40, $0x38;
	[tilespmem:$0x15E00] =	vst v63  }
0x17a: {  	s8 =	sadd.s32 $0x104D8, s0;
	s9 =	sadd.s32 $0x30, s19  }
0x17b: {  	[hbm4b:s9+s3] =	stream.linear.scatter [tilespmem:s8], [sflag:$0x6], $0x40, $0x38;
	[tilespmem:$0x15E00] =	vst v63  }
0x17c: {  	s8 =	sadd.s32 $0x10520, s0;
	s9 =	sadd.s32 $0x40, s19  }
0x17d: {  	[hbm4b:s9+s3] =	stream.linear.scatter [tilespmem:s8], [sflag:$0x6], $0x40, $0x38;
	[tilespmem:$0x15E00] =	vst v63  }
.Ltmp5:
0x17e: {  	s8 =	sadd.s32 $0x10568, s0;
	s9 =	sadd.s32 $0x50, s19;
	(pc) =	sbr.rel @p0 .LBB2_9-.Ltmp5, $4  }
0x17f: {  	[hbm4b:s9+s3] =	stream.linear.scatter [tilespmem:s8], [sflag:$0x6], $0x40, $0x38;
	[tilespmem:$0x15E00] =	vst v63  }
0x180: {  	s22 =	sadd.s32 $0x70, s19;
	s8 =	sadd.s32 $0x105B0, s0;
	s9 =	sadd.s32 $0x60, s19  }
0x181: {  	[hbm4b:s9+s3] =	stream.linear.scatter [tilespmem:s8], [sflag:$0x6], $0x40, $0x38;
	[tilespmem:$0x15E00] =	vst v63  }
0x182: {  	s21 =	sadd.s32 $0x105F8, s0;
	s20 =	smov.u32 s1;
	s19 =	sadd.s32 $0x4000, s19  }
0x183: {  	[hbm4b:s22+s3] =	stream.linear.scatter [tilespmem:s21], [sflag:$0x6], $0x40, $0x38;
	[tilespmem:$0x15E00] =	vst v63  }
0x184: {  	s0 =	sadd.s32 $0x10400, s18  }
0x185: {  	[hbm4b:s19+s3] =	stream.linear.scatter [tilespmem:s0], [sflag:$0x6], $0x40, $0x38;
	[tilespmem:$0x15E00] =	vst v63  }
0x186: {  	s31 =	sadd.s32 $0x10448, s18;
	s1 =	sadd.s32 $0x10, s19  }
0x187: {  	[hbm4b:s1+s3] =	stream.linear.scatter [tilespmem:s31], [sflag:$0x6], $0x40, $0x38;
	[tilespmem:$0x15E00] =	vst v63  }
0x188: {  	s8 =	sadd.s32 $0x10490, s18;
	s9 =	sadd.s32 $0x20, s19  }
0x189: {  	[hbm4b:s9+s3] =	stream.linear.scatter [tilespmem:s8], [sflag:$0x6], $0x40, $0x38;
	[tilespmem:$0x15E00] =	vst v63  }
0x18a: {  	s10 =	sadd.s32 $0x104D8, s18;
	s20 =	sadd.s32 $0x30, s19  }
0x18b: {  	[hbm4b:s20+s3] =	stream.linear.scatter [tilespmem:s10], [sflag:$0x6], $0x40, $0x38;
	[tilespmem:$0x15E00] =	vst v63  }
0x18c: {  	s21 =	sadd.s32 $0x10520, s18;
	s22 =	sadd.s32 $0x40, s19  }
0x18d: {  	[hbm4b:s22+s3] =	stream.linear.scatter [tilespmem:s21], [sflag:$0x6], $0x40, $0x38;
	[tilespmem:$0x15E00] =	vst v63  }
0x18e: {  	s23 =	sadd.s32 $0x10568, s18;
	s24 =	sadd.s32 $0x50, s19  }
0x18f: {  	[hbm4b:s24+s3] =	stream.linear.scatter [tilespmem:s23], [sflag:$0x6], $0x40, $0x38;
	[tilespmem:$0x15E00] =	vst v63  }
.Ltmp6:
0x190: {  	_ = 	snop;
	(pc) =	sbr.rel @p1 .LBB2_12-.Ltmp6, $4  }
0x191: {  	s28 =	sadd.s32 $0x105B0, s18;
	s29 =	sadd.s32 $0x60, s19  }
0x192: {  	[hbm4b:s29+s3] =	stream.linear.scatter [tilespmem:s28], [sflag:$0x6], $0x40, $0x38;
	[tilespmem:$0x15E00] =	vst v63  }
0x193: {  	s30 =	sadd.s32 $0x105F8, s18;
	s31 =	sadd.s32 $0x70, s19  }
0x194: {  	[hbm4b:s31+s3] =	stream.linear.scatter [tilespmem:s30], [sflag:$0x6], $0x40, $0x38;
	[tilespmem:$0x15E00] =	vst v63  }
0x195: {  	s0 =	sadd.s32 $0x3, s17  }
0x196: {  	s1 =	smulhi.u32 $0x66666667, s0;
	_ =	sdelay $0x1  }
0x197: {  	s1 =	sshrl.u32 s1, $0x3  }
0x198: {  	s8 =	smul.u32 $0x14, s1;
	_ =	sdelay $0x1  }
0x199: {  	s0 =	ssub.s32 s0, s8  }
0x19a: {  	s1 =	sshll.u32 s1, $0x6;
	s0 =	smul.u32 $0x28000, s0  }
.Ltmp7:
0x19b: {  	s1 =	sadd.s32 s4, s1;
	(pc) =	sbr.rel .LBB2_2-.Ltmp7, $4  }
0x19c: {  	s0 =	sadd.s32 s0, s1  }
0x19d: {  	s0 =	sshrl.u32 s0, $0x3  }
0x19e: {  	s31 =	simm.s32 $0x280;
	s16 =	sadd.s32 $0x1, s16;
	s0 =	sadd.s32 s5, s0  }
0x19f: {  	[tilespmem:s31], [sflag:$0x2] =	stream.strided.gather [hbm4b:s0+s11], $0x280, s7, s11, $0x38;
	[tilespmem:$0x15E00] =	vst v63  }
.LBB2_13:
0x1a0: {  	_ =	sfence.sel $0x180000  }
0x1a1: {  	[bflag:$0x0] =	sbarrier.arrive $0xFFFF  }
0x1a2: {  	_ =	strace $0x9000004A  }
0x1a3: {  	s0 =	stileid.u32;
	[bflag:$0x2] =	sbarrier.arrive $0xFFFF  }
0x1a4: {  	p0 =	sne.s32 s0, $0x0;
	s0 =	rddreg [dreg:$0x2]  }
0x1a5: {  	s0 =	sadd.s32 @!p0 $0x100000, s0  }
0x1a6: {  	[sflag:s0] =	ssyncadd.tile.s32 @!p0 $0x1;
	_ =	shalt  }
.Lfunc_end2:
_tile_overlayer_lowered:
.L_overlay_start_2:
0x1a7: {  	(tag) =	ssettag $0x2  }
0x1a8: {  	s0 =	rddreg [dreg:$0x0];
	s2 =	stileid.u32  }
0x1a9: {  	s1 =	rddreg [dreg:$0x1];
	p0 =	sne.s32 s2, $0x0  }
0x1aa: {  	s3 =	rddreg [dreg:$0x2];
	[bflag:$0x3] =	sbarrier.arrive $0xFFFF;
	s2 =	simm.s32 @!p0 $0x1C07  }
0x1ab: {  	[timem:s3], [sflag:s2] =	dma.local @!p0 [hbm:s0], s1  }
0x1ac: {  	s0 =	simm.s32 @!p0 $0x7  }
0x1ad: {  	_ =	swait.ge @!p0 [sflag:s0], s1  }
0x1ae: {  	s1 =	ssub.s32 @!p0 $0x0, s1;
	[sflag:s0] =	ssyncset.done @!p0 $0x0  }
0x1af: {  	[sflag:s0] =	ssyncadd.s32 @!p0 s1  }
0x1b0: {  	[bflag:$0x3] =	sbarrier.arrive $0xFFFF  }
0x1b1: {  	_ =	shalt  }

// kernel: sparse-core-data-format-call.cloned.1.call-start
scs
called_computation_lowered:
.L_overlay_start_0:
0x0: {  	s2 =	sld [smem:$0x3FD9]  }
0x1: {  	s3 =	sld [smem:$0x3FFE];
	_ =	sdelay $0x1  }
0x2: {  	s1 =	srdreg.scid  }
0x3: {  	s0 =	sand.u32 $0x1, s1  }
0x4: {  	s18 =	sshll.u32 s0, $0xA;
	s2 =	sadd.s32 s3, s2  }
0x5: {  	s2 =	sadd.s32 s2, s18  }
0x6: {  	[smem:$0x3FC5] =	sst s2  }
0x7: {  	_ = 	snop  }
0x8: {  	s2 =	sld [smem:$0x3FD0];
	(tm) =	ssettm $0x1  }
0x9: {  	s19 =	sld [smem:$0x3FFB];
	_ =	sdelay $0x3  }
0xa: {  	_ =	strace s19  }
0xb: {  	s3 =	sld [smem:$0x3FFC];
	_ =	sdelay $0x3  }
0xc: {  	_ =	strace s3  }
0xd: {  	s3 =	sld [smem:$0x3FFD];
	_ =	sdelay $0x3  }
0xe: {  	_ =	strace s3  }
0xf: {  	_ =	strace $0x8FFFFFFF  }
0x10: {  	s20 =	sld [smem:$0x3FDB];
	_ =	sdelay $0x1  }
0x11: {  	s4 =	simm.s32 $_scs_section_size  }
0x12: {  	s5 =	simm.s32 $_size__tile_overlayer_lowered;
	s6 =	simm.s32 $_tile_overlayer_lowered  }
0x13: {  	s23 =	simm.s32 $0x1BFF;
	s22 =	sshll.u32 s6, $0x1;
	s3 =	sadd.s32 s4, s20  }
0x14: {  	s7 =	simm.s32 $0x0;
	s21 =	sshll.u32 s5, $0x1;
	s5 =	sadd.s32 s22, s3  }
0x15: {  	[timem:s7], [sflag:s23] =	dma.local [hbm:s5], s21  }
0x16: {  	_ =	swait.ge [sflag:s23], s21  }
0x17: {  	s4 =	ssub.s32 $0x0, s21;
	[sflag:s23] =	ssyncset.done $0x0  }
0x18: {  	[sflag:s23] =	ssyncadd.s32 s4;
	_ =	sdelay $0x1  }
0x19: {  	s24 =	simm.s32 $0x1B8B  }
0x1a: {  	_ =	swait.ge [sflag:s24], $0x1  }
0x1b: {  	[sflag:s24] =	ssyncset.done $0x0  }
0x1c: {  	s26 =	simm.s32 $0x1B8E;
	s25 =	sld [smem:$0x3FFE];
	[sflag:s24] =	ssyncadd.s32 $0xFFFFFFFF  }
0x1d: {  	s27 =	simm.s32 $execute0_lowered;
	[smem:$0x3FD2] =	sst s26  }
0x1e: {  	s5 =	sshll.u32 s27, $0x1;
	_ =	strace $0x80000046;
	[dreg:$0x1] =	wrdreg $0xFFFFFFFF  }
0x1f: {  	s28 =	simm.s32 $_size_execute0_lowered;
	s3 =	sadd.s32 s3, s5;
	[dreg:$0x0] =	wrdreg $0x0  }
0x20: {  	s5 =	sshll.u32 s28, $0x1;
	[dreg:$0x2] =	wrdreg s3  }
0x21: {  	[dreg:$0x3] =	wrdreg s5  }
0x22: {  	[dreg:$0x4] =	wrdreg $0xC0  }
0x23: {  	_ =	task [dreg:s7], $0x5FFFF  }
0x24: {  	[dreg:$0x1] =	wrdreg $0xFFFFFFFF  }
0x25: {  	[dreg:$0x0] =	wrdreg $0x60  }
0x26: {  	[dreg:$0x2] =	wrdreg s2  }
0x27: {  	[dreg:$0x3] =	wrdreg s25  }
0x28: {  	[dreg:$0x4] =	wrdreg $0x9  }
0x29: {  	_ =	task.clear_ibuf [dreg:s7], $0x5FFFF;
	_ =	strace $0x90000046  }
0x2a: {  	s29 =	simm.s32 $0x9;
	_ =	strace $0x80000048  }
0x2b: {  	_ =	swait.ge [sflag:s29], $0x1  }
0x2c: {  	[sflag:s29] =	ssyncadd.s32 $0xFFFFFFFF  }
0x2d: {  	_ =	strace $0x90000048  }
0x2e: {  	_ =	sfence  }
0x2f: {  	s30 =	sld [smem:$0x0];
	_ =	sdelay $0x2  }
0x30: {  	s31 =	sshll.u32 s1, $0xD;
	s1 =	sshrl.u32 s1, $0x2  }
0x31: {  	s3 =	sand.u32 $0x4000, s31;
	s1 =	sadd.s32 s1, s30  }
0x32: {  	s0 =	sor.u32 s3, s0;
	s1 =	sshll.u32 s1, $0x11  }
0x33: {  	s0 =	sor.u32 s1, s0  }
0x34: {  	s0 =	sadd.s32 $0x8F2B, s0  }
0x35: {  	[sflag:s0] =	ssyncadd.remote.s32 $0x1  }
0x36: {  	_ =	sfence.sel $0xFFFF  }
0x37: {  	[dreg:$0x0] =	wrdreg $0xFFFFFFFF;
	(pc) =	sbr.abs _section_cstart, $3  }
0x38: {  	[dreg:$0x1] =	wrdreg $0xFFFFFFFF  }
0x39: {  	_ =	task.clear_ibuf [dreg:s7], $0x2FFFF;
	_ =	strace $0x9FFFFFFF  }
0x3a: {  	(tm) =	ssettm $0x7FFFFFFF  }
0x3b: {  	_ =	shalt  }
tec
execute0_lowered:
.L_overlay_start_1:
0x0: {  	(tag) =	ssettag $0x1  }
0x1: {  	s0 =	srdreg.scid;
	s2 =	rddreg [dreg:$0x0]  }
0x2: {  	s5 =	rddreg [dreg:$0x1];
	s1 =	stileid.u32  }
0x3: {  	s4 =	simm.s32 $0x1;
	s6 =	simm.s32 $0x2;
	s15 =	simm.s32 $0x0  }
0x4: {  	p0 =	por $0x0, $0x0;
	s8 =	simm.s32 $0x80;
	s0 =	sshll.u32 s0, $0x4  }
0x5: {  	s14 =	simm.s32 $0x0;
	s9 =	simm.s32 $0x0;
	s3 =	sand.u32 $0x10, s0  }
.Ltmp0:
0x6: {  	s10 =	simm.s32 $0x0;
	s3 =	sor.u32 s1, s3;
	(pc) =	sbr.rel .LBB1_1-.Ltmp0, $4  }
0x7: {  	s0 =	rddreg [dreg:$0x2];
	_ =	strace $0x80000047;
	s3 =	sshll.u32 s3, $0x7  }
0x8: {  	s12 =	simm.s32 $0x0;
	[sflag:s4] =	ssyncpa.u1 $0x0;
	s7 =	ssub.s32 $0xF4200, s3  }
0x9: {  	s13 =	simm.s32 $0x0;
	[sflag:s6] =	ssyncpa.u1 $0x0;
	s6 =	sshrl.u32 s7, $0xC  }
0xa: {  	s5 =	sadd.s32 $0xA00, s5;
	s11 =	smov.u32 s3;
	s7 =	sadd.s32 $0x2, s6  }
.LBB1_5:
0xb: {  	p1 =	slt.u32 s13, $0x2  }
0xc: {  	s17 =	smov.u32 s15;
	p2 =	sgt.s32 @!p1 s15, $0xF41C0;
	s16 =	sshra.s32 @!p1 s15, $0x1F  }
0xd: {  	p3 =	sgt.s32 @!p1 s14, $0x60;
	s18 =	sshra.s32 @!p1 s14, $0x1F;
	p2 =	por !p2, p1  }
0xe: {  	s15 =	sand.u32 @!p1 s16, s15;
	p3 =	por !p3, p1;
	s16 =	smov.u32 s14  }
0xf: {  	s14 =	sand.u32 @!p1 s18, s14;
	s17 =	simm.s32 @p2 $0xF41C0;
	s16 =	simm.s32 @p3 $0x60  }
0x10: {  	s15 =	ssub.s32 @!p1 s17, s15;
	s14 =	ssub.s32 @!p1 s16, s14  }
0x11: {  	s18 =	smov.u32 s12;
	s16 =	sadd.s32 @!p1 $0xFFF0BE40, s15;
	s17 =	sadd.s32 @!p1 $0xFFFFFFA0, s14  }
0x12: {  	s15 =	ssub.s32 @!p1 $0xF4240, s15;
	p2 =	sgt.s32 @!p1 s16, $0x7F;
	p3 =	sgt.s32 @!p1 s17, $0x1F  }
0x13: {  	s14 =	ssub.s32 @!p1 $0x80, s14;
	p2 =	por !p2, p1;
	p3 =	por !p3, p1  }
0x14: {  	s16 =	sadd.s32 $0x1000, s11;
	s15 =	simm.s32 @!p2 $0x0;
	s14 =	simm.s32 @!p3 $0x0  }
0x15: {  	p2 =	sgt.s32 s16, $0xF423F;
	s14 =	smul.u32 @!p1 s14, s15;
	s15 =	sadd.s32 $0x20, s12  }
0x16: {  	s18 =	smov.u32 @p2 s15  }
0x17: {  	s16 =	smov.u32 @p2 s3;
	p2 =	sgt.s32 s18, $0x1F  }
0x18: {  	s18 =	simm.s32 @p2 $0x0;
	p2 =	sne.s32 s13, s7  }
.Ltmp1:
0x19: {  	p0 =	por !p0, !p0;
	s17 =	simm.s32 @!p1 $0x2;
	(pc) =	sbr.rel @!p2 .LBB1_6-.Ltmp1, $4  }
0x1a: {  	s15 =	smov.u32 s9;
	s9 =	smov.u32 s11;
	s14 =	sand.u32 @!p1 $0x3FFFFFFF, s14  }
0x1b: {  	s11 =	smov.u32 s16;
	_ =	swait.ge @!p1 [sflag:s17], s14;
	s19 =	ssub.s32 @!p1 $0x0, s14  }
0x1c: {  	s14 =	smov.u32 s10;
	s13 =	sadd.s32 $0x1, s13;
	[sflag:s17] =	ssyncset.done @!p1 $0x0  }
0x1d: {  	s10 =	smov.u32 s12;
	s12 =	smov.u32 s18;
	[sflag:s17] =	ssyncadd.s32 @!p1 s19  }
.LBB1_1:
0x1e: {  	p1 =	sgt.u32 s13, s6  }
0x1f: {  	s16 =	sshrl.u32 @!p1 s12, $0x3  }
0x20: {  	s17 =	sshll.u32 @!p1 s11, $0x3;
	s16 =	smul.u32 @!p1 $0x7A1400, s16  }
0x21: {  	s18 =	sshll.u32 @!p1 s12, $0x7;
	s17 =	sand.u32 @!p1 $0xFFFFFC00, s17  }
0x22: {  	s16 =	sadd.s32 @!p1 s16, s17;
	s17 =	sand.u32 @!p1 $0x380, s18  }
0x23: {  	s18 =	sand.u32 @!p1 $0x7F, s11;
	s16 =	sor.u32 @!p1 s17, s16  }
0x24: {  	s17 =	sor.u32 @!p1 s18, s16  }
0x25: {  	s18 =	smulhi.u32 @!p1 $0x218D6287, s17;
	_ =	sdelay $0x1  }
0x26: {  	s16 =	smulhi.u32 @!p1 $0x218D6287, s16;
	s18 =	sshrl.u32 @!p1 s18, $0x11  }
0x27: {  	s18 =	smul.u32 @!p1 $0xF4280, s18  }
0x28: {  	s19 =	sxor.u32 @!p1 $0xFFFFFFFF, s13;
	s16 =	sshrl.u32 @!p1 s16, $0x11  }
0x29: {  	s19 =	sshll.u32 @!p1 s19, $0xC;
	s16 =	sand.u32 @!p1 $0x1F, s16;
	s17 =	ssub.s32 @!p1 s17, s18  }
0x2a: {  	s16 =	smul.u32 @!p1 $0x1E850, s16;
	s18 =	sshrl.u32 @!p1 s17, $0x3;
	s17 =	sand.u32 @!p1 $0x7, s17  }
0x2b: {  	s19 =	sand.u32 @!p1 $0x1000, s19;
	s18 =	sadd.s32 @!p1 s2, s18;
	s17 =	sshll.u32 @!p1 s17, $0x12  }
0x2c: {  	s16 =	sadd.s32 @!p1 s16, s18;
	s17 =	sor.u32 @!p1 $0x400, s17;
	s18 =	simm.s32 @!p1 $0x7A1400  }
0x2d: {  	[tilespmem:s19], [sflag:$0x1] =	stream.strided.gather @!p1 [hbm4b:s16+s17], $0x1000, s18, s17, $0x38;
	[tilespmem:$0x4100] =	vst v63  }
0x2e: {  	p1 =	seq.s32 s13, $0x0  }
0x2f: {  	p2 =	sge.u32 @!p1 s13, s7  }
0x30: {  	p1 =	por p1, p2  }
.Ltmp2:
0x31: {  	_ = 	snop;
	(pc) =	sbr.rel @p1 .LBB1_5-.Ltmp2, $1  }
0x32: {  	_ =	sdelay $0x3  }
0x33: {  	s16 =	simm.s32 $0x1  }
0x34: {  	_ =	swait.ge [sflag:s4], $0x1000;
	s16 =	simm.s32 @!p0 $0x0  }
0x35: {  	[sflag:s4] =	ssyncset.done $0x0;
	s17 =	sshll.u32 s16, $0xC  }
0x36: {  	[sflag:s4] =	ssyncadd.s32 $0xFFFFF000;
	s17 =	sor.u32 $0x40, s17  }
0x37: {  	s16 =	smul.u32 $0x4200, s16;
	v0 =	vld [tilespmem:s17+$0x30]  }
0x38: {  	v1 =	vld [tilespmem:s17+$0xFFFFFFD0]  }
0x39: {  	s16 =	sshrl.u32 s16, $0x2;
	v5 =	vld [tilespmem:s17+$0xFFFFFFE0]  }
0x3a: {  	v6 =	vld [tilespmem:s17+$0xFFFFFFF0];
	s19 =	sor.u32 $0x2000, s16  }
0x3b: {  	s31 =	sand.u32 $0x1, s13;
	v4 =	vld [tilespmem:s17+$0x0];
	s18 =	sadd.s32 $0x0, s19  }
0x3c: {  	v3 =	vld [tilespmem:s17+$0x10];
	s16 =	smul.u32 $0x4200, s31;
	[tilespmem:s18+$0xE70 ss:$0x21] =	vst.msk $0xffff, v0  }
0x3d: {  	v2 =	vld [tilespmem:s17+$0x20];
	[tilespmem:s18+$0x210 ss:$0x21] =	vst.msk $0xffff, v1  }
0x3e: {  	s16 =	sshrl.u32 s16, $0x2;
	v1 =	vld [tilespmem:s17+$0xFFFFFFC0];
	[tilespmem:s18+$0x420 ss:$0x21] =	vst.msk $0xffff, v5;
	s17 =	sadd.s32 $0x80, s17  }
0x3f: {  	s20 =	simm.s32 $0x4;
	s21 =	simm.s32 $0x8;
	s16 =	sor.u32 $0x2000, s16;
	[tilespmem:s18+$0x630 ss:$0x21] =	vst.msk $0xffff, v6;
	v0 =	vld [tilespmem:s17+$0x30]  }
.LBB1_3:
0x40: {  	p1 =	sne.s32 s21, $0x7C;
	v5 =	vld [tilespmem:s17+$0xFFFFFFD0];
	[tilespmem:s18+$0x840 ss:$0x21] =	vst.msk $0xffff, v4  }
0x41: {  	v6 =	vld [tilespmem:s17+$0xFFFFFFE0];
	[tilespmem:s18+$0xA50 ss:$0x21] =	vst.msk $0xffff, v3  }
0x42: {  	s22 =	sshra.s32 s20, $0x2;
	s20 =	smov.u32 s21;
	v7 =	vld [tilespmem:s17+$0xFFFFFFF0];
	[tilespmem:s18+$0xC60 ss:$0x21] =	vst.msk $0xffff, v2  }
.Ltmp3:
0x43: {  	v4 =	vld [tilespmem:s17+$0x0];
	[tilespmem:s18+$0x0 ss:$0x21] =	vst.msk $0xffff, v1;
	s18 =	sadd.s32 s22, s19;
	(pc) =	sbr.rel @p1 .LBB1_3-.Ltmp3, $4  }
0x44: {  	v3 =	vld [tilespmem:s17+$0x10];
	[tilespmem:s18+$0xE70 ss:$0x21] =	vst.msk $0xffff, v0  }
0x45: {  	[tilespmem:s18+$0x210 ss:$0x21] =	vst.msk $0xffff, v5;
	v2 =	vld [tilespmem:s17+$0x20]  }
0x46: {  	v1 =	vld [tilespmem:s17+$0xFFFFFFC0];
	[tilespmem:s18+$0x420 ss:$0x21] =	vst.msk $0xffff, v6;
	s17 =	sadd.s32 $0x80, s17  }
0x47: {  	s21 =	sadd.s32 $0x4, s21;
	v0 =	vld [tilespmem:s17+$0x30];
	[tilespmem:s18+$0x630 ss:$0x21] =	vst.msk $0xffff, v7  }
0x48: {  	s21 =	sshll.u32 s9, $0x7;
	s22 =	sshll.u32 s10, $0x3;
	s20 =	sshra.s32 s20, $0x2  }
0x49: {  	p1 =	sgt.s32 s9, $0xF41C0;
	s30 =	sshra.s32 s9, $0x1F;
	s25 =	sshra.s32 s10, $0x1F  }
0x4a: {  	v5 =	vld [tilespmem:s17+$0xFFFFFFD0];
	s28 =	sshrl.u32 s10, $0x3;
	s23 =	sand.u32 $0xFFFFFC00, s21;
	s22 =	sand.u32 $0xFFFFFC00, s22  }
0x4b: {  	[tilespmem:s18+$0x840 ss:$0x21] =	vst.msk $0xffff, v4;
	v58 =	vld [tilespmem:s17+$0xFFFFFFE0];
	s21 =	sand.u32 $0x380, s21;
	s19 =	sadd.s32 s20, s19;
	s22 =	sadd.s32 s22, s23  }
0x4c: {  	v59 =	vld [tilespmem:s17+$0xFFFFFFF0];
	[tilespmem:s18+$0xA50 ss:$0x21] =	vst.msk $0xffff, v3;
	s29 =	sor.u32 s21, s22;
	s21 =	smov.u32 s9;
	s22 =	sand.u32 s30, s9  }
0x4d: {  	v60 =	vld [tilespmem:s17+$0x0];
	[tilespmem:s18+$0xC60 ss:$0x21] =	vst.msk $0xffff, v2;
	s30 =	sand.u32 $0x7, s10;
	s20 =	sshrl.u32 s29, $0x7;
	s21 =	simm.s32 @!p1 $0xF41C0  }
0x4e: {  	v61 =	vld [tilespmem:s17+$0x10];
	[tilespmem:s18+$0x0 ss:$0x21] =	vst.msk $0xffff, v1;
	p1 =	sgt.s32 s10, $0x60;
	s24 =	ssub.s32 s21, s22;
	s21 =	smov.u32 s10  }
0x4f: {  	v62 =	vld [tilespmem:s17+$0x20];
	[tilespmem:s19+$0xE70 ss:$0x21] =	vst.msk $0xffff, v0;
	s31 =	smulhi.u32 $0x218DEF5, s20;
	s22 =	sand.u32 s25, s10;
	s21 =	simm.s32 @!p1 $0x60  }
0x50: {  	v63 =	vld [tilespmem:s17+$0xFFFFFFC0];
	[tilespmem:s19+$0x210 ss:$0x21] =	vst.msk $0xffff, v5;
	s26 =	sadd.s32 $0xFFF0BE40, s24;
	s17 =	ssub.s32 $0xF4240, s24;
	s21 =	ssub.s32 s21, s22  }
0x51: {  	[tilespmem:s19+$0x420 ss:$0x21] =	vst.msk $0xffff, v58;
	s23 =	sshrl.u32 s31, $0xD;
	p1 =	sgt.s32 s26, $0x7F;
	s27 =	sadd.s32 $0xFFFFFFA0, s21  }
0x52: {  	[tilespmem:s19+$0x630 ss:$0x21] =	vst.msk $0xffff, v59;
	s23 =	smul.u32 $0xF4240, s23;
	s18 =	ssub.s32 $0x80, s21;
	p2 =	sgt.s32 s27, $0x1F  }
.Ltmp4:
0x53: {  	[tilespmem:s19+$0x840 ss:$0x21] =	vst.msk $0xffff, v60;
	s17 =	simm.s32 @p1 $0x0;
	s18 =	simm.s32 @p2 $0x0;
	(pc) =	sbr.rel .LBB1_5-.Ltmp4, $4  }
0x54: {  	s29 =	sand.u32 $0xF, s28;
	[tilespmem:s19+$0xA50 ss:$0x21] =	vst.msk $0xffff, v61;
	s20 =	ssub.s32 s20, s23;
	s17 =	smul.u32 s18, s17  }
0x55: {  	[tilespmem:s19+$0xC60 ss:$0x21] =	vst.msk $0xffff, v62;
	s21 =	sshll.u32 s30, $0x12;
	s20 =	sshll.u32 s20, $0x4;
	s18 =	sadd.s32 s5, s29  }
0x56: {  	[tilespmem:s19+$0x0 ss:$0x21] =	vst.msk $0xffff, v63;
	s31 =	sor.u32 $0x20, s21;
	s18 =	sadd.s32 s20, s18;
	s17 =	sand.u32 $0x3FFFFFFF, s17  }
0x57: {  	[hbm4b:s18+s31] =	stream.strided.scatter [tilespmem:s16], [sflag:$0x2], s17, s8, s31, $0x10;
	[tilespmem:$0x4100] =	vst v63  }
.LBB1_6:
0x58: {  	_ =	sfence.sel $0x180000  }
0x59: {  	s2 =	simm.s32 $0x1;
	[bflag:$0x0] =	sbarrier.arrive $0xFFFF  }
0x5a: {  	s31 =	simm.s32 $0x2;
	[sflag:s2] =	ssyncpa.u1 $0x1  }
0x5b: {  	[sflag:s31] =	ssyncpa.u1 $0x1  }
0x5c: {  	p0 =	sne.s32 s1, $0x0;
	_ =	strace $0x90000047  }
0x5d: {  	s0 =	sadd.s32 @!p0 $0x100000, s0;
	[bflag:$0x2] =	sbarrier.arrive $0xFFFF  }
0x5e: {  	[sflag:s0] =	ssyncadd.tile.s32 @!p0 $0x1;
	_ =	shalt  }
.Lfunc_end1:
_tile_overlayer_lowered:
.L_overlay_start_2:
0x5f: {  	(tag) =	ssettag $0x2  }
0x60: {  	s0 =	rddreg [dreg:$0x0];
	s2 =	stileid.u32  }
0x61: {  	s1 =	rddreg [dreg:$0x1];
	p0 =	sne.s32 s2, $0x0  }
0x62: {  	s3 =	rddreg [dreg:$0x2];
	[bflag:$0x3] =	sbarrier.arrive $0xFFFF;
	s2 =	simm.s32 @!p0 $0x1C01  }
0x63: {  	[timem:s3], [sflag:s2] =	dma.local @!p0 [hbm:s0], s1  }
0x64: {  	s0 =	simm.s32 @!p0 $0x1  }
0x65: {  	_ =	swait.ge @!p0 [sflag:s0], s1  }
0x66: {  	s1 =	ssub.s32 @!p0 $0x0, s1;
	[sflag:s0] =	ssyncset.done @!p0 $0x0  }
0x67: {  	[sflag:s0] =	ssyncadd.s32 @!p0 s1  }
0x68: {  	[bflag:$0x3] =	sbarrier.arrive $0xFFFF  }
0x69: {  	_ =	shalt  }

</sc_bundles>
